<compile_context>
chip_gen: v7x
topology: tpu7x:2x2x1
jax: 0.10.2.dev20260603
libtpu: 0.0.44.dev20260713+nightly
codegen_flags: <defaults>
</compile_context>

<pallas_src>
import functools

import jax
import jax.numpy as jnp
from jax import lax
from jax.experimental import pallas as pl
from jax.experimental.pallas import tpu as pltpu
from jax.experimental.pallas import tpu_sc as plsc

NC = 2
NS = 16
NW = NC * NS
C = 128


KI = 8
NBUF = 2


def _sc_scatter_body(trips, n, d, m_hbm, src_hbm, dst_hbm, out_hbm,
                     idx_s0, idx_d0, rows0, sem0, idx_s1, idx_d1, rows1, sem1,
                     agg_sh):
    cid = lax.axis_index("c")
    sid = lax.axis_index("s")
    wid = cid * NS + sid

    def _zrow(i, _):
        def _zlane(j, _):
            rows0[i, pl.ds(j * 16, 16)] = jnp.zeros((16,), jnp.float32)
            return 0
        return lax.fori_loop(0, d // 16, _zlane, 0)
    lax.fori_loop(0, C, _zrow, 0)

    rpt = (n // NS) // 8 * 8
    base = sid * rpt

    def _fill_zeros(b0, cnt):
        nfull, rem = cnt // C, cnt % C
        for k in range(nfull):
            pltpu.sync_copy(rows0, agg_sh.at[pl.ds(b0 + k * C, C)])
        if rem:
            pltpu.sync_copy(rows0.at[pl.ds(0, rem)],
                            agg_sh.at[pl.ds(b0 + nfull * C, rem)])

    _fill_zeros(base, rpt)
    ztail = (n + 8) - rpt * NS
    if ztail:
        @pl.when(sid == NS - 1)
        def _():
            _fill_zeros(NS * rpt, ztail)
    plsc.subcore_barrier()

    chunk0 = wid * trips

    def _pair(g, _):
        offa = (chunk0 + 2 * g) * C
        pltpu.sync_copy(src_hbm.at[pl.ds(offa, C)], idx_s0)
        pltpu.sync_copy(dst_hbm.at[pl.ds(offa, C)], idx_d0)
        cpa = pltpu.async_copy(m_hbm.at[idx_s0], rows0, sem0)
        pltpu.sync_copy(src_hbm.at[pl.ds(offa + C, C)], idx_s1)
        pltpu.sync_copy(dst_hbm.at[pl.ds(offa + C, C)], idx_d1)
        cpb = pltpu.async_copy(m_hbm.at[idx_s1], rows1, sem1)
        cpa.wait()
        pltpu.sync_copy(rows0, agg_sh.at[idx_d0], add=True)
        cpb.wait()
        pltpu.sync_copy(rows1, agg_sh.at[idx_d1], add=True)
        return 0
    lax.fori_loop(0, trips // 2, _pair, 0)

    plsc.subcore_barrier()
    pltpu.sync_copy(agg_sh.at[pl.ds(base, rpt)],
                    out_hbm.at[pl.ds(cid * n + base, rpt)])
    tail = n - rpt * NS
    if tail:
        @pl.when(sid == NS - 1)
        def _():
            pltpu.sync_copy(agg_sh.at[pl.ds(NS * rpt, tail)],
                            out_hbm.at[pl.ds(cid * n + NS * rpt, tail)])


@functools.cache
def _make_sc_scatter(n, e_pad, d):
    assert e_pad % (NW * KI * C) == 0 and n % NS == 0 and d % 16 == 0
    nchunks = e_pad // C
    trips = nchunks // NW
    mesh = plsc.VectorSubcoreMesh(core_axis_name="c", subcore_axis_name="s",
                                  num_cores=NC, num_subcores=NS)
    return pl.kernel(
        functools.partial(_sc_scatter_body, trips, n, d),
        out_type=jax.ShapeDtypeStruct((NC * n, d), jnp.float32),
        mesh=mesh,
        scratch_types=[
            pltpu.VMEM((C,), jnp.int32),
            pltpu.VMEM((C,), jnp.int32),
            pltpu.VMEM((C, d), jnp.float32),
            pltpu.SemaphoreType.DMA,
            pltpu.VMEM((C,), jnp.int32),
            pltpu.VMEM((C,), jnp.int32),
            pltpu.VMEM((C, d), jnp.float32),
            pltpu.SemaphoreType.DMA,
            pltpu.VMEM_SHARED((n + 8, d), jnp.float32),
        ],
    )


def _mm_body(h_ref, w_ref, o_ref):
    o_ref[...] = jnp.dot(h_ref[...], w_ref[...],
                         preferred_element_type=jnp.float32)


def _gru_body(has_next, d, a0_ref, a1_ref, h_ref, wih_ref, whh_ref,
              bih_ref, bhh_ref, wn_ref, ho_ref, mo_ref=None):
    agg = a0_ref[...] + a1_ref[...]
    h = h_ref[...]
    gi = jnp.dot(agg, wih_ref[...], preferred_element_type=jnp.float32) \
        + bih_ref[...]
    gh = jnp.dot(h, whh_ref[...], preferred_element_type=jnp.float32) \
        + bhh_ref[...]
    r = jax.nn.sigmoid(gi[:, :d] + gh[:, :d])
    z = jax.nn.sigmoid(gi[:, d:2 * d] + gh[:, d:2 * d])
    nn = jnp.tanh(gi[:, 2 * d:] + r * gh[:, 2 * d:])
    hn = (1.0 - z) * nn + z * h
    ho_ref[...] = hn
    if has_next:
        mo_ref[...] = jnp.dot(hn, wn_ref[...],
                              preferred_element_type=jnp.float32)


def _transform(h, w, bn):
    n, d = h.shape
    return pl.pallas_call(
        _mm_body,
        grid=(n // bn,),
        in_specs=[pl.BlockSpec((bn, d), lambda i: (i, 0)),
                  pl.BlockSpec((d, d), lambda i: (0, 0))],
        out_specs=pl.BlockSpec((bn, d), lambda i: (i, 0)),
        out_shape=jax.ShapeDtypeStruct((n, d), jnp.float32),
    )(h, w)


def _gru(agg2, h, wih_t, whh_t, bih, bhh, w_next, bn):
    n, d = h.shape
    nb = n // bn
    has_next = w_next is not None
    row = pl.BlockSpec((bn, d), lambda i: (i, 0))
    out_shapes = [jax.ShapeDtypeStruct((n, d), jnp.float32)]
    out_specs = [row]
    if has_next:
        out_shapes.append(jax.ShapeDtypeStruct((n, d), jnp.float32))
        out_specs.append(row)
    res = pl.pallas_call(
        functools.partial(_gru_body, has_next, d),
        grid=(nb,),
        in_specs=[
            pl.BlockSpec((bn, d), lambda i: (i, 0)),
            pl.BlockSpec((bn, d), lambda i: (i + nb, 0)),
            row,
            pl.BlockSpec((d, 3 * d), lambda i: (0, 0)),
            pl.BlockSpec((d, 3 * d), lambda i: (0, 0)),
            pl.BlockSpec((1, 3 * d), lambda i: (0, 0)),
            pl.BlockSpec((1, 3 * d), lambda i: (0, 0)),
            pl.BlockSpec((d, d), lambda i: (0, 0)),
        ],
        out_specs=out_specs,
        out_shape=out_shapes,
    )(agg2, agg2, h, wih_t, whh_t, bih, bhh,
      w_next if has_next else jnp.zeros((d, d), jnp.float32))
    return res if has_next else (res[0], None)


def kernel(x, edge_index, weight, W_ih, W_hh, b_ih, b_hh):
    n, d = x.shape
    e = edge_index.shape[1]
    num_layers = weight.shape[0]
    bn = 1000

    quantum = NW * KI * C
    e_pad = -(-e // quantum) * quantum
    trips = e_pad // C // NW
    pad_dst = n + (jnp.arange(e_pad - e, dtype=jnp.int32) % 8)
    src = jnp.concatenate(
        [edge_index[0], jnp.zeros((e_pad - e,), jnp.int32)])
    dst = jnp.concatenate([edge_index[1], pad_dst])
    src = src.reshape(trips, NW, C).transpose(1, 0, 2).reshape(-1)
    dst = dst.reshape(trips, NW, C).transpose(1, 0, 2).reshape(-1)
    wih_t = W_ih.T
    whh_t = W_hh.T
    bih = b_ih.reshape(1, -1)
    bhh = b_hh.reshape(1, -1)
    sc_scatter = _make_sc_scatter(n, e_pad, d)

    h = x
    m = _transform(h, weight[0], bn)
    for i in range(num_layers):
        agg2 = sc_scatter(m, src, dst)
        w_next = weight[i + 1] if i + 1 < num_layers else None
        h, m = _gru(agg2, h, wih_t, whh_t, bih, bhh, w_next, bn)
    return h

# --- scband reference (transcript-rebuilt; emitter-appended) ---
"""Pipeline reference for scband-ggnn-node-17952963297399 (READ-ONLY COPY).

The authoritative reference and input builder live on the scoring server;
editing this copy changes nothing except your own understanding.
"""

import jax, jax.numpy as jnp
import numpy as np

N = 10000
E = 320000
D = 128
L = 5

def setup_inputs(seed: int = 0) -> dict:
    key = jax.random.key(seed)
    k1, k2, k3, k4, k5, k6, k7 = jax.random.split(key, 7)
    x = jax.random.normal(k1, (N, D), dtype=jnp.float32)
    edge_index = jax.random.randint(k2, (2, E), 0, N, dtype=jnp.int32)
    s = 1.0 / np.sqrt(D)
    weight = jax.random.uniform(k3, (L, D, D), dtype=jnp.float32, minval=-s, maxval=s)
    W_ih = jax.random.uniform(k4, (3 * D, D), dtype=jnp.float32, minval=-s, maxval=s)
    W_hh = jax.random.uniform(k5, (3 * D, D), dtype=jnp.float32, minval=-s, maxval=s)
    b_ih = jax.random.uniform(k6, (3 * D,), dtype=jnp.float32, minval=-s, maxval=s)
    b_hh = jax.random.uniform(k7, (3 * D,), dtype=jnp.float32, minval=-s, maxval=s)
    return {"x": x, "edge_index": edge_index, "weight": weight,
            "W_ih": W_ih, "W_hh": W_hh, "b_ih": b_ih, "b_hh": b_hh}

def _gru_cell(m, h, W_ih, W_hh, b_ih, b_hh):
    gi = m @ W_ih.T + b_ih
    gh = h @ W_hh.T + b_hh
    i_r, i_z, i_n = jnp.split(gi, 3, axis=-1)
    h_r, h_z, h_n = jnp.split(gh, 3, axis=-1)
    r = jax.nn.sigmoid(i_r + h_r)
    z = jax.nn.sigmoid(i_z + h_z)
    n = jnp.tanh(i_n + r * h_n)
    return (1.0 - z) * n + z * h

def reference(x, edge_index, weight, W_ih, W_hh, b_ih, b_hh):
    # GatedGraphConv: per layer, linear transform, sum-aggregate over edges, GRU update.
    src = edge_index[0]
    dst = edge_index[1]
    h = x
    num_layers = weight.shape[0]
    for i in range(num_layers):
        m = h @ weight[i]
        msg = jnp.take(m, src, axis=0)           # gather from source nodes
        agg = jnp.zeros_like(h).at[dst].add(msg)  # scatter-add at destination nodes
        h = _gru_cell(agg, h, W_ih, W_hh, b_ih, b_hh)
    return h

if __name__ == "__main__":
    import jax
    _d = setup_inputs()
    print(jax.jit(kernel)(*tuple(_d.values())))

</pallas_src>

<mosaic_0001>
#map = affine_map<(d0, d1) -> (0, 0)>
#map1 = affine_map<(d0, d1) -> (0)>
module attributes {stable_mosaic.version = 14 : i64} {
  func.func @_sc_scatter_body(%arg0: i32, %arg1: i32, %arg2: memref<10000x128xf32, #tpu.memory_space<hbm>>, %arg3: memref<327680xi32, #tpu.memory_space<hbm>>, %arg4: memref<327680xi32, #tpu.memory_space<hbm>>, %arg5: memref<20000x128xf32, #tpu.memory_space<hbm>>, %arg6: memref<128xi32, #tpu.memory_space<vmem>>, %arg7: memref<128xi32, #tpu.memory_space<vmem>>, %arg8: memref<128x128xf32, #tpu.memory_space<vmem>>, %arg9: memref<!tpu.dma_semaphore, #tpu.memory_space<semaphore_mem>>, %arg10: memref<128xi32, #tpu.memory_space<vmem>>, %arg11: memref<128xi32, #tpu.memory_space<vmem>>, %arg12: memref<128x128xf32, #tpu.memory_space<vmem>>, %arg13: memref<!tpu.dma_semaphore, #tpu.memory_space<semaphore_mem>>, %arg14: memref<10008x128xf32, #tpu.memory_space<vmem_shared>>) attributes {dimension_semantics = [#tpu.dimension_semantics<core_parallel>, #tpu.dimension_semantics<subcore_parallel>], iteration_bounds = array<i64: 2, 16>, scalar_prefetch = 0 : i64, scratch_operands = 9 : i64, tpu.core_type = #tpu.core_type<sc_vector_subcore>, window_params = [{transform_indices = #map}, {transform_indices = #map1}, {transform_indices = #map1}, {transform_indices = #map}]} {
    %mul3A = arith.constant 16 : i32
    %mul3A_0 = arith.muli %arg0, %mul3A : i32
    %add3A = arith.addi %mul3A_0, %arg1 : i32
    %scan3A = arith.constant 0 : i32
    %scan3A_1 = arith.constant 0 : i32
    %scan3A_2 = arith.constant 128 : i32
    %scan3A_3 = arith.addi %scan3A_1, %scan3A_2 : i32
    %scan3A_4 = arith.constant 1 : i32
    %scan3A_5 = scf.for %scan3A_39 = %scan3A_1 to %scan3A_3 step %scan3A_4 iter_args(%scan3A_40 = %scan3A) -> (i32)  : i32 {
      %scan3A_41 = arith.constant 0 : i32
      %scan3A_42 = arith.constant 0 : i32
      %scan3A_43 = arith.constant 8 : i32
      %scan3A_44 = arith.addi %scan3A_42, %scan3A_43 : i32
      %scan3A_45 = arith.constant 1 : i32
      %scan3A_46 = scf.for %scan3A_48 = %scan3A_42 to %scan3A_44 step %scan3A_45 iter_args(%scan3A_49 = %scan3A_41) -> (i32)  : i32 {
        %broadcast_in_dim3A = arith.constant 0.000000e+00 : f32
        %broadcast_in_dim3A_50 = vector.broadcast %broadcast_in_dim3A : f32 to vector<16xf32>
        %mul3A_51 = arith.constant 16 : i32
        %mul3A_52 = arith.muli %scan3A_48, %mul3A_51 : i32
        %swap3A = arith.index_cast %scan3A_39 : i32 to index
        %swap3A_53 = arith.index_cast %mul3A_52 : i32 to index
        %swap3A_54 = tpu.vector_load %arg8[%swap3A, %swap3A_53] {strides = array<i32>} : memref<128x128xf32, #tpu.memory_space<vmem>>, vector<1x16xf32>,
        %swap3A_55 = vector.shape_cast %swap3A_54 : vector<1x16xf32> to vector<16xf32>
        %swap3A_56 = vector.shape_cast %broadcast_in_dim3A_50 : vector<16xf32> to vector<1x16xf32>
        tpu.vector_store %arg8[%swap3A, %swap3A_53], %swap3A_56 {strides = array<i32>} : memref<128x128xf32, #tpu.memory_space<vmem>>, vector<1x16xf32>,
        %scan3A_57 = arith.constant 0 : i32
        scf.yield %scan3A_57 : i32
      }
      %scan3A_47 = arith.constant 8 : i32
      scf.yield %scan3A_46 : i32
    }
    %scan3A_6 = arith.constant 128 : i32
    %mul3A_7 = arith.constant 624 : i32
    %mul3A_8 = arith.muli %arg1, %mul3A_7 : i32
    %add3A_9 = arith.constant 0 : i32
    %add3A_10 = arith.addi %mul3A_8, %add3A_9 : i32
    "tpu.region"() ({
      %run_scoped3A = tpu.sem_alloc : memref<!tpu.dma_semaphore, #tpu.memory_space<semaphore_mem>>
      %dma_start3A = arith.constant 0 : i32
      %dma_start3A_39 = tpu.memref_slice %arg14[%add3A_10, %dma_start3A] : memref<10008x128xf32, #tpu.memory_space<vmem_shared>> -> memref<128x128xf32, #tpu.memory_space<vmem_shared>>
      %dma_start3A_40 = arith.constant 0 : i32
      %dma_start3A_41 = tpu.memref_slice %arg14[%add3A_10, %dma_start3A_40] : memref<10008x128xf32, #tpu.memory_space<vmem_shared>> -> memref<128x128xf32, #tpu.memory_space<vmem_shared>>
      tpu.enqueue_dma source(%arg8 : memref<128x128xf32, #tpu.memory_space<vmem>>) target(%dma_start3A_41 : memref<128x128xf32, #tpu.memory_space<vmem_shared>>) target_semaphore(%run_scoped3A : memref<!tpu.dma_semaphore, #tpu.memory_space<semaphore_mem>>)
      %dma_wait3A = arith.constant 0 : i32
      %dma_wait3A_42 = tpu.memref_slice %arg14[%add3A_10, %dma_wait3A] : memref<10008x128xf32, #tpu.memory_space<vmem_shared>> -> memref<128x128xf32, #tpu.memory_space<vmem_shared>>
      %dma_wait3A_43 = arith.constant 0 : i32
      %dma_wait3A_44 = tpu.memref_slice %arg14[%add3A_10, %dma_wait3A_43] : memref<10008x128xf32, #tpu.memory_space<vmem_shared>> -> memref<128x128xf32, #tpu.memory_space<vmem_shared>>
      tpu.wait_dma2 semaphore(%run_scoped3A : memref<!tpu.dma_semaphore, #tpu.memory_space<semaphore_mem>>) src(%arg8 : memref<128x128xf32, #tpu.memory_space<vmem>>) dst(%dma_wait3A_44 : memref<128x128xf32, #tpu.memory_space<vmem_shared>>)
      tpu.yield
    }) : () -> ()
    %add3A_11 = arith.constant 128 : i32
    %add3A_12 = arith.addi %mul3A_8, %add3A_11 : i32
    "tpu.region"() ({
      %run_scoped3A = tpu.sem_alloc : memref<!tpu.dma_semaphore, #tpu.memory_space<semaphore_mem>>
      %dma_start3A = arith.constant 0 : i32
      %dma_start3A_39 = tpu.memref_slice %arg14[%add3A_12, %dma_start3A] : memref<10008x128xf32, #tpu.memory_space<vmem_shared>> -> memref<128x128xf32, #tpu.memory_space<vmem_shared>>
      %dma_start3A_40 = arith.constant 0 : i32
      %dma_start3A_41 = tpu.memref_slice %arg14[%add3A_12, %dma_start3A_40] : memref<10008x128xf32, #tpu.memory_space<vmem_shared>> -> memref<128x128xf32, #tpu.memory_space<vmem_shared>>
      tpu.enqueue_dma source(%arg8 : memref<128x128xf32, #tpu.memory_space<vmem>>) target(%dma_start3A_41 : memref<128x128xf32, #tpu.memory_space<vmem_shared>>) target_semaphore(%run_scoped3A : memref<!tpu.dma_semaphore, #tpu.memory_space<semaphore_mem>>)
      %dma_wait3A = arith.constant 0 : i32
      %dma_wait3A_42 = tpu.memref_slice %arg14[%add3A_12, %dma_wait3A] : memref<10008x128xf32, #tpu.memory_space<vmem_shared>> -> memref<128x128xf32, #tpu.memory_space<vmem_shared>>
      %dma_wait3A_43 = arith.constant 0 : i32
      %dma_wait3A_44 = tpu.memref_slice %arg14[%add3A_12, %dma_wait3A_43] : memref<10008x128xf32, #tpu.memory_space<vmem_shared>> -> memref<128x128xf32, #tpu.memory_space<vmem_shared>>
      tpu.wait_dma2 semaphore(%run_scoped3A : memref<!tpu.dma_semaphore, #tpu.memory_space<semaphore_mem>>) src(%arg8 : memref<128x128xf32, #tpu.memory_space<vmem>>) dst(%dma_wait3A_44 : memref<128x128xf32, #tpu.memory_space<vmem_shared>>)
      tpu.yield
    }) : () -> ()
    %add3A_13 = arith.constant 256 : i32
    %add3A_14 = arith.addi %mul3A_8, %add3A_13 : i32
    "tpu.region"() ({
      %run_scoped3A = tpu.sem_alloc : memref<!tpu.dma_semaphore, #tpu.memory_space<semaphore_mem>>
      %dma_start3A = arith.constant 0 : i32
      %dma_start3A_39 = tpu.memref_slice %arg14[%add3A_14, %dma_start3A] : memref<10008x128xf32, #tpu.memory_space<vmem_shared>> -> memref<128x128xf32, #tpu.memory_space<vmem_shared>>
      %dma_start3A_40 = arith.constant 0 : i32
      %dma_start3A_41 = tpu.memref_slice %arg14[%add3A_14, %dma_start3A_40] : memref<10008x128xf32, #tpu.memory_space<vmem_shared>> -> memref<128x128xf32, #tpu.memory_space<vmem_shared>>
      tpu.enqueue_dma source(%arg8 : memref<128x128xf32, #tpu.memory_space<vmem>>) target(%dma_start3A_41 : memref<128x128xf32, #tpu.memory_space<vmem_shared>>) target_semaphore(%run_scoped3A : memref<!tpu.dma_semaphore, #tpu.memory_space<semaphore_mem>>)
      %dma_wait3A = arith.constant 0 : i32
      %dma_wait3A_42 = tpu.memref_slice %arg14[%add3A_14, %dma_wait3A] : memref<10008x128xf32, #tpu.memory_space<vmem_shared>> -> memref<128x128xf32, #tpu.memory_space<vmem_shared>>
      %dma_wait3A_43 = arith.constant 0 : i32
      %dma_wait3A_44 = tpu.memref_slice %arg14[%add3A_14, %dma_wait3A_43] : memref<10008x128xf32, #tpu.memory_space<vmem_shared>> -> memref<128x128xf32, #tpu.memory_space<vmem_shared>>
      tpu.wait_dma2 semaphore(%run_scoped3A : memref<!tpu.dma_semaphore, #tpu.memory_space<semaphore_mem>>) src(%arg8 : memref<128x128xf32, #tpu.memory_space<vmem>>) dst(%dma_wait3A_44 : memref<128x128xf32, #tpu.memory_space<vmem_shared>>)
      tpu.yield
    }) : () -> ()
    %add3A_15 = arith.constant 384 : i32
    %add3A_16 = arith.addi %mul3A_8, %add3A_15 : i32
    "tpu.region"() ({
      %run_scoped3A = tpu.sem_alloc : memref<!tpu.dma_semaphore, #tpu.memory_space<semaphore_mem>>
      %dma_start3A = arith.constant 0 : i32
      %dma_start3A_39 = tpu.memref_slice %arg14[%add3A_16, %dma_start3A] : memref<10008x128xf32, #tpu.memory_space<vmem_shared>> -> memref<128x128xf32, #tpu.memory_space<vmem_shared>>
      %dma_start3A_40 = arith.constant 0 : i32
      %dma_start3A_41 = tpu.memref_slice %arg14[%add3A_16, %dma_start3A_40] : memref<10008x128xf32, #tpu.memory_space<vmem_shared>> -> memref<128x128xf32, #tpu.memory_space<vmem_shared>>
      tpu.enqueue_dma source(%arg8 : memref<128x128xf32, #tpu.memory_space<vmem>>) target(%dma_start3A_41 : memref<128x128xf32, #tpu.memory_space<vmem_shared>>) target_semaphore(%run_scoped3A : memref<!tpu.dma_semaphore, #tpu.memory_space<semaphore_mem>>)
      %dma_wait3A = arith.constant 0 : i32
      %dma_wait3A_42 = tpu.memref_slice %arg14[%add3A_16, %dma_wait3A] : memref<10008x128xf32, #tpu.memory_space<vmem_shared>> -> memref<128x128xf32, #tpu.memory_space<vmem_shared>>
      %dma_wait3A_43 = arith.constant 0 : i32
      %dma_wait3A_44 = tpu.memref_slice %arg14[%add3A_16, %dma_wait3A_43] : memref<10008x128xf32, #tpu.memory_space<vmem_shared>> -> memref<128x128xf32, #tpu.memory_space<vmem_shared>>
      tpu.wait_dma2 semaphore(%run_scoped3A : memref<!tpu.dma_semaphore, #tpu.memory_space<semaphore_mem>>) src(%arg8 : memref<128x128xf32, #tpu.memory_space<vmem>>) dst(%dma_wait3A_44 : memref<128x128xf32, #tpu.memory_space<vmem_shared>>)
      tpu.yield
    }) : () -> ()
    %add3A_17 = arith.constant 512 : i32
    %add3A_18 = arith.addi %mul3A_8, %add3A_17 : i32
    "tpu.region"() ({
      %run_scoped3A = tpu.sem_alloc : memref<!tpu.dma_semaphore, #tpu.memory_space<semaphore_mem>>
      %dma_start3A = arith.constant 0 : i32
      %dma_start3A_39 = arith.constant 0 : i32
      %dma_start3A_40 = tpu.memref_slice %arg8[%dma_start3A, %dma_start3A_39] : memref<128x128xf32, #tpu.memory_space<vmem>> -> memref<112x128xf32, #tpu.memory_space<vmem>>
      %dma_start3A_41 = arith.constant 0 : i32
      %dma_start3A_42 = tpu.memref_slice %arg14[%add3A_18, %dma_start3A_41] : memref<10008x128xf32, #tpu.memory_space<vmem_shared>> -> memref<112x128xf32, #tpu.memory_space<vmem_shared>>
      %dma_start3A_43 = arith.constant 0 : i32
      %dma_start3A_44 = tpu.memref_slice %arg14[%add3A_18, %dma_start3A_43] : memref<10008x128xf32, #tpu.memory_space<vmem_shared>> -> memref<112x128xf32, #tpu.memory_space<vmem_shared>>
      %dma_start3A_45 = arith.constant 0 : i32
      %dma_start3A_46 = arith.constant 0 : i32
      %dma_start3A_47 = tpu.memref_slice %arg8[%dma_start3A_45, %dma_start3A_46] : memref<128x128xf32, #tpu.memory_space<vmem>> -> memref<112x128xf32, #tpu.memory_space<vmem>>
      tpu.enqueue_dma source(%dma_start3A_47 : memref<112x128xf32, #tpu.memory_space<vmem>>) target(%dma_start3A_44 : memref<112x128xf32, #tpu.memory_space<vmem_shared>>) target_semaphore(%run_scoped3A : memref<!tpu.dma_semaphore, #tpu.memory_space<semaphore_mem>>)
      %dma_wait3A = arith.constant 0 : i32
      %dma_wait3A_48 = arith.constant 0 : i32
      %dma_wait3A_49 = tpu.memref_slice %arg8[%dma_wait3A, %dma_wait3A_48] : memref<128x128xf32, #tpu.memory_space<vmem>> -> memref<112x128xf32, #tpu.memory_space<vmem>>
      %dma_wait3A_50 = arith.constant 0 : i32
      %dma_wait3A_51 = tpu.memref_slice %arg14[%add3A_18, %dma_wait3A_50] : memref<10008x128xf32, #tpu.memory_space<vmem_shared>> -> memref<112x128xf32, #tpu.memory_space<vmem_shared>>
      %dma_wait3A_52 = arith.constant 0 : i32
      %dma_wait3A_53 = tpu.memref_slice %arg14[%add3A_18, %dma_wait3A_52] : memref<10008x128xf32, #tpu.memory_space<vmem_shared>> -> memref<112x128xf32, #tpu.memory_space<vmem_shared>>
      %dma_wait3A_54 = arith.constant 0 : i32
      %dma_wait3A_55 = arith.constant 0 : i32
      %dma_wait3A_56 = tpu.memref_slice %arg8[%dma_wait3A_54, %dma_wait3A_55] : memref<128x128xf32, #tpu.memory_space<vmem>> -> memref<112x128xf32, #tpu.memory_space<vmem>>
      tpu.wait_dma2 semaphore(%run_scoped3A : memref<!tpu.dma_semaphore, #tpu.memory_space<semaphore_mem>>) src(%dma_wait3A_56 : memref<112x128xf32, #tpu.memory_space<vmem>>) dst(%dma_wait3A_53 : memref<112x128xf32, #tpu.memory_space<vmem_shared>>)
      tpu.yield
    }) : () -> ()
    %eq3A = arith.constant 15 : i32
    %eq3A_19 = arith.cmpi eq, %arg1, %eq3A : i32
    %convert_element_type3A = arith.extui %eq3A_19 : i1 to i32
    %cond3A = arith.constant 0 : i32
    %cond3A_20 = arith.cmpi ne, %convert_element_type3A, %cond3A : i32
    scf.if %cond3A_20 {
      "tpu.region"() ({
        %run_scoped3A = tpu.sem_alloc : memref<!tpu.dma_semaphore, #tpu.memory_space<semaphore_mem>>
        %dma_start3A = arith.constant 0 : i32
        %dma_start3A_39 = arith.constant 0 : i32
        %dma_start3A_40 = tpu.memref_slice %arg8[%dma_start3A, %dma_start3A_39] : memref<128x128xf32, #tpu.memory_space<vmem>> -> memref<24x128xf32, #tpu.memory_space<vmem>>
        %dma_start3A_41 = arith.constant 9984 : i32
        %dma_start3A_42 = arith.constant 0 : i32
        %dma_start3A_43 = tpu.memref_slice %arg14[%dma_start3A_41, %dma_start3A_42] : memref<10008x128xf32, #tpu.memory_space<vmem_shared>> -> memref<24x128xf32, #tpu.memory_space<vmem_shared>>
        %dma_start3A_44 = arith.constant 9984 : i32
        %dma_start3A_45 = arith.constant 0 : i32
        %dma_start3A_46 = tpu.memref_slice %arg14[%dma_start3A_44, %dma_start3A_45] : memref<10008x128xf32, #tpu.memory_space<vmem_shared>> -> memref<24x128xf32, #tpu.memory_space<vmem_shared>>
        %dma_start3A_47 = arith.constant 0 : i32
        %dma_start3A_48 = arith.constant 0 : i32
        %dma_start3A_49 = tpu.memref_slice %arg8[%dma_start3A_47, %dma_start3A_48] : memref<128x128xf32, #tpu.memory_space<vmem>> -> memref<24x128xf32, #tpu.memory_space<vmem>>
        tpu.enqueue_dma source(%dma_start3A_49 : memref<24x128xf32, #tpu.memory_space<vmem>>) target(%dma_start3A_46 : memref<24x128xf32, #tpu.memory_space<vmem_shared>>) target_semaphore(%run_scoped3A : memref<!tpu.dma_semaphore, #tpu.memory_space<semaphore_mem>>)
        %dma_wait3A = arith.constant 0 : i32
        %dma_wait3A_50 = arith.constant 0 : i32
        %dma_wait3A_51 = tpu.memref_slice %arg8[%dma_wait3A, %dma_wait3A_50] : memref<128x128xf32, #tpu.memory_space<vmem>> -> memref<24x128xf32, #tpu.memory_space<vmem>>
        %dma_wait3A_52 = arith.constant 9984 : i32
        %dma_wait3A_53 = arith.constant 0 : i32
        %dma_wait3A_54 = tpu.memref_slice %arg14[%dma_wait3A_52, %dma_wait3A_53] : memref<10008x128xf32, #tpu.memory_space<vmem_shared>> -> memref<24x128xf32, #tpu.memory_space<vmem_shared>>
        %dma_wait3A_55 = arith.constant 9984 : i32
        %dma_wait3A_56 = arith.constant 0 : i32
        %dma_wait3A_57 = tpu.memref_slice %arg14[%dma_wait3A_55, %dma_wait3A_56] : memref<10008x128xf32, #tpu.memory_space<vmem_shared>> -> memref<24x128xf32, #tpu.memory_space<vmem_shared>>
        %dma_wait3A_58 = arith.constant 0 : i32
        %dma_wait3A_59 = arith.constant 0 : i32
        %dma_wait3A_60 = tpu.memref_slice %arg8[%dma_wait3A_58, %dma_wait3A_59] : memref<128x128xf32, #tpu.memory_space<vmem>> -> memref<24x128xf32, #tpu.memory_space<vmem>>
        tpu.wait_dma2 semaphore(%run_scoped3A : memref<!tpu.dma_semaphore, #tpu.memory_space<semaphore_mem>>) src(%dma_wait3A_60 : memref<24x128xf32, #tpu.memory_space<vmem>>) dst(%dma_wait3A_57 : memref<24x128xf32, #tpu.memory_space<vmem_shared>>)
        tpu.yield
      }) : () -> ()
    } else {
    }
    %barrier3A = arith.constant 0 : index
    tpu.barrier barrier_id(%barrier3A)
    %mul3A_21 = arith.constant 80 : i32
    %mul3A_22 = arith.muli %add3A, %mul3A_21 : i32
    %scan3A_23 = arith.constant 0 : i32
    %scan3A_24 = arith.constant 0 : i32
    %scan3A_25 = arith.constant 40 : i32
    %scan3A_26 = arith.addi %scan3A_24, %scan3A_25 : i32
    %scan3A_27 = arith.constant 1 : i32
    %scan3A_28 = scf.for %scan3A_39 = %scan3A_24 to %scan3A_26 step %scan3A_27 iter_args(%scan3A_40 = %scan3A_23) -> (i32)  : i32 {
      %mul3A_41 = arith.constant 2 : i32
      %mul3A_42 = arith.muli %mul3A_41, %scan3A_39 : i32
      %add3A_43 = arith.addi %mul3A_22, %mul3A_42 : i32
      %mul3A_44 = arith.constant 128 : i32
      %mul3A_45 = arith.muli %add3A_43, %mul3A_44 : i32
      "tpu.region"() ({
        %run_scoped3A = tpu.sem_alloc : memref<!tpu.dma_semaphore, #tpu.memory_space<semaphore_mem>>
        %dma_start3A_61 = tpu.memref_slice %arg3[%mul3A_45] : memref<327680xi32, #tpu.memory_space<hbm>> -> memref<128xi32, #tpu.memory_space<hbm>>
        %dma_start3A_62 = tpu.memref_slice %arg3[%mul3A_45] : memref<327680xi32, #tpu.memory_space<hbm>> -> memref<128xi32, #tpu.memory_space<hbm>>
        tpu.enqueue_dma source(%dma_start3A_62 : memref<128xi32, #tpu.memory_space<hbm>>) target(%arg6 : memref<128xi32, #tpu.memory_space<vmem>>) target_semaphore(%run_scoped3A : memref<!tpu.dma_semaphore, #tpu.memory_space<semaphore_mem>>)
        %dma_wait3A_63 = tpu.memref_slice %arg3[%mul3A_45] : memref<327680xi32, #tpu.memory_space<hbm>> -> memref<128xi32, #tpu.memory_space<hbm>>
        %dma_wait3A_64 = tpu.memref_slice %arg3[%mul3A_45] : memref<327680xi32, #tpu.memory_space<hbm>> -> memref<128xi32, #tpu.memory_space<hbm>>
        tpu.wait_dma2 semaphore(%run_scoped3A : memref<!tpu.dma_semaphore, #tpu.memory_space<semaphore_mem>>) src(%dma_wait3A_64 : memref<128xi32, #tpu.memory_space<hbm>>) dst(%arg6 : memref<128xi32, #tpu.memory_space<vmem>>)
        tpu.yield
      }) : () -> ()
      "tpu.region"() ({
        %run_scoped3A = tpu.sem_alloc : memref<!tpu.dma_semaphore, #tpu.memory_space<semaphore_mem>>
        %dma_start3A_61 = tpu.memref_slice %arg4[%mul3A_45] : memref<327680xi32, #tpu.memory_space<hbm>> -> memref<128xi32, #tpu.memory_space<hbm>>
        %dma_start3A_62 = tpu.memref_slice %arg4[%mul3A_45] : memref<327680xi32, #tpu.memory_space<hbm>> -> memref<128xi32, #tpu.memory_space<hbm>>
        tpu.enqueue_dma source(%dma_start3A_62 : memref<128xi32, #tpu.memory_space<hbm>>) target(%arg7 : memref<128xi32, #tpu.memory_space<vmem>>) target_semaphore(%run_scoped3A : memref<!tpu.dma_semaphore, #tpu.memory_space<semaphore_mem>>)
        %dma_wait3A_63 = tpu.memref_slice %arg4[%mul3A_45] : memref<327680xi32, #tpu.memory_space<hbm>> -> memref<128xi32, #tpu.memory_space<hbm>>
        %dma_wait3A_64 = tpu.memref_slice %arg4[%mul3A_45] : memref<327680xi32, #tpu.memory_space<hbm>> -> memref<128xi32, #tpu.memory_space<hbm>>
        tpu.wait_dma2 semaphore(%run_scoped3A : memref<!tpu.dma_semaphore, #tpu.memory_space<semaphore_mem>>) src(%dma_wait3A_64 : memref<128xi32, #tpu.memory_space<hbm>>) dst(%arg7 : memref<128xi32, #tpu.memory_space<vmem>>)
        tpu.yield
      }) : () -> ()
      %dma_start3A = arith.constant 0 : i32
      %dma_start3A_46 = arith.constant 0 : i32
      %dma_start3A_47 = tpu.memref_slice %arg2[%dma_start3A, %dma_start3A_46] : memref<10000x128xf32, #tpu.memory_space<hbm>> -> memref<10000x128xf32, #tpu.memory_space<hbm>>
      tpu.enqueue_indirect_dma source(%dma_start3A_47 : memref<10000x128xf32, #tpu.memory_space<hbm>>) target(%arg8 : memref<128x128xf32, #tpu.memory_space<vmem>>) offsets(%arg6 : memref<128xi32, #tpu.memory_space<vmem>>) semaphore(%arg9 : memref<!tpu.dma_semaphore, #tpu.memory_space<semaphore_mem>>)
      %add3A_48 = arith.constant 128 : i32
      %add3A_49 = arith.addi %mul3A_45, %add3A_48 : i32
      "tpu.region"() ({
        %run_scoped3A = tpu.sem_alloc : memref<!tpu.dma_semaphore, #tpu.memory_space<semaphore_mem>>
        %dma_start3A_61 = tpu.memref_slice %arg3[%add3A_49] : memref<327680xi32, #tpu.memory_space<hbm>> -> memref<128xi32, #tpu.memory_space<hbm>>
        %dma_start3A_62 = tpu.memref_slice %arg3[%add3A_49] : memref<327680xi32, #tpu.memory_space<hbm>> -> memref<128xi32, #tpu.memory_space<hbm>>
        tpu.enqueue_dma source(%dma_start3A_62 : memref<128xi32, #tpu.memory_space<hbm>>) target(%arg10 : memref<128xi32, #tpu.memory_space<vmem>>) target_semaphore(%run_scoped3A : memref<!tpu.dma_semaphore, #tpu.memory_space<semaphore_mem>>)
        %dma_wait3A_63 = tpu.memref_slice %arg3[%add3A_49] : memref<327680xi32, #tpu.memory_space<hbm>> -> memref<128xi32, #tpu.memory_space<hbm>>
        %dma_wait3A_64 = tpu.memref_slice %arg3[%add3A_49] : memref<327680xi32, #tpu.memory_space<hbm>> -> memref<128xi32, #tpu.memory_space<hbm>>
        tpu.wait_dma2 semaphore(%run_scoped3A : memref<!tpu.dma_semaphore, #tpu.memory_space<semaphore_mem>>) src(%dma_wait3A_64 : memref<128xi32, #tpu.memory_space<hbm>>) dst(%arg10 : memref<128xi32, #tpu.memory_space<vmem>>)
        tpu.yield
      }) : () -> ()
      %add3A_50 = arith.constant 128 : i32
      %add3A_51 = arith.addi %mul3A_45, %add3A_50 : i32
      "tpu.region"() ({
        %run_scoped3A = tpu.sem_alloc : memref<!tpu.dma_semaphore, #tpu.memory_space<semaphore_mem>>
        %dma_start3A_61 = tpu.memref_slice %arg4[%add3A_51] : memref<327680xi32, #tpu.memory_space<hbm>> -> memref<128xi32, #tpu.memory_space<hbm>>
        %dma_start3A_62 = tpu.memref_slice %arg4[%add3A_51] : memref<327680xi32, #tpu.memory_space<hbm>> -> memref<128xi32, #tpu.memory_space<hbm>>
        tpu.enqueue_dma source(%dma_start3A_62 : memref<128xi32, #tpu.memory_space<hbm>>) target(%arg11 : memref<128xi32, #tpu.memory_space<vmem>>) target_semaphore(%run_scoped3A : memref<!tpu.dma_semaphore, #tpu.memory_space<semaphore_mem>>)
        %dma_wait3A_63 = tpu.memref_slice %arg4[%add3A_51] : memref<327680xi32, #tpu.memory_space<hbm>> -> memref<128xi32, #tpu.memory_space<hbm>>
        %dma_wait3A_64 = tpu.memref_slice %arg4[%add3A_51] : memref<327680xi32, #tpu.memory_space<hbm>> -> memref<128xi32, #tpu.memory_space<hbm>>
        tpu.wait_dma2 semaphore(%run_scoped3A : memref<!tpu.dma_semaphore, #tpu.memory_space<semaphore_mem>>) src(%dma_wait3A_64 : memref<128xi32, #tpu.memory_space<hbm>>) dst(%arg11 : memref<128xi32, #tpu.memory_space<vmem>>)
        tpu.yield
      }) : () -> ()
      %dma_start3A_52 = arith.constant 0 : i32
      %dma_start3A_53 = arith.constant 0 : i32
      %dma_start3A_54 = tpu.memref_slice %arg2[%dma_start3A_52, %dma_start3A_53] : memref<10000x128xf32, #tpu.memory_space<hbm>> -> memref<10000x128xf32, #tpu.memory_space<hbm>>
      tpu.enqueue_indirect_dma source(%dma_start3A_54 : memref<10000x128xf32, #tpu.memory_space<hbm>>) target(%arg12 : memref<128x128xf32, #tpu.memory_space<vmem>>) offsets(%arg10 : memref<128xi32, #tpu.memory_space<vmem>>) semaphore(%arg13 : memref<!tpu.dma_semaphore, #tpu.memory_space<semaphore_mem>>)
      %dma_wait3A = arith.constant 0 : i32
      %dma_wait3A_55 = arith.constant 0 : i32
      %dma_wait3A_56 = tpu.memref_slice %arg2[%dma_wait3A, %dma_wait3A_55] : memref<10000x128xf32, #tpu.memory_space<hbm>> -> memref<10000x128xf32, #tpu.memory_space<hbm>>
      tpu.wait_indirect_dma semaphore(%arg9 : memref<!tpu.dma_semaphore, #tpu.memory_space<semaphore_mem>>) src(%dma_wait3A_56 : memref<10000x128xf32, #tpu.memory_space<hbm>>) dst(%arg8 : memref<128x128xf32, #tpu.memory_space<vmem>>)
      "tpu.region"() ({
        %run_scoped3A = tpu.sem_alloc : memref<!tpu.dma_semaphore, #tpu.memory_space<semaphore_mem>>
        %dma_start3A_61 = arith.constant 0 : i32
        %dma_start3A_62 = arith.constant 0 : i32
        %dma_start3A_63 = tpu.memref_slice %arg14[%dma_start3A_61, %dma_start3A_62] : memref<10008x128xf32, #tpu.memory_space<vmem_shared>> -> memref<10008x128xf32, #tpu.memory_space<vmem_shared>>
        tpu.enqueue_indirect_dma source(%arg8 : memref<128x128xf32, #tpu.memory_space<vmem>>) target(%dma_start3A_63 : memref<10008x128xf32, #tpu.memory_space<vmem_shared>>) offsets(%arg7 : memref<128xi32, #tpu.memory_space<vmem>>) semaphore(%run_scoped3A : memref<!tpu.dma_semaphore, #tpu.memory_space<semaphore_mem>>) {add = true}
        %dma_wait3A_64 = arith.constant 0 : i32
        %dma_wait3A_65 = arith.constant 0 : i32
        %dma_wait3A_66 = tpu.memref_slice %arg14[%dma_wait3A_64, %dma_wait3A_65] : memref<10008x128xf32, #tpu.memory_space<vmem_shared>> -> memref<10008x128xf32, #tpu.memory_space<vmem_shared>>
        tpu.wait_indirect_dma semaphore(%run_scoped3A : memref<!tpu.dma_semaphore, #tpu.memory_space<semaphore_mem>>) src(%arg8 : memref<128x128xf32, #tpu.memory_space<vmem>>) dst(%dma_wait3A_66 : memref<10008x128xf32, #tpu.memory_space<vmem_shared>>)
        tpu.yield
      }) : () -> ()
      %dma_wait3A_57 = arith.constant 0 : i32
      %dma_wait3A_58 = arith.constant 0 : i32
      %dma_wait3A_59 = tpu.memref_slice %arg2[%dma_wait3A_57, %dma_wait3A_58] : memref<10000x128xf32, #tpu.memory_space<hbm>> -> memref<10000x128xf32, #tpu.memory_space<hbm>>
      tpu.wait_indirect_dma semaphore(%arg13 : memref<!tpu.dma_semaphore, #tpu.memory_space<semaphore_mem>>) src(%dma_wait3A_59 : memref<10000x128xf32, #tpu.memory_space<hbm>>) dst(%arg12 : memref<128x128xf32, #tpu.memory_space<vmem>>)
      "tpu.region"() ({
        %run_scoped3A = tpu.sem_alloc : memref<!tpu.dma_semaphore, #tpu.memory_space<semaphore_mem>>
        %dma_start3A_61 = arith.constant 0 : i32
        %dma_start3A_62 = arith.constant 0 : i32
        %dma_start3A_63 = tpu.memref_slice %arg14[%dma_start3A_61, %dma_start3A_62] : memref<10008x128xf32, #tpu.memory_space<vmem_shared>> -> memref<10008x128xf32, #tpu.memory_space<vmem_shared>>
        tpu.enqueue_indirect_dma source(%arg12 : memref<128x128xf32, #tpu.memory_space<vmem>>) target(%dma_start3A_63 : memref<10008x128xf32, #tpu.memory_space<vmem_shared>>) offsets(%arg11 : memref<128xi32, #tpu.memory_space<vmem>>) semaphore(%run_scoped3A : memref<!tpu.dma_semaphore, #tpu.memory_space<semaphore_mem>>) {add = true}
        %dma_wait3A_64 = arith.constant 0 : i32
        %dma_wait3A_65 = arith.constant 0 : i32
        %dma_wait3A_66 = tpu.memref_slice %arg14[%dma_wait3A_64, %dma_wait3A_65] : memref<10008x128xf32, #tpu.memory_space<vmem_shared>> -> memref<10008x128xf32, #tpu.memory_space<vmem_shared>>
        tpu.wait_indirect_dma semaphore(%run_scoped3A : memref<!tpu.dma_semaphore, #tpu.memory_space<semaphore_mem>>) src(%arg12 : memref<128x128xf32, #tpu.memory_space<vmem>>) dst(%dma_wait3A_66 : memref<10008x128xf32, #tpu.memory_space<vmem_shared>>)
        tpu.yield
      }) : () -> ()
      %scan3A_60 = arith.constant 0 : i32
      scf.yield %scan3A_60 : i32
    }
    %scan3A_29 = arith.constant 40 : i32
    %barrier3A_30 = arith.constant 0 : index
    tpu.barrier barrier_id(%barrier3A_30)
    %mul3A_31 = arith.constant 10000 : i32
    %mul3A_32 = arith.muli %arg0, %mul3A_31 : i32
    %add3A_33 = arith.addi %mul3A_32, %mul3A_8 : i32
    "tpu.region"() ({
      %run_scoped3A = tpu.sem_alloc : memref<!tpu.dma_semaphore, #tpu.memory_space<semaphore_mem>>
      %dma_start3A = arith.constant 0 : i32
      %dma_start3A_39 = tpu.memref_slice %arg5[%add3A_33, %dma_start3A] : memref<20000x128xf32, #tpu.memory_space<hbm>> -> memref<624x128xf32, #tpu.memory_space<hbm>>
      %dma_start3A_40 = arith.constant 0 : i32
      %dma_start3A_41 = tpu.memref_slice %arg14[%mul3A_8, %dma_start3A_40] : memref<10008x128xf32, #tpu.memory_space<vmem_shared>> -> memref<624x128xf32, #tpu.memory_space<vmem_shared>>
      tpu.enqueue_dma source(%dma_start3A_41 : memref<624x128xf32, #tpu.memory_space<vmem_shared>>) target(%dma_start3A_39 : memref<624x128xf32, #tpu.memory_space<hbm>>) target_semaphore(%run_scoped3A : memref<!tpu.dma_semaphore, #tpu.memory_space<semaphore_mem>>)
      %dma_wait3A = arith.constant 0 : i32
      %dma_wait3A_42 = tpu.memref_slice %arg5[%add3A_33, %dma_wait3A] : memref<20000x128xf32, #tpu.memory_space<hbm>> -> memref<624x128xf32, #tpu.memory_space<hbm>>
      %dma_wait3A_43 = arith.constant 0 : i32
      %dma_wait3A_44 = tpu.memref_slice %arg14[%mul3A_8, %dma_wait3A_43] : memref<10008x128xf32, #tpu.memory_space<vmem_shared>> -> memref<624x128xf32, #tpu.memory_space<vmem_shared>>
      tpu.wait_dma2 semaphore(%run_scoped3A : memref<!tpu.dma_semaphore, #tpu.memory_space<semaphore_mem>>) src(%dma_wait3A_44 : memref<624x128xf32, #tpu.memory_space<vmem_shared>>) dst(%dma_wait3A_42 : memref<624x128xf32, #tpu.memory_space<hbm>>)
      tpu.yield
    }) : () -> ()
    %eq3A_34 = arith.constant 15 : i32
    %eq3A_35 = arith.cmpi eq, %arg1, %eq3A_34 : i32
    %convert_element_type3A_36 = arith.extui %eq3A_35 : i1 to i32
    %cond3A_37 = arith.constant 0 : i32
    %cond3A_38 = arith.cmpi ne, %convert_element_type3A_36, %cond3A_37 : i32
    scf.if %cond3A_38 {
      %mul3A_39 = arith.constant 10000 : i32
      %mul3A_40 = arith.muli %arg0, %mul3A_39 : i32
      %add3A_41 = arith.constant 9984 : i32
      %add3A_42 = arith.addi %mul3A_40, %add3A_41 : i32
      "tpu.region"() ({
        %run_scoped3A = tpu.sem_alloc : memref<!tpu.dma_semaphore, #tpu.memory_space<semaphore_mem>>
        %dma_start3A = arith.constant 0 : i32
        %dma_start3A_43 = tpu.memref_slice %arg5[%add3A_42, %dma_start3A] : memref<20000x128xf32, #tpu.memory_space<hbm>> -> memref<16x128xf32, #tpu.memory_space<hbm>>
        %dma_start3A_44 = arith.constant 9984 : i32
        %dma_start3A_45 = arith.constant 0 : i32
        %dma_start3A_46 = tpu.memref_slice %arg14[%dma_start3A_44, %dma_start3A_45] : memref<10008x128xf32, #tpu.memory_space<vmem_shared>> -> memref<16x128xf32, #tpu.memory_space<vmem_shared>>
        tpu.enqueue_dma source(%dma_start3A_46 : memref<16x128xf32, #tpu.memory_space<vmem_shared>>) target(%dma_start3A_43 : memref<16x128xf32, #tpu.memory_space<hbm>>) target_semaphore(%run_scoped3A : memref<!tpu.dma_semaphore, #tpu.memory_space<semaphore_mem>>)
        %dma_wait3A = arith.constant 0 : i32
        %dma_wait3A_47 = tpu.memref_slice %arg5[%add3A_42, %dma_wait3A] : memref<20000x128xf32, #tpu.memory_space<hbm>> -> memref<16x128xf32, #tpu.memory_space<hbm>>
        %dma_wait3A_48 = arith.constant 9984 : i32
        %dma_wait3A_49 = arith.constant 0 : i32
        %dma_wait3A_50 = tpu.memref_slice %arg14[%dma_wait3A_48, %dma_wait3A_49] : memref<10008x128xf32, #tpu.memory_space<vmem_shared>> -> memref<16x128xf32, #tpu.memory_space<vmem_shared>>
        tpu.wait_dma2 semaphore(%run_scoped3A : memref<!tpu.dma_semaphore, #tpu.memory_space<semaphore_mem>>) src(%dma_wait3A_50 : memref<16x128xf32, #tpu.memory_space<vmem_shared>>) dst(%dma_wait3A_47 : memref<16x128xf32, #tpu.memory_space<hbm>>)
        tpu.yield
      }) : () -> ()
    } else {
    }
    return
  }
}

#map = affine_map<(d0, d1) -> (0, 0)>
#map1 = affine_map<(d0, d1) -> (0)>
module attributes {stable_mosaic.version = 14 : i64} {
  func.func @_sc_scatter_body(%arg0: i32, %arg1: i32, %arg2: memref<10000x128xf32, #tpu.memory_space<hbm>>, %arg3: memref<327680xi32, #tpu.memory_space<hbm>>, %arg4: memref<327680xi32, #tpu.memory_space<hbm>>, %arg5: memref<20000x128xf32, #tpu.memory_space<hbm>>, %arg6: memref<128xi32, #tpu.memory_space<vmem>>, %arg7: memref<128xi32, #tpu.memory_space<vmem>>, %arg8: memref<128x128xf32, #tpu.memory_space<vmem>>, %arg9: memref<!tpu.dma_semaphore, #tpu.memory_space<semaphore_mem>>, %arg10: memref<128xi32, #tpu.memory_space<vmem>>, %arg11: memref<128xi32, #tpu.memory_space<vmem>>, %arg12: memref<128x128xf32, #tpu.memory_space<vmem>>, %arg13: memref<!tpu.dma_semaphore, #tpu.memory_space<semaphore_mem>>, %arg14: memref<10008x128xf32, #tpu.memory_space<vmem_shared>>) attributes {dimension_semantics = [#tpu.dimension_semantics<core_parallel>, #tpu.dimension_semantics<subcore_parallel>], iteration_bounds = array<i64: 2, 16>, scalar_prefetch = 0 : i64, scratch_operands = 9 : i64, tpu.core_type = #tpu.core_type<sc_vector_subcore>, window_params = [{transform_indices = #map}, {transform_indices = #map1}, {transform_indices = #map1}, {transform_indices = #map}]} {
    %mul3A = arith.constant 16 : i32
    %mul3A_0 = arith.muli %arg0, %mul3A : i32
    %add3A = arith.addi %mul3A_0, %arg1 : i32
    %scan3A = arith.constant 0 : i32
    %scan3A_1 = arith.constant 0 : i32
    %scan3A_2 = arith.constant 128 : i32
    %scan3A_3 = arith.addi %scan3A_1, %scan3A_2 : i32
    %scan3A_4 = arith.constant 1 : i32
    %scan3A_5 = scf.for %scan3A_39 = %scan3A_1 to %scan3A_3 step %scan3A_4 iter_args(%scan3A_40 = %scan3A) -> (i32)  : i32 {
      %scan3A_41 = arith.constant 0 : i32
      %scan3A_42 = arith.constant 0 : i32
      %scan3A_43 = arith.constant 8 : i32
      %scan3A_44 = arith.addi %scan3A_42, %scan3A_43 : i32
      %scan3A_45 = arith.constant 1 : i32
      %scan3A_46 = scf.for %scan3A_48 = %scan3A_42 to %scan3A_44 step %scan3A_45 iter_args(%scan3A_49 = %scan3A_41) -> (i32)  : i32 {
        %broadcast_in_dim3A = arith.constant 0.000000e+00 : f32
        %broadcast_in_dim3A_50 = vector.broadcast %broadcast_in_dim3A : f32 to vector<16xf32>
        %mul3A_51 = arith.constant 16 : i32
        %mul3A_52 = arith.muli %scan3A_48, %mul3A_51 : i32
        %swap3A = arith.index_cast %scan3A_39 : i32 to index
        %swap3A_53 = arith.index_cast %mul3A_52 : i32 to index
        %swap3A_54 = tpu.vector_load %arg8[%swap3A, %swap3A_53] {strides = array<i32>} : memref<128x128xf32, #tpu.memory_space<vmem>>, vector<1x16xf32>,
        %swap3A_55 = vector.shape_cast %swap3A_54 : vector<1x16xf32> to vector<16xf32>
        %swap3A_56 = vector.shape_cast %broadcast_in_dim3A_50 : vector<16xf32> to vector<1x16xf32>
        tpu.vector_store %arg8[%swap3A, %swap3A_53], %swap3A_56 {strides = array<i32>} : memref<128x128xf32, #tpu.memory_space<vmem>>, vector<1x16xf32>,
        %scan3A_57 = arith.constant 0 : i32
        scf.yield %scan3A_57 : i32
      }
      %scan3A_47 = arith.constant 8 : i32
      scf.yield %scan3A_46 : i32
    }
    %scan3A_6 = arith.constant 128 : i32
    %mul3A_7 = arith.constant 624 : i32
    %mul3A_8 = arith.muli %arg1, %mul3A_7 : i32
    %add3A_9 = arith.constant 0 : i32
    %add3A_10 = arith.addi %mul3A_8, %add3A_9 : i32
    "tpu.region"() ({
      %run_scoped3A = tpu.sem_alloc : memref<!tpu.dma_semaphore, #tpu.memory_space<semaphore_mem>>
      %dma_start3A = arith.constant 0 : i32
      %dma_start3A_39 = tpu.memref_slice %arg14[%add3A_10, %dma_start3A] : memref<10008x128xf32, #tpu.memory_space<vmem_shared>> -> memref<128x128xf32, #tpu.memory_space<vmem_shared>>
      %dma_start3A_40 = arith.constant 0 : i32
      %dma_start3A_41 = tpu.memref_slice %arg14[%add3A_10, %dma_start3A_40] : memref<10008x128xf32, #tpu.memory_space<vmem_shared>> -> memref<128x128xf32, #tpu.memory_space<vmem_shared>>
      tpu.enqueue_dma source(%arg8 : memref<128x128xf32, #tpu.memory_space<vmem>>) target(%dma_start3A_41 : memref<128x128xf32, #tpu.memory_space<vmem_shared>>) target_semaphore(%run_scoped3A : memref<!tpu.dma_semaphore, #tpu.memory_space<semaphore_mem>>)
      %dma_wait3A = arith.constant 0 : i32
      %dma_wait3A_42 = tpu.memref_slice %arg14[%add3A_10, %dma_wait3A] : memref<10008x128xf32, #tpu.memory_space<vmem_shared>> -> memref<128x128xf32, #tpu.memory_space<vmem_shared>>
      %dma_wait3A_43 = arith.constant 0 : i32
      %dma_wait3A_44 = tpu.memref_slice %arg14[%add3A_10, %dma_wait3A_43] : memref<10008x128xf32, #tpu.memory_space<vmem_shared>> -> memref<128x128xf32, #tpu.memory_space<vmem_shared>>
      tpu.wait_dma2 semaphore(%run_scoped3A : memref<!tpu.dma_semaphore, #tpu.memory_space<semaphore_mem>>) src(%arg8 : memref<128x128xf32, #tpu.memory_space<vmem>>) dst(%dma_wait3A_44 : memref<128x128xf32, #tpu.memory_space<vmem_shared>>)
      tpu.yield
    }) : () -> ()
    %add3A_11 = arith.constant 128 : i32
    %add3A_12 = arith.addi %mul3A_8, %add3A_11 : i32
    "tpu.region"() ({
      %run_scoped3A = tpu.sem_alloc : memref<!tpu.dma_semaphore, #tpu.memory_space<semaphore_mem>>
      %dma_start3A = arith.constant 0 : i32
      %dma_start3A_39 = tpu.memref_slice %arg14[%add3A_12, %dma_start3A] : memref<10008x128xf32, #tpu.memory_space<vmem_shared>> -> memref<128x128xf32, #tpu.memory_space<vmem_shared>>
      %dma_start3A_40 = arith.constant 0 : i32
      %dma_start3A_41 = tpu.memref_slice %arg14[%add3A_12, %dma_start3A_40] : memref<10008x128xf32, #tpu.memory_space<vmem_shared>> -> memref<128x128xf32, #tpu.memory_space<vmem_shared>>
      tpu.enqueue_dma source(%arg8 : memref<128x128xf32, #tpu.memory_space<vmem>>) target(%dma_start3A_41 : memref<128x128xf32, #tpu.memory_space<vmem_shared>>) target_semaphore(%run_scoped3A : memref<!tpu.dma_semaphore, #tpu.memory_space<semaphore_mem>>)
      %dma_wait3A = arith.constant 0 : i32
      %dma_wait3A_42 = tpu.memref_slice %arg14[%add3A_12, %dma_wait3A] : memref<10008x128xf32, #tpu.memory_space<vmem_shared>> -> memref<128x128xf32, #tpu.memory_space<vmem_shared>>
      %dma_wait3A_43 = arith.constant 0 : i32
      %dma_wait3A_44 = tpu.memref_slice %arg14[%add3A_12, %dma_wait3A_43] : memref<10008x128xf32, #tpu.memory_space<vmem_shared>> -> memref<128x128xf32, #tpu.memory_space<vmem_shared>>
      tpu.wait_dma2 semaphore(%run_scoped3A : memref<!tpu.dma_semaphore, #tpu.memory_space<semaphore_mem>>) src(%arg8 : memref<128x128xf32, #tpu.memory_space<vmem>>) dst(%dma_wait3A_44 : memref<128x128xf32, #tpu.memory_space<vmem_shared>>)
      tpu.yield
    }) : () -> ()
    %add3A_13 = arith.constant 256 : i32
    %add3A_14 = arith.addi %mul3A_8, %add3A_13 : i32
    "tpu.region"() ({
      %run_scoped3A = tpu.sem_alloc : memref<!tpu.dma_semaphore, #tpu.memory_space<semaphore_mem>>
      %dma_start3A = arith.constant 0 : i32
      %dma_start3A_39 = tpu.memref_slice %arg14[%add3A_14, %dma_start3A] : memref<10008x128xf32, #tpu.memory_space<vmem_shared>> -> memref<128x128xf32, #tpu.memory_space<vmem_shared>>
      %dma_start3A_40 = arith.constant 0 : i32
      %dma_start3A_41 = tpu.memref_slice %arg14[%add3A_14, %dma_start3A_40] : memref<10008x128xf32, #tpu.memory_space<vmem_shared>> -> memref<128x128xf32, #tpu.memory_space<vmem_shared>>
      tpu.enqueue_dma source(%arg8 : memref<128x128xf32, #tpu.memory_space<vmem>>) target(%dma_start3A_41 : memref<128x128xf32, #tpu.memory_space<vmem_shared>>) target_semaphore(%run_scoped3A : memref<!tpu.dma_semaphore, #tpu.memory_space<semaphore_mem>>)
      %dma_wait3A = arith.constant 0 : i32
      %dma_wait3A_42 = tpu.memref_slice %arg14[%add3A_14, %dma_wait3A] : memref<10008x128xf32, #tpu.memory_space<vmem_shared>> -> memref<128x128xf32, #tpu.memory_space<vmem_shared>>
      %dma_wait3A_43 = arith.constant 0 : i32
      %dma_wait3A_44 = tpu.memref_slice %arg14[%add3A_14, %dma_wait3A_43] : memref<10008x128xf32, #tpu.memory_space<vmem_shared>> -> memref<128x128xf32, #tpu.memory_space<vmem_shared>>
      tpu.wait_dma2 semaphore(%run_scoped3A : memref<!tpu.dma_semaphore, #tpu.memory_space<semaphore_mem>>) src(%arg8 : memref<128x128xf32, #tpu.memory_space<vmem>>) dst(%dma_wait3A_44 : memref<128x128xf32, #tpu.memory_space<vmem_shared>>)
      tpu.yield
    }) : () -> ()
    %add3A_15 = arith.constant 384 : i32
    %add3A_16 = arith.addi %mul3A_8, %add3A_15 : i32
    "tpu.region"() ({
      %run_scoped3A = tpu.sem_alloc : memref<!tpu.dma_semaphore, #tpu.memory_space<semaphore_mem>>
      %dma_start3A = arith.constant 0 : i32
      %dma_start3A_39 = tpu.memref_slice %arg14[%add3A_16, %dma_start3A] : memref<10008x128xf32, #tpu.memory_space<vmem_shared>> -> memref<128x128xf32, #tpu.memory_space<vmem_shared>>
      %dma_start3A_40 = arith.constant 0 : i32
      %dma_start3A_41 = tpu.memref_slice %arg14[%add3A_16, %dma_start3A_40] : memref<10008x128xf32, #tpu.memory_space<vmem_shared>> -> memref<128x128xf32, #tpu.memory_space<vmem_shared>>
      tpu.enqueue_dma source(%arg8 : memref<128x128xf32, #tpu.memory_space<vmem>>) target(%dma_start3A_41 : memref<128x128xf32, #tpu.memory_space<vmem_shared>>) target_semaphore(%run_scoped3A : memref<!tpu.dma_semaphore, #tpu.memory_space<semaphore_mem>>)
      %dma_wait3A = arith.constant 0 : i32
      %dma_wait3A_42 = tpu.memref_slice %arg14[%add3A_16, %dma_wait3A] : memref<10008x128xf32, #tpu.memory_space<vmem_shared>> -> memref<128x128xf32, #tpu.memory_space<vmem_shared>>
      %dma_wait3A_43 = arith.constant 0 : i32
      %dma_wait3A_44 = tpu.memref_slice %arg14[%add3A_16, %dma_wait3A_43] : memref<10008x128xf32, #tpu.memory_space<vmem_shared>> -> memref<128x128xf32, #tpu.memory_space<vmem_shared>>
      tpu.wait_dma2 semaphore(%run_scoped3A : memref<!tpu.dma_semaphore, #tpu.memory_space<semaphore_mem>>) src(%arg8 : memref<128x128xf32, #tpu.memory_space<vmem>>) dst(%dma_wait3A_44 : memref<128x128xf32, #tpu.memory_space<vmem_shared>>)
      tpu.yield
    }) : () -> ()
    %add3A_17 = arith.constant 512 : i32
    %add3A_18 = arith.addi %mul3A_8, %add3A_17 : i32
    "tpu.region"() ({
      %run_scoped3A = tpu.sem_alloc : memref<!tpu.dma_semaphore, #tpu.memory_space<semaphore_mem>>
      %dma_start3A = arith.constant 0 : i32
      %dma_start3A_39 = arith.constant 0 : i32
      %dma_start3A_40 = tpu.memref_slice %arg8[%dma_start3A, %dma_start3A_39] : memref<128x128xf32, #tpu.memory_space<vmem>> -> memref<112x128xf32, #tpu.memory_space<vmem>>
      %dma_start3A_41 = arith.constant 0 : i32
      %dma_start3A_42 = tpu.memref_slice %arg14[%add3A_18, %dma_start3A_41] : memref<10008x128xf32, #tpu.memory_space<vmem_shared>> -> memref<112x128xf32, #tpu.memory_space<vmem_shared>>
      %dma_start3A_43 = arith.constant 0 : i32
      %dma_start3A_44 = tpu.memref_slice %arg14[%add3A_18, %dma_start3A_43] : memref<10008x128xf32, #tpu.memory_space<vmem_shared>> -> memref<112x128xf32, #tpu.memory_space<vmem_shared>>
      %dma_start3A_45 = arith.constant 0 : i32
      %dma_start3A_46 = arith.constant 0 : i32
      %dma_start3A_47 = tpu.memref_slice %arg8[%dma_start3A_45, %dma_start3A_46] : memref<128x128xf32, #tpu.memory_space<vmem>> -> memref<112x128xf32, #tpu.memory_space<vmem>>
      tpu.enqueue_dma source(%dma_start3A_47 : memref<112x128xf32, #tpu.memory_space<vmem>>) target(%dma_start3A_44 : memref<112x128xf32, #tpu.memory_space<vmem_shared>>) target_semaphore(%run_scoped3A : memref<!tpu.dma_semaphore, #tpu.memory_space<semaphore_mem>>)
      %dma_wait3A = arith.constant 0 : i32
      %dma_wait3A_48 = arith.constant 0 : i32
      %dma_wait3A_49 = tpu.memref_slice %arg8[%dma_wait3A, %dma_wait3A_48] : memref<128x128xf32, #tpu.memory_space<vmem>> -> memref<112x128xf32, #tpu.memory_space<vmem>>
      %dma_wait3A_50 = arith.constant 0 : i32
      %dma_wait3A_51 = tpu.memref_slice %arg14[%add3A_18, %dma_wait3A_50] : memref<10008x128xf32, #tpu.memory_space<vmem_shared>> -> memref<112x128xf32, #tpu.memory_space<vmem_shared>>
      %dma_wait3A_52 = arith.constant 0 : i32
      %dma_wait3A_53 = tpu.memref_slice %arg14[%add3A_18, %dma_wait3A_52] : memref<10008x128xf32, #tpu.memory_space<vmem_shared>> -> memref<112x128xf32, #tpu.memory_space<vmem_shared>>
      %dma_wait3A_54 = arith.constant 0 : i32
      %dma_wait3A_55 = arith.constant 0 : i32
      %dma_wait3A_56 = tpu.memref_slice %arg8[%dma_wait3A_54, %dma_wait3A_55] : memref<128x128xf32, #tpu.memory_space<vmem>> -> memref<112x128xf32, #tpu.memory_space<vmem>>
      tpu.wait_dma2 semaphore(%run_scoped3A : memref<!tpu.dma_semaphore, #tpu.memory_space<semaphore_mem>>) src(%dma_wait3A_56 : memref<112x128xf32, #tpu.memory_space<vmem>>) dst(%dma_wait3A_53 : memref<112x128xf32, #tpu.memory_space<vmem_shared>>)
      tpu.yield
    }) : () -> ()
    %eq3A = arith.constant 15 : i32
    %eq3A_19 = arith.cmpi eq, %arg1, %eq3A : i32
    %convert_element_type3A = arith.extui %eq3A_19 : i1 to i32
    %cond3A = arith.constant 0 : i32
    %cond3A_20 = arith.cmpi ne, %convert_element_type3A, %cond3A : i32
    scf.if %cond3A_20 {
      "tpu.region"() ({
        %run_scoped3A = tpu.sem_alloc : memref<!tpu.dma_semaphore, #tpu.memory_space<semaphore_mem>>
        %dma_start3A = arith.constant 0 : i32
        %dma_start3A_39 = arith.constant 0 : i32
        %dma_start3A_40 = tpu.memref_slice %arg8[%dma_start3A, %dma_start3A_39] : memref<128x128xf32, #tpu.memory_space<vmem>> -> memref<24x128xf32, #tpu.memory_space<vmem>>
        %dma_start3A_41 = arith.constant 9984 : i32
        %dma_start3A_42 = arith.constant 0 : i32
        %dma_start3A_43 = tpu.memref_slice %arg14[%dma_start3A_41, %dma_start3A_42] : memref<10008x128xf32, #tpu.memory_space<vmem_shared>> -> memref<24x128xf32, #tpu.memory_space<vmem_shared>>
        %dma_start3A_44 = arith.constant 9984 : i32
        %dma_start3A_45 = arith.constant 0 : i32
        %dma_start3A_46 = tpu.memref_slice %arg14[%dma_start3A_44, %dma_start3A_45] : memref<10008x128xf32, #tpu.memory_space<vmem_shared>> -> memref<24x128xf32, #tpu.memory_space<vmem_shared>>
        %dma_start3A_47 = arith.constant 0 : i32
        %dma_start3A_48 = arith.constant 0 : i32
        %dma_start3A_49 = tpu.memref_slice %arg8[%dma_start3A_47, %dma_start3A_48] : memref<128x128xf32, #tpu.memory_space<vmem>> -> memref<24x128xf32, #tpu.memory_space<vmem>>
        tpu.enqueue_dma source(%dma_start3A_49 : memref<24x128xf32, #tpu.memory_space<vmem>>) target(%dma_start3A_46 : memref<24x128xf32, #tpu.memory_space<vmem_shared>>) target_semaphore(%run_scoped3A : memref<!tpu.dma_semaphore, #tpu.memory_space<semaphore_mem>>)
        %dma_wait3A = arith.constant 0 : i32
        %dma_wait3A_50 = arith.constant 0 : i32
        %dma_wait3A_51 = tpu.memref_slice %arg8[%dma_wait3A, %dma_wait3A_50] : memref<128x128xf32, #tpu.memory_space<vmem>> -> memref<24x128xf32, #tpu.memory_space<vmem>>
        %dma_wait3A_52 = arith.constant 9984 : i32
        %dma_wait3A_53 = arith.constant 0 : i32
        %dma_wait3A_54 = tpu.memref_slice %arg14[%dma_wait3A_52, %dma_wait3A_53] : memref<10008x128xf32, #tpu.memory_space<vmem_shared>> -> memref<24x128xf32, #tpu.memory_space<vmem_shared>>
        %dma_wait3A_55 = arith.constant 9984 : i32
        %dma_wait3A_56 = arith.constant 0 : i32
        %dma_wait3A_57 = tpu.memref_slice %arg14[%dma_wait3A_55, %dma_wait3A_56] : memref<10008x128xf32, #tpu.memory_space<vmem_shared>> -> memref<24x128xf32, #tpu.memory_space<vmem_shared>>
        %dma_wait3A_58 = arith.constant 0 : i32
        %dma_wait3A_59 = arith.constant 0 : i32
        %dma_wait3A_60 = tpu.memref_slice %arg8[%dma_wait3A_58, %dma_wait3A_59] : memref<128x128xf32, #tpu.memory_space<vmem>> -> memref<24x128xf32, #tpu.memory_space<vmem>>
        tpu.wait_dma2 semaphore(%run_scoped3A : memref<!tpu.dma_semaphore, #tpu.memory_space<semaphore_mem>>) src(%dma_wait3A_60 : memref<24x128xf32, #tpu.memory_space<vmem>>) dst(%dma_wait3A_57 : memref<24x128xf32, #tpu.memory_space<vmem_shared>>)
        tpu.yield
      }) : () -> ()
    } else {
    }
    %barrier3A = arith.constant 0 : index
    tpu.barrier barrier_id(%barrier3A)
    %mul3A_21 = arith.constant 80 : i32
    %mul3A_22 = arith.muli %add3A, %mul3A_21 : i32
    %scan3A_23 = arith.constant 0 : i32
    %scan3A_24 = arith.constant 0 : i32
    %scan3A_25 = arith.constant 40 : i32
    %scan3A_26 = arith.addi %scan3A_24, %scan3A_25 : i32
    %scan3A_27 = arith.constant 1 : i32
    %scan3A_28 = scf.for %scan3A_39 = %scan3A_24 to %scan3A_26 step %scan3A_27 iter_args(%scan3A_40 = %scan3A_23) -> (i32)  : i32 {
      %mul3A_41 = arith.constant 2 : i32
      %mul3A_42 = arith.muli %mul3A_41, %scan3A_39 : i32
      %add3A_43 = arith.addi %mul3A_22, %mul3A_42 : i32
      %mul3A_44 = arith.constant 128 : i32
      %mul3A_45 = arith.muli %add3A_43, %mul3A_44 : i32
      "tpu.region"() ({
        %run_scoped3A = tpu.sem_alloc : memref<!tpu.dma_semaphore, #tpu.memory_space<semaphore_mem>>
        %dma_start3A_61 = tpu.memref_slice %arg3[%mul3A_45] : memref<327680xi32, #tpu.memory_space<hbm>> -> memref<128xi32, #tpu.memory_space<hbm>>
        %dma_start3A_62 = tpu.memref_slice %arg3[%mul3A_45] : memref<327680xi32, #tpu.memory_space<hbm>> -> memref<128xi32, #tpu.memory_space<hbm>>
        tpu.enqueue_dma source(%dma_start3A_62 : memref<128xi32, #tpu.memory_space<hbm>>) target(%arg6 : memref<128xi32, #tpu.memory_space<vmem>>) target_semaphore(%run_scoped3A : memref<!tpu.dma_semaphore, #tpu.memory_space<semaphore_mem>>)
        %dma_wait3A_63 = tpu.memref_slice %arg3[%mul3A_45] : memref<327680xi32, #tpu.memory_space<hbm>> -> memref<128xi32, #tpu.memory_space<hbm>>
        %dma_wait3A_64 = tpu.memref_slice %arg3[%mul3A_45] : memref<327680xi32, #tpu.memory_space<hbm>> -> memref<128xi32, #tpu.memory_space<hbm>>
        tpu.wait_dma2 semaphore(%run_scoped3A : memref<!tpu.dma_semaphore, #tpu.memory_space<semaphore_mem>>) src(%dma_wait3A_64 : memref<128xi32, #tpu.memory_space<hbm>>) dst(%arg6 : memref<128xi32, #tpu.memory_space<vmem>>)
        tpu.yield
      }) : () -> ()
      "tpu.region"() ({
        %run_scoped3A = tpu.sem_alloc : memref<!tpu.dma_semaphore, #tpu.memory_space<semaphore_mem>>
        %dma_start3A_61 = tpu.memref_slice %arg4[%mul3A_45] : memref<327680xi32, #tpu.memory_space<hbm>> -> memref<128xi32, #tpu.memory_space<hbm>>
        %dma_start3A_62 = tpu.memref_slice %arg4[%mul3A_45] : memref<327680xi32, #tpu.memory_space<hbm>> -> memref<128xi32, #tpu.memory_space<hbm>>
        tpu.enqueue_dma source(%dma_start3A_62 : memref<128xi32, #tpu.memory_space<hbm>>) target(%arg7 : memref<128xi32, #tpu.memory_space<vmem>>) target_semaphore(%run_scoped3A : memref<!tpu.dma_semaphore, #tpu.memory_space<semaphore_mem>>)
        %dma_wait3A_63 = tpu.memref_slice %arg4[%mul3A_45] : memref<327680xi32, #tpu.memory_space<hbm>> -> memref<128xi32, #tpu.memory_space<hbm>>
        %dma_wait3A_64 = tpu.memref_slice %arg4[%mul3A_45] : memref<327680xi32, #tpu.memory_space<hbm>> -> memref<128xi32, #tpu.memory_space<hbm>>
        tpu.wait_dma2 semaphore(%run_scoped3A : memref<!tpu.dma_semaphore, #tpu.memory_space<semaphore_mem>>) src(%dma_wait3A_64 : memref<128xi32, #tpu.memory_space<hbm>>) dst(%arg7 : memref<128xi32, #tpu.memory_space<vmem>>)
        tpu.yield
      }) : () -> ()
      %dma_start3A = arith.constant 0 : i32
      %dma_start3A_46 = arith.constant 0 : i32
      %dma_start3A_47 = tpu.memref_slice %arg2[%dma_start3A, %dma_start3A_46] : memref<10000x128xf32, #tpu.memory_space<hbm>> -> memref<10000x128xf32, #tpu.memory_space<hbm>>
      tpu.enqueue_indirect_dma source(%dma_start3A_47 : memref<10000x128xf32, #tpu.memory_space<hbm>>) target(%arg8 : memref<128x128xf32, #tpu.memory_space<vmem>>) offsets(%arg6 : memref<128xi32, #tpu.memory_space<vmem>>) semaphore(%arg9 : memref<!tpu.dma_semaphore, #tpu.memory_space<semaphore_mem>>)
      %add3A_48 = arith.constant 128 : i32
      %add3A_49 = arith.addi %mul3A_45, %add3A_48 : i32
      "tpu.region"() ({
        %run_scoped3A = tpu.sem_alloc : memref<!tpu.dma_semaphore, #tpu.memory_space<semaphore_mem>>
        %dma_start3A_61 = tpu.memref_slice %arg3[%add3A_49] : memref<327680xi32, #tpu.memory_space<hbm>> -> memref<128xi32, #tpu.memory_space<hbm>>
        %dma_start3A_62 = tpu.memref_slice %arg3[%add3A_49] : memref<327680xi32, #tpu.memory_space<hbm>> -> memref<128xi32, #tpu.memory_space<hbm>>
        tpu.enqueue_dma source(%dma_start3A_62 : memref<128xi32, #tpu.memory_space<hbm>>) target(%arg10 : memref<128xi32, #tpu.memory_space<vmem>>) target_semaphore(%run_scoped3A : memref<!tpu.dma_semaphore, #tpu.memory_space<semaphore_mem>>)
        %dma_wait3A_63 = tpu.memref_slice %arg3[%add3A_49] : memref<327680xi32, #tpu.memory_space<hbm>> -> memref<128xi32, #tpu.memory_space<hbm>>
        %dma_wait3A_64 = tpu.memref_slice %arg3[%add3A_49] : memref<327680xi32, #tpu.memory_space<hbm>> -> memref<128xi32, #tpu.memory_space<hbm>>
        tpu.wait_dma2 semaphore(%run_scoped3A : memref<!tpu.dma_semaphore, #tpu.memory_space<semaphore_mem>>) src(%dma_wait3A_64 : memref<128xi32, #tpu.memory_space<hbm>>) dst(%arg10 : memref<128xi32, #tpu.memory_space<vmem>>)
        tpu.yield
      }) : () -> ()
      %add3A_50 = arith.constant 128 : i32
      %add3A_51 = arith.addi %mul3A_45, %add3A_50 : i32
      "tpu.region"() ({
        %run_scoped3A = tpu.sem_alloc : memref<!tpu.dma_semaphore, #tpu.memory_space<semaphore_mem>>
        %dma_start3A_61 = tpu.memref_slice %arg4[%add3A_51] : memref<327680xi32, #tpu.memory_space<hbm>> -> memref<128xi32, #tpu.memory_space<hbm>>
        %dma_start3A_62 = tpu.memref_slice %arg4[%add3A_51] : memref<327680xi32, #tpu.memory_space<hbm>> -> memref<128xi32, #tpu.memory_space<hbm>>
        tpu.enqueue_dma source(%dma_start3A_62 : memref<128xi32, #tpu.memory_space<hbm>>) target(%arg11 : memref<128xi32, #tpu.memory_space<vmem>>) target_semaphore(%run_scoped3A : memref<!tpu.dma_semaphore, #tpu.memory_space<semaphore_mem>>)
        %dma_wait3A_63 = tpu.memref_slice %arg4[%add3A_51] : memref<327680xi32, #tpu.memory_space<hbm>> -> memref<128xi32, #tpu.memory_space<hbm>>
        %dma_wait3A_64 = tpu.memref_slice %arg4[%add3A_51] : memref<327680xi32, #tpu.memory_space<hbm>> -> memref<128xi32, #tpu.memory_space<hbm>>
        tpu.wait_dma2 semaphore(%run_scoped3A : memref<!tpu.dma_semaphore, #tpu.memory_space<semaphore_mem>>) src(%dma_wait3A_64 : memref<128xi32, #tpu.memory_space<hbm>>) dst(%arg11 : memref<128xi32, #tpu.memory_space<vmem>>)
        tpu.yield
      }) : () -> ()
      %dma_start3A_52 = arith.constant 0 : i32
      %dma_start3A_53 = arith.constant 0 : i32
      %dma_start3A_54 = tpu.memref_slice %arg2[%dma_start3A_52, %dma_start3A_53] : memref<10000x128xf32, #tpu.memory_space<hbm>> -> memref<10000x128xf32, #tpu.memory_space<hbm>>
      tpu.enqueue_indirect_dma source(%dma_start3A_54 : memref<10000x128xf32, #tpu.memory_space<hbm>>) target(%arg12 : memref<128x128xf32, #tpu.memory_space<vmem>>) offsets(%arg10 : memref<128xi32, #tpu.memory_space<vmem>>) semaphore(%arg13 : memref<!tpu.dma_semaphore, #tpu.memory_space<semaphore_mem>>)
      %dma_wait3A = arith.constant 0 : i32
      %dma_wait3A_55 = arith.constant 0 : i32
      %dma_wait3A_56 = tpu.memref_slice %arg2[%dma_wait3A, %dma_wait3A_55] : memref<10000x128xf32, #tpu.memory_space<hbm>> -> memref<10000x128xf32, #tpu.memory_space<hbm>>
      tpu.wait_indirect_dma semaphore(%arg9 : memref<!tpu.dma_semaphore, #tpu.memory_space<semaphore_mem>>) src(%dma_wait3A_56 : memref<10000x128xf32, #tpu.memory_space<hbm>>) dst(%arg8 : memref<128x128xf32, #tpu.memory_space<vmem>>)
      "tpu.region"() ({
        %run_scoped3A = tpu.sem_alloc : memref<!tpu.dma_semaphore, #tpu.memory_space<semaphore_mem>>
        %dma_start3A_61 = arith.constant 0 : i32
        %dma_start3A_62 = arith.constant 0 : i32
        %dma_start3A_63 = tpu.memref_slice %arg14[%dma_start3A_61, %dma_start3A_62] : memref<10008x128xf32, #tpu.memory_space<vmem_shared>> -> memref<10008x128xf32, #tpu.memory_space<vmem_shared>>
        tpu.enqueue_indirect_dma source(%arg8 : memref<128x128xf32, #tpu.memory_space<vmem>>) target(%dma_start3A_63 : memref<10008x128xf32, #tpu.memory_space<vmem_shared>>) offsets(%arg7 : memref<128xi32, #tpu.memory_space<vmem>>) semaphore(%run_scoped3A : memref<!tpu.dma_semaphore, #tpu.memory_space<semaphore_mem>>) {add = true}
        %dma_wait3A_64 = arith.constant 0 : i32
        %dma_wait3A_65 = arith.constant 0 : i32
        %dma_wait3A_66 = tpu.memref_slice %arg14[%dma_wait3A_64, %dma_wait3A_65] : memref<10008x128xf32, #tpu.memory_space<vmem_shared>> -> memref<10008x128xf32, #tpu.memory_space<vmem_shared>>
        tpu.wait_indirect_dma semaphore(%run_scoped3A : memref<!tpu.dma_semaphore, #tpu.memory_space<semaphore_mem>>) src(%arg8 : memref<128x128xf32, #tpu.memory_space<vmem>>) dst(%dma_wait3A_66 : memref<10008x128xf32, #tpu.memory_space<vmem_shared>>)
        tpu.yield
      }) : () -> ()
      %dma_wait3A_57 = arith.constant 0 : i32
      %dma_wait3A_58 = arith.constant 0 : i32
      %dma_wait3A_59 = tpu.memref_slice %arg2[%dma_wait3A_57, %dma_wait3A_58] : memref<10000x128xf32, #tpu.memory_space<hbm>> -> memref<10000x128xf32, #tpu.memory_space<hbm>>
      tpu.wait_indirect_dma semaphore(%arg13 : memref<!tpu.dma_semaphore, #tpu.memory_space<semaphore_mem>>) src(%dma_wait3A_59 : memref<10000x128xf32, #tpu.memory_space<hbm>>) dst(%arg12 : memref<128x128xf32, #tpu.memory_space<vmem>>)
      "tpu.region"() ({
        %run_scoped3A = tpu.sem_alloc : memref<!tpu.dma_semaphore, #tpu.memory_space<semaphore_mem>>
        %dma_start3A_61 = arith.constant 0 : i32
        %dma_start3A_62 = arith.constant 0 : i32
        %dma_start3A_63 = tpu.memref_slice %arg14[%dma_start3A_61, %dma_start3A_62] : memref<10008x128xf32, #tpu.memory_space<vmem_shared>> -> memref<10008x128xf32, #tpu.memory_space<vmem_shared>>
        tpu.enqueue_indirect_dma source(%arg12 : memref<128x128xf32, #tpu.memory_space<vmem>>) target(%dma_start3A_63 : memref<10008x128xf32, #tpu.memory_space<vmem_shared>>) offsets(%arg11 : memref<128xi32, #tpu.memory_space<vmem>>) semaphore(%run_scoped3A : memref<!tpu.dma_semaphore, #tpu.memory_space<semaphore_mem>>) {add = true}
        %dma_wait3A_64 = arith.constant 0 : i32
        %dma_wait3A_65 = arith.constant 0 : i32
        %dma_wait3A_66 = tpu.memref_slice %arg14[%dma_wait3A_64, %dma_wait3A_65] : memref<10008x128xf32, #tpu.memory_space<vmem_shared>> -> memref<10008x128xf32, #tpu.memory_space<vmem_shared>>
        tpu.wait_indirect_dma semaphore(%run_scoped3A : memref<!tpu.dma_semaphore, #tpu.memory_space<semaphore_mem>>) src(%arg12 : memref<128x128xf32, #tpu.memory_space<vmem>>) dst(%dma_wait3A_66 : memref<10008x128xf32, #tpu.memory_space<vmem_shared>>)
        tpu.yield
      }) : () -> ()
      %scan3A_60 = arith.constant 0 : i32
      scf.yield %scan3A_60 : i32
    }
    %scan3A_29 = arith.constant 40 : i32
    %barrier3A_30 = arith.constant 0 : index
    tpu.barrier barrier_id(%barrier3A_30)
    %mul3A_31 = arith.constant 10000 : i32
    %mul3A_32 = arith.muli %arg0, %mul3A_31 : i32
    %add3A_33 = arith.addi %mul3A_32, %mul3A_8 : i32
    "tpu.region"() ({
      %run_scoped3A = tpu.sem_alloc : memref<!tpu.dma_semaphore, #tpu.memory_space<semaphore_mem>>
      %dma_start3A = arith.constant 0 : i32
      %dma_start3A_39 = tpu.memref_slice %arg5[%add3A_33, %dma_start3A] : memref<20000x128xf32, #tpu.memory_space<hbm>> -> memref<624x128xf32, #tpu.memory_space<hbm>>
      %dma_start3A_40 = arith.constant 0 : i32
      %dma_start3A_41 = tpu.memref_slice %arg14[%mul3A_8, %dma_start3A_40] : memref<10008x128xf32, #tpu.memory_space<vmem_shared>> -> memref<624x128xf32, #tpu.memory_space<vmem_shared>>
      tpu.enqueue_dma source(%dma_start3A_41 : memref<624x128xf32, #tpu.memory_space<vmem_shared>>) target(%dma_start3A_39 : memref<624x128xf32, #tpu.memory_space<hbm>>) target_semaphore(%run_scoped3A : memref<!tpu.dma_semaphore, #tpu.memory_space<semaphore_mem>>)
      %dma_wait3A = arith.constant 0 : i32
      %dma_wait3A_42 = tpu.memref_slice %arg5[%add3A_33, %dma_wait3A] : memref<20000x128xf32, #tpu.memory_space<hbm>> -> memref<624x128xf32, #tpu.memory_space<hbm>>
      %dma_wait3A_43 = arith.constant 0 : i32
      %dma_wait3A_44 = tpu.memref_slice %arg14[%mul3A_8, %dma_wait3A_43] : memref<10008x128xf32, #tpu.memory_space<vmem_shared>> -> memref<624x128xf32, #tpu.memory_space<vmem_shared>>
      tpu.wait_dma2 semaphore(%run_scoped3A : memref<!tpu.dma_semaphore, #tpu.memory_space<semaphore_mem>>) src(%dma_wait3A_44 : memref<624x128xf32, #tpu.memory_space<vmem_shared>>) dst(%dma_wait3A_42 : memref<624x128xf32, #tpu.memory_space<hbm>>)
      tpu.yield
    }) : () -> ()
    %eq3A_34 = arith.constant 15 : i32
    %eq3A_35 = arith.cmpi eq, %arg1, %eq3A_34 : i32
    %convert_element_type3A_36 = arith.extui %eq3A_35 : i1 to i32
    %cond3A_37 = arith.constant 0 : i32
    %cond3A_38 = arith.cmpi ne, %convert_element_type3A_36, %cond3A_37 : i32
    scf.if %cond3A_38 {
      %mul3A_39 = arith.constant 10000 : i32
      %mul3A_40 = arith.muli %arg0, %mul3A_39 : i32
      %add3A_41 = arith.constant 9984 : i32
      %add3A_42 = arith.addi %mul3A_40, %add3A_41 : i32
      "tpu.region"() ({
        %run_scoped3A = tpu.sem_alloc : memref<!tpu.dma_semaphore, #tpu.memory_space<semaphore_mem>>
        %dma_start3A = arith.constant 0 : i32
        %dma_start3A_43 = tpu.memref_slice %arg5[%add3A_42, %dma_start3A] : memref<20000x128xf32, #tpu.memory_space<hbm>> -> memref<16x128xf32, #tpu.memory_space<hbm>>
        %dma_start3A_44 = arith.constant 9984 : i32
        %dma_start3A_45 = arith.constant 0 : i32
        %dma_start3A_46 = tpu.memref_slice %arg14[%dma_start3A_44, %dma_start3A_45] : memref<10008x128xf32, #tpu.memory_space<vmem_shared>> -> memref<16x128xf32, #tpu.memory_space<vmem_shared>>
        tpu.enqueue_dma source(%dma_start3A_46 : memref<16x128xf32, #tpu.memory_space<vmem_shared>>) target(%dma_start3A_43 : memref<16x128xf32, #tpu.memory_space<hbm>>) target_semaphore(%run_scoped3A : memref<!tpu.dma_semaphore, #tpu.memory_space<semaphore_mem>>)
        %dma_wait3A = arith.constant 0 : i32
        %dma_wait3A_47 = tpu.memref_slice %arg5[%add3A_42, %dma_wait3A] : memref<20000x128xf32, #tpu.memory_space<hbm>> -> memref<16x128xf32, #tpu.memory_space<hbm>>
        %dma_wait3A_48 = arith.constant 9984 : i32
        %dma_wait3A_49 = arith.constant 0 : i32
        %dma_wait3A_50 = tpu.memref_slice %arg14[%dma_wait3A_48, %dma_wait3A_49] : memref<10008x128xf32, #tpu.memory_space<vmem_shared>> -> memref<16x128xf32, #tpu.memory_space<vmem_shared>>
        tpu.wait_dma2 semaphore(%run_scoped3A : memref<!tpu.dma_semaphore, #tpu.memory_space<semaphore_mem>>) src(%dma_wait3A_50 : memref<16x128xf32, #tpu.memory_space<vmem_shared>>) dst(%dma_wait3A_47 : memref<16x128xf32, #tpu.memory_space<hbm>>)
        tpu.yield
      }) : () -> ()
    } else {
    }
    return
  }
}

#map = affine_map<(d0, d1) -> (0, 0)>
#map1 = affine_map<(d0, d1) -> (0)>
module attributes {stable_mosaic.version = 14 : i64} {
  func.func @_sc_scatter_body(%arg0: i32, %arg1: i32, %arg2: memref<10000x128xf32, #tpu.memory_space<hbm>>, %arg3: memref<327680xi32, #tpu.memory_space<hbm>>, %arg4: memref<327680xi32, #tpu.memory_space<hbm>>, %arg5: memref<20000x128xf32, #tpu.memory_space<hbm>>, %arg6: memref<128xi32, #tpu.memory_space<vmem>>, %arg7: memref<128xi32, #tpu.memory_space<vmem>>, %arg8: memref<128x128xf32, #tpu.memory_space<vmem>>, %arg9: memref<!tpu.dma_semaphore, #tpu.memory_space<semaphore_mem>>, %arg10: memref<128xi32, #tpu.memory_space<vmem>>, %arg11: memref<128xi32, #tpu.memory_space<vmem>>, %arg12: memref<128x128xf32, #tpu.memory_space<vmem>>, %arg13: memref<!tpu.dma_semaphore, #tpu.memory_space<semaphore_mem>>, %arg14: memref<10008x128xf32, #tpu.memory_space<vmem_shared>>) attributes {dimension_semantics = [#tpu.dimension_semantics<core_parallel>, #tpu.dimension_semantics<subcore_parallel>], iteration_bounds = array<i64: 2, 16>, scalar_prefetch = 0 : i64, scratch_operands = 9 : i64, tpu.core_type = #tpu.core_type<sc_vector_subcore>, window_params = [{transform_indices = #map}, {transform_indices = #map1}, {transform_indices = #map1}, {transform_indices = #map}]} {
    %mul3A = arith.constant 16 : i32
    %mul3A_0 = arith.muli %arg0, %mul3A : i32
    %add3A = arith.addi %mul3A_0, %arg1 : i32
    %scan3A = arith.constant 0 : i32
    %scan3A_1 = arith.constant 0 : i32
    %scan3A_2 = arith.constant 128 : i32
    %scan3A_3 = arith.addi %scan3A_1, %scan3A_2 : i32
    %scan3A_4 = arith.constant 1 : i32
    %scan3A_5 = scf.for %scan3A_39 = %scan3A_1 to %scan3A_3 step %scan3A_4 iter_args(%scan3A_40 = %scan3A) -> (i32)  : i32 {
      %scan3A_41 = arith.constant 0 : i32
      %scan3A_42 = arith.constant 0 : i32
      %scan3A_43 = arith.constant 8 : i32
      %scan3A_44 = arith.addi %scan3A_42, %scan3A_43 : i32
      %scan3A_45 = arith.constant 1 : i32
      %scan3A_46 = scf.for %scan3A_48 = %scan3A_42 to %scan3A_44 step %scan3A_45 iter_args(%scan3A_49 = %scan3A_41) -> (i32)  : i32 {
        %broadcast_in_dim3A = arith.constant 0.000000e+00 : f32
        %broadcast_in_dim3A_50 = vector.broadcast %broadcast_in_dim3A : f32 to vector<16xf32>
        %mul3A_51 = arith.constant 16 : i32
        %mul3A_52 = arith.muli %scan3A_48, %mul3A_51 : i32
        %swap3A = arith.index_cast %scan3A_39 : i32 to index
        %swap3A_53 = arith.index_cast %mul3A_52 : i32 to index
        %swap3A_54 = tpu.vector_load %arg8[%swap3A, %swap3A_53] {strides = array<i32>} : memref<128x128xf32, #tpu.memory_space<vmem>>, vector<1x16xf32>,
        %swap3A_55 = vector.shape_cast %swap3A_54 : vector<1x16xf32> to vector<16xf32>
        %swap3A_56 = vector.shape_cast %broadcast_in_dim3A_50 : vector<16xf32> to vector<1x16xf32>
        tpu.vector_store %arg8[%swap3A, %swap3A_53], %swap3A_56 {strides = array<i32>} : memref<128x128xf32, #tpu.memory_space<vmem>>, vector<1x16xf32>,
        %scan3A_57 = arith.constant 0 : i32
        scf.yield %scan3A_57 : i32
      }
      %scan3A_47 = arith.constant 8 : i32
      scf.yield %scan3A_46 : i32
    }
    %scan3A_6 = arith.constant 128 : i32
    %mul3A_7 = arith.constant 624 : i32
    %mul3A_8 = arith.muli %arg1, %mul3A_7 : i32
    %add3A_9 = arith.constant 0 : i32
    %add3A_10 = arith.addi %mul3A_8, %add3A_9 : i32
    "tpu.region"() ({
      %run_scoped3A = tpu.sem_alloc : memref<!tpu.dma_semaphore, #tpu.memory_space<semaphore_mem>>
      %dma_start3A = arith.constant 0 : i32
      %dma_start3A_39 = tpu.memref_slice %arg14[%add3A_10, %dma_start3A] : memref<10008x128xf32, #tpu.memory_space<vmem_shared>> -> memref<128x128xf32, #tpu.memory_space<vmem_shared>>
      %dma_start3A_40 = arith.constant 0 : i32
      %dma_start3A_41 = tpu.memref_slice %arg14[%add3A_10, %dma_start3A_40] : memref<10008x128xf32, #tpu.memory_space<vmem_shared>> -> memref<128x128xf32, #tpu.memory_space<vmem_shared>>
      tpu.enqueue_dma source(%arg8 : memref<128x128xf32, #tpu.memory_space<vmem>>) target(%dma_start3A_41 : memref<128x128xf32, #tpu.memory_space<vmem_shared>>) target_semaphore(%run_scoped3A : memref<!tpu.dma_semaphore, #tpu.memory_space<semaphore_mem>>)
      %dma_wait3A = arith.constant 0 : i32
      %dma_wait3A_42 = tpu.memref_slice %arg14[%add3A_10, %dma_wait3A] : memref<10008x128xf32, #tpu.memory_space<vmem_shared>> -> memref<128x128xf32, #tpu.memory_space<vmem_shared>>
      %dma_wait3A_43 = arith.constant 0 : i32
      %dma_wait3A_44 = tpu.memref_slice %arg14[%add3A_10, %dma_wait3A_43] : memref<10008x128xf32, #tpu.memory_space<vmem_shared>> -> memref<128x128xf32, #tpu.memory_space<vmem_shared>>
      tpu.wait_dma2 semaphore(%run_scoped3A : memref<!tpu.dma_semaphore, #tpu.memory_space<semaphore_mem>>) src(%arg8 : memref<128x128xf32, #tpu.memory_space<vmem>>) dst(%dma_wait3A_44 : memref<128x128xf32, #tpu.memory_space<vmem_shared>>)
      tpu.yield
    }) : () -> ()
    %add3A_11 = arith.constant 128 : i32
    %add3A_12 = arith.addi %mul3A_8, %add3A_11 : i32
    "tpu.region"() ({
      %run_scoped3A = tpu.sem_alloc : memref<!tpu.dma_semaphore, #tpu.memory_space<semaphore_mem>>
      %dma_start3A = arith.constant 0 : i32
      %dma_start3A_39 = tpu.memref_slice %arg14[%add3A_12, %dma_start3A] : memref<10008x128xf32, #tpu.memory_space<vmem_shared>> -> memref<128x128xf32, #tpu.memory_space<vmem_shared>>
      %dma_start3A_40 = arith.constant 0 : i32
      %dma_start3A_41 = tpu.memref_slice %arg14[%add3A_12, %dma_start3A_40] : memref<10008x128xf32, #tpu.memory_space<vmem_shared>> -> memref<128x128xf32, #tpu.memory_space<vmem_shared>>
      tpu.enqueue_dma source(%arg8 : memref<128x128xf32, #tpu.memory_space<vmem>>) target(%dma_start3A_41 : memref<128x128xf32, #tpu.memory_space<vmem_shared>>) target_semaphore(%run_scoped3A : memref<!tpu.dma_semaphore, #tpu.memory_space<semaphore_mem>>)
      %dma_wait3A = arith.constant 0 : i32
      %dma_wait3A_42 = tpu.memref_slice %arg14[%add3A_12, %dma_wait3A] : memref<10008x128xf32, #tpu.memory_space<vmem_shared>> -> memref<128x128xf32, #tpu.memory_space<vmem_shared>>
      %dma_wait3A_43 = arith.constant 0 : i32
      %dma_wait3A_44 = tpu.memref_slice %arg14[%add3A_12, %dma_wait3A_43] : memref<10008x128xf32, #tpu.memory_space<vmem_shared>> -> memref<128x128xf32, #tpu.memory_space<vmem_shared>>
      tpu.wait_dma2 semaphore(%run_scoped3A : memref<!tpu.dma_semaphore, #tpu.memory_space<semaphore_mem>>) src(%arg8 : memref<128x128xf32, #tpu.memory_space<vmem>>) dst(%dma_wait3A_44 : memref<128x128xf32, #tpu.memory_space<vmem_shared>>)
      tpu.yield
    }) : () -> ()
    %add3A_13 = arith.constant 256 : i32
    %add3A_14 = arith.addi %mul3A_8, %add3A_13 : i32
    "tpu.region"() ({
      %run_scoped3A = tpu.sem_alloc : memref<!tpu.dma_semaphore, #tpu.memory_space<semaphore_mem>>
      %dma_start3A = arith.constant 0 : i32
      %dma_start3A_39 = tpu.memref_slice %arg14[%add3A_14, %dma_start3A] : memref<10008x128xf32, #tpu.memory_space<vmem_shared>> -> memref<128x128xf32, #tpu.memory_space<vmem_shared>>
      %dma_start3A_40 = arith.constant 0 : i32
      %dma_start3A_41 = tpu.memref_slice %arg14[%add3A_14, %dma_start3A_40] : memref<10008x128xf32, #tpu.memory_space<vmem_shared>> -> memref<128x128xf32, #tpu.memory_space<vmem_shared>>
      tpu.enqueue_dma source(%arg8 : memref<128x128xf32, #tpu.memory_space<vmem>>) target(%dma_start3A_41 : memref<128x128xf32, #tpu.memory_space<vmem_shared>>) target_semaphore(%run_scoped3A : memref<!tpu.dma_semaphore, #tpu.memory_space<semaphore_mem>>)
      %dma_wait3A = arith.constant 0 : i32
      %dma_wait3A_42 = tpu.memref_slice %arg14[%add3A_14, %dma_wait3A] : memref<10008x128xf32, #tpu.memory_space<vmem_shared>> -> memref<128x128xf32, #tpu.memory_space<vmem_shared>>
      %dma_wait3A_43 = arith.constant 0 : i32
      %dma_wait3A_44 = tpu.memref_slice %arg14[%add3A_14, %dma_wait3A_43] : memref<10008x128xf32, #tpu.memory_space<vmem_shared>> -> memref<128x128xf32, #tpu.memory_space<vmem_shared>>
      tpu.wait_dma2 semaphore(%run_scoped3A : memref<!tpu.dma_semaphore, #tpu.memory_space<semaphore_mem>>) src(%arg8 : memref<128x128xf32, #tpu.memory_space<vmem>>) dst(%dma_wait3A_44 : memref<128x128xf32, #tpu.memory_space<vmem_shared>>)
      tpu.yield
    }) : () -> ()
    %add3A_15 = arith.constant 384 : i32
    %add3A_16 = arith.addi %mul3A_8, %add3A_15 : i32
    "tpu.region"() ({
      %run_scoped3A = tpu.sem_alloc : memref<!tpu.dma_semaphore, #tpu.memory_space<semaphore_mem>>
      %dma_start3A = arith.constant 0 : i32
      %dma_start3A_39 = tpu.memref_slice %arg14[%add3A_16, %dma_start3A] : memref<10008x128xf32, #tpu.memory_space<vmem_shared>> -> memref<128x128xf32, #tpu.memory_space<vmem_shared>>
      %dma_start3A_40 = arith.constant 0 : i32
      %dma_start3A_41 = tpu.memref_slice %arg14[%add3A_16, %dma_start3A_40] : memref<10008x128xf32, #tpu.memory_space<vmem_shared>> -> memref<128x128xf32, #tpu.memory_space<vmem_shared>>
      tpu.enqueue_dma source(%arg8 : memref<128x128xf32, #tpu.memory_space<vmem>>) target(%dma_start3A_41 : memref<128x128xf32, #tpu.memory_space<vmem_shared>>) target_semaphore(%run_scoped3A : memref<!tpu.dma_semaphore, #tpu.memory_space<semaphore_mem>>)
      %dma_wait3A = arith.constant 0 : i32
      %dma_wait3A_42 = tpu.memref_slice %arg14[%add3A_16, %dma_wait3A] : memref<10008x128xf32, #tpu.memory_space<vmem_shared>> -> memref<128x128xf32, #tpu.memory_space<vmem_shared>>
      %dma_wait3A_43 = arith.constant 0 : i32
      %dma_wait3A_44 = tpu.memref_slice %arg14[%add3A_16, %dma_wait3A_43] : memref<10008x128xf32, #tpu.memory_space<vmem_shared>> -> memref<128x128xf32, #tpu.memory_space<vmem_shared>>
      tpu.wait_dma2 semaphore(%run_scoped3A : memref<!tpu.dma_semaphore, #tpu.memory_space<semaphore_mem>>) src(%arg8 : memref<128x128xf32, #tpu.memory_space<vmem>>) dst(%dma_wait3A_44 : memref<128x128xf32, #tpu.memory_space<vmem_shared>>)
      tpu.yield
    }) : () -> ()
    %add3A_17 = arith.constant 512 : i32
    %add3A_18 = arith.addi %mul3A_8, %add3A_17 : i32
    "tpu.region"() ({
      %run_scoped3A = tpu.sem_alloc : memref<!tpu.dma_semaphore, #tpu.memory_space<semaphore_mem>>
      %dma_start3A = arith.constant 0 : i32
      %dma_start3A_39 = arith.constant 0 : i32
      %dma_start3A_40 = tpu.memref_slice %arg8[%dma_start3A, %dma_start3A_39] : memref<128x128xf32, #tpu.memory_space<vmem>> -> memref<112x128xf32, #tpu.memory_space<vmem>>
      %dma_start3A_41 = arith.constant 0 : i32
      %dma_start3A_42 = tpu.memref_slice %arg14[%add3A_18, %dma_start3A_41] : memref<10008x128xf32, #tpu.memory_space<vmem_shared>> -> memref<112x128xf32, #tpu.memory_space<vmem_shared>>
      %dma_start3A_43 = arith.constant 0 : i32
      %dma_start3A_44 = tpu.memref_slice %arg14[%add3A_18, %dma_start3A_43] : memref<10008x128xf32, #tpu.memory_space<vmem_shared>> -> memref<112x128xf32, #tpu.memory_space<vmem_shared>>
      %dma_start3A_45 = arith.constant 0 : i32
      %dma_start3A_46 = arith.constant 0 : i32
      %dma_start3A_47 = tpu.memref_slice %arg8[%dma_start3A_45, %dma_start3A_46] : memref<128x128xf32, #tpu.memory_space<vmem>> -> memref<112x128xf32, #tpu.memory_space<vmem>>
      tpu.enqueue_dma source(%dma_start3A_47 : memref<112x128xf32, #tpu.memory_space<vmem>>) target(%dma_start3A_44 : memref<112x128xf32, #tpu.memory_space<vmem_shared>>) target_semaphore(%run_scoped3A : memref<!tpu.dma_semaphore, #tpu.memory_space<semaphore_mem>>)
      %dma_wait3A = arith.constant 0 : i32
      %dma_wait3A_48 = arith.constant 0 : i32
      %dma_wait3A_49 = tpu.memref_slice %arg8[%dma_wait3A, %dma_wait3A_48] : memref<128x128xf32, #tpu.memory_space<vmem>> -> memref<112x128xf32, #tpu.memory_space<vmem>>
      %dma_wait3A_50 = arith.constant 0 : i32
      %dma_wait3A_51 = tpu.memref_slice %arg14[%add3A_18, %dma_wait3A_50] : memref<10008x128xf32, #tpu.memory_space<vmem_shared>> -> memref<112x128xf32, #tpu.memory_space<vmem_shared>>
      %dma_wait3A_52 = arith.constant 0 : i32
      %dma_wait3A_53 = tpu.memref_slice %arg14[%add3A_18, %dma_wait3A_52] : memref<10008x128xf32, #tpu.memory_space<vmem_shared>> -> memref<112x128xf32, #tpu.memory_space<vmem_shared>>
      %dma_wait3A_54 = arith.constant 0 : i32
      %dma_wait3A_55 = arith.constant 0 : i32
      %dma_wait3A_56 = tpu.memref_slice %arg8[%dma_wait3A_54, %dma_wait3A_55] : memref<128x128xf32, #tpu.memory_space<vmem>> -> memref<112x128xf32, #tpu.memory_space<vmem>>
      tpu.wait_dma2 semaphore(%run_scoped3A : memref<!tpu.dma_semaphore, #tpu.memory_space<semaphore_mem>>) src(%dma_wait3A_56 : memref<112x128xf32, #tpu.memory_space<vmem>>) dst(%dma_wait3A_53 : memref<112x128xf32, #tpu.memory_space<vmem_shared>>)
      tpu.yield
    }) : () -> ()
    %eq3A = arith.constant 15 : i32
    %eq3A_19 = arith.cmpi eq, %arg1, %eq3A : i32
    %convert_element_type3A = arith.extui %eq3A_19 : i1 to i32
    %cond3A = arith.constant 0 : i32
    %cond3A_20 = arith.cmpi ne, %convert_element_type3A, %cond3A : i32
    scf.if %cond3A_20 {
      "tpu.region"() ({
        %run_scoped3A = tpu.sem_alloc : memref<!tpu.dma_semaphore, #tpu.memory_space<semaphore_mem>>
        %dma_start3A = arith.constant 0 : i32
        %dma_start3A_39 = arith.constant 0 : i32
        %dma_start3A_40 = tpu.memref_slice %arg8[%dma_start3A, %dma_start3A_39] : memref<128x128xf32, #tpu.memory_space<vmem>> -> memref<24x128xf32, #tpu.memory_space<vmem>>
        %dma_start3A_41 = arith.constant 9984 : i32
        %dma_start3A_42 = arith.constant 0 : i32
        %dma_start3A_43 = tpu.memref_slice %arg14[%dma_start3A_41, %dma_start3A_42] : memref<10008x128xf32, #tpu.memory_space<vmem_shared>> -> memref<24x128xf32, #tpu.memory_space<vmem_shared>>
        %dma_start3A_44 = arith.constant 9984 : i32
        %dma_start3A_45 = arith.constant 0 : i32
        %dma_start3A_46 = tpu.memref_slice %arg14[%dma_start3A_44, %dma_start3A_45] : memref<10008x128xf32, #tpu.memory_space<vmem_shared>> -> memref<24x128xf32, #tpu.memory_space<vmem_shared>>
        %dma_start3A_47 = arith.constant 0 : i32
        %dma_start3A_48 = arith.constant 0 : i32
        %dma_start3A_49 = tpu.memref_slice %arg8[%dma_start3A_47, %dma_start3A_48] : memref<128x128xf32, #tpu.memory_space<vmem>> -> memref<24x128xf32, #tpu.memory_space<vmem>>
        tpu.enqueue_dma source(%dma_start3A_49 : memref<24x128xf32, #tpu.memory_space<vmem>>) target(%dma_start3A_46 : memref<24x128xf32, #tpu.memory_space<vmem_shared>>) target_semaphore(%run_scoped3A : memref<!tpu.dma_semaphore, #tpu.memory_space<semaphore_mem>>)
        %dma_wait3A = arith.constant 0 : i32
        %dma_wait3A_50 = arith.constant 0 : i32
        %dma_wait3A_51 = tpu.memref_slice %arg8[%dma_wait3A, %dma_wait3A_50] : memref<128x128xf32, #tpu.memory_space<vmem>> -> memref<24x128xf32, #tpu.memory_space<vmem>>
        %dma_wait3A_52 = arith.constant 9984 : i32
        %dma_wait3A_53 = arith.constant 0 : i32
        %dma_wait3A_54 = tpu.memref_slice %arg14[%dma_wait3A_52, %dma_wait3A_53] : memref<10008x128xf32, #tpu.memory_space<vmem_shared>> -> memref<24x128xf32, #tpu.memory_space<vmem_shared>>
        %dma_wait3A_55 = arith.constant 9984 : i32
        %dma_wait3A_56 = arith.constant 0 : i32
        %dma_wait3A_57 = tpu.memref_slice %arg14[%dma_wait3A_55, %dma_wait3A_56] : memref<10008x128xf32, #tpu.memory_space<vmem_shared>> -> memref<24x128xf32, #tpu.memory_space<vmem_shared>>
        %dma_wait3A_58 = arith.constant 0 : i32
        %dma_wait3A_59 = arith.constant 0 : i32
        %dma_wait3A_60 = tpu.memref_slice %arg8[%dma_wait3A_58, %dma_wait3A_59] : memref<128x128xf32, #tpu.memory_space<vmem>> -> memref<24x128xf32, #tpu.memory_space<vmem>>
        tpu.wait_dma2 semaphore(%run_scoped3A : memref<!tpu.dma_semaphore, #tpu.memory_space<semaphore_mem>>) src(%dma_wait3A_60 : memref<24x128xf32, #tpu.memory_space<vmem>>) dst(%dma_wait3A_57 : memref<24x128xf32, #tpu.memory_space<vmem_shared>>)
        tpu.yield
      }) : () -> ()
    } else {
    }
    %barrier3A = arith.constant 0 : index
    tpu.barrier barrier_id(%barrier3A)
    %mul3A_21 = arith.constant 80 : i32
    %mul3A_22 = arith.muli %add3A, %mul3A_21 : i32
    %scan3A_23 = arith.constant 0 : i32
    %scan3A_24 = arith.constant 0 : i32
    %scan3A_25 = arith.constant 40 : i32
    %scan3A_26 = arith.addi %scan3A_24, %scan3A_25 : i32
    %scan3A_27 = arith.constant 1 : i32
    %scan3A_28 = scf.for %scan3A_39 = %scan3A_24 to %scan3A_26 step %scan3A_27 iter_args(%scan3A_40 = %scan3A_23) -> (i32)  : i32 {
      %mul3A_41 = arith.constant 2 : i32
      %mul3A_42 = arith.muli %mul3A_41, %scan3A_39 : i32
      %add3A_43 = arith.addi %mul3A_22, %mul3A_42 : i32
      %mul3A_44 = arith.constant 128 : i32
      %mul3A_45 = arith.muli %add3A_43, %mul3A_44 : i32
      "tpu.region"() ({
        %run_scoped3A = tpu.sem_alloc : memref<!tpu.dma_semaphore, #tpu.memory_space<semaphore_mem>>
        %dma_start3A_61 = tpu.memref_slice %arg3[%mul3A_45] : memref<327680xi32, #tpu.memory_space<hbm>> -> memref<128xi32, #tpu.memory_space<hbm>>
        %dma_start3A_62 = tpu.memref_slice %arg3[%mul3A_45] : memref<327680xi32, #tpu.memory_space<hbm>> -> memref<128xi32, #tpu.memory_space<hbm>>
        tpu.enqueue_dma source(%dma_start3A_62 : memref<128xi32, #tpu.memory_space<hbm>>) target(%arg6 : memref<128xi32, #tpu.memory_space<vmem>>) target_semaphore(%run_scoped3A : memref<!tpu.dma_semaphore, #tpu.memory_space<semaphore_mem>>)
        %dma_wait3A_63 = tpu.memref_slice %arg3[%mul3A_45] : memref<327680xi32, #tpu.memory_space<hbm>> -> memref<128xi32, #tpu.memory_space<hbm>>
        %dma_wait3A_64 = tpu.memref_slice %arg3[%mul3A_45] : memref<327680xi32, #tpu.memory_space<hbm>> -> memref<128xi32, #tpu.memory_space<hbm>>
        tpu.wait_dma2 semaphore(%run_scoped3A : memref<!tpu.dma_semaphore, #tpu.memory_space<semaphore_mem>>) src(%dma_wait3A_64 : memref<128xi32, #tpu.memory_space<hbm>>) dst(%arg6 : memref<128xi32, #tpu.memory_space<vmem>>)
        tpu.yield
      }) : () -> ()
      "tpu.region"() ({
        %run_scoped3A = tpu.sem_alloc : memref<!tpu.dma_semaphore, #tpu.memory_space<semaphore_mem>>
        %dma_start3A_61 = tpu.memref_slice %arg4[%mul3A_45] : memref<327680xi32, #tpu.memory_space<hbm>> -> memref<128xi32, #tpu.memory_space<hbm>>
        %dma_start3A_62 = tpu.memref_slice %arg4[%mul3A_45] : memref<327680xi32, #tpu.memory_space<hbm>> -> memref<128xi32, #tpu.memory_space<hbm>>
        tpu.enqueue_dma source(%dma_start3A_62 : memref<128xi32, #tpu.memory_space<hbm>>) target(%arg7 : memref<128xi32, #tpu.memory_space<vmem>>) target_semaphore(%run_scoped3A : memref<!tpu.dma_semaphore, #tpu.memory_space<semaphore_mem>>)
        %dma_wait3A_63 = tpu.memref_slice %arg4[%mul3A_45] : memref<327680xi32, #tpu.memory_space<hbm>> -> memref<128xi32, #tpu.memory_space<hbm>>
        %dma_wait3A_64 = tpu.memref_slice %arg4[%mul3A_45] : memref<327680xi32, #tpu.memory_space<hbm>> -> memref<128xi32, #tpu.memory_space<hbm>>
        tpu.wait_dma2 semaphore(%run_scoped3A : memref<!tpu.dma_semaphore, #tpu.memory_space<semaphore_mem>>) src(%dma_wait3A_64 : memref<128xi32, #tpu.memory_space<hbm>>) dst(%arg7 : memref<128xi32, #tpu.memory_space<vmem>>)
        tpu.yield
      }) : () -> ()
      %dma_start3A = arith.constant 0 : i32
      %dma_start3A_46 = arith.constant 0 : i32
      %dma_start3A_47 = tpu.memref_slice %arg2[%dma_start3A, %dma_start3A_46] : memref<10000x128xf32, #tpu.memory_space<hbm>> -> memref<10000x128xf32, #tpu.memory_space<hbm>>
      tpu.enqueue_indirect_dma source(%dma_start3A_47 : memref<10000x128xf32, #tpu.memory_space<hbm>>) target(%arg8 : memref<128x128xf32, #tpu.memory_space<vmem>>) offsets(%arg6 : memref<128xi32, #tpu.memory_space<vmem>>) semaphore(%arg9 : memref<!tpu.dma_semaphore, #tpu.memory_space<semaphore_mem>>)
      %add3A_48 = arith.constant 128 : i32
      %add3A_49 = arith.addi %mul3A_45, %add3A_48 : i32
      "tpu.region"() ({
        %run_scoped3A = tpu.sem_alloc : memref<!tpu.dma_semaphore, #tpu.memory_space<semaphore_mem>>
        %dma_start3A_61 = tpu.memref_slice %arg3[%add3A_49] : memref<327680xi32, #tpu.memory_space<hbm>> -> memref<128xi32, #tpu.memory_space<hbm>>
        %dma_start3A_62 = tpu.memref_slice %arg3[%add3A_49] : memref<327680xi32, #tpu.memory_space<hbm>> -> memref<128xi32, #tpu.memory_space<hbm>>
        tpu.enqueue_dma source(%dma_start3A_62 : memref<128xi32, #tpu.memory_space<hbm>>) target(%arg10 : memref<128xi32, #tpu.memory_space<vmem>>) target_semaphore(%run_scoped3A : memref<!tpu.dma_semaphore, #tpu.memory_space<semaphore_mem>>)
        %dma_wait3A_63 = tpu.memref_slice %arg3[%add3A_49] : memref<327680xi32, #tpu.memory_space<hbm>> -> memref<128xi32, #tpu.memory_space<hbm>>
        %dma_wait3A_64 = tpu.memref_slice %arg3[%add3A_49] : memref<327680xi32, #tpu.memory_space<hbm>> -> memref<128xi32, #tpu.memory_space<hbm>>
        tpu.wait_dma2 semaphore(%run_scoped3A : memref<!tpu.dma_semaphore, #tpu.memory_space<semaphore_mem>>) src(%dma_wait3A_64 : memref<128xi32, #tpu.memory_space<hbm>>) dst(%arg10 : memref<128xi32, #tpu.memory_space<vmem>>)
        tpu.yield
      }) : () -> ()
      %add3A_50 = arith.constant 128 : i32
      %add3A_51 = arith.addi %mul3A_45, %add3A_50 : i32
      "tpu.region"() ({
        %run_scoped3A = tpu.sem_alloc : memref<!tpu.dma_semaphore, #tpu.memory_space<semaphore_mem>>
        %dma_start3A_61 = tpu.memref_slice %arg4[%add3A_51] : memref<327680xi32, #tpu.memory_space<hbm>> -> memref<128xi32, #tpu.memory_space<hbm>>
        %dma_start3A_62 = tpu.memref_slice %arg4[%add3A_51] : memref<327680xi32, #tpu.memory_space<hbm>> -> memref<128xi32, #tpu.memory_space<hbm>>
        tpu.enqueue_dma source(%dma_start3A_62 : memref<128xi32, #tpu.memory_space<hbm>>) target(%arg11 : memref<128xi32, #tpu.memory_space<vmem>>) target_semaphore(%run_scoped3A : memref<!tpu.dma_semaphore, #tpu.memory_space<semaphore_mem>>)
        %dma_wait3A_63 = tpu.memref_slice %arg4[%add3A_51] : memref<327680xi32, #tpu.memory_space<hbm>> -> memref<128xi32, #tpu.memory_space<hbm>>
        %dma_wait3A_64 = tpu.memref_slice %arg4[%add3A_51] : memref<327680xi32, #tpu.memory_space<hbm>> -> memref<128xi32, #tpu.memory_space<hbm>>
        tpu.wait_dma2 semaphore(%run_scoped3A : memref<!tpu.dma_semaphore, #tpu.memory_space<semaphore_mem>>) src(%dma_wait3A_64 : memref<128xi32, #tpu.memory_space<hbm>>) dst(%arg11 : memref<128xi32, #tpu.memory_space<vmem>>)
        tpu.yield
      }) : () -> ()
      %dma_start3A_52 = arith.constant 0 : i32
      %dma_start3A_53 = arith.constant 0 : i32
      %dma_start3A_54 = tpu.memref_slice %arg2[%dma_start3A_52, %dma_start3A_53] : memref<10000x128xf32, #tpu.memory_space<hbm>> -> memref<10000x128xf32, #tpu.memory_space<hbm>>
      tpu.enqueue_indirect_dma source(%dma_start3A_54 : memref<10000x128xf32, #tpu.memory_space<hbm>>) target(%arg12 : memref<128x128xf32, #tpu.memory_space<vmem>>) offsets(%arg10 : memref<128xi32, #tpu.memory_space<vmem>>) semaphore(%arg13 : memref<!tpu.dma_semaphore, #tpu.memory_space<semaphore_mem>>)
      %dma_wait3A = arith.constant 0 : i32
      %dma_wait3A_55 = arith.constant 0 : i32
      %dma_wait3A_56 = tpu.memref_slice %arg2[%dma_wait3A, %dma_wait3A_55] : memref<10000x128xf32, #tpu.memory_space<hbm>> -> memref<10000x128xf32, #tpu.memory_space<hbm>>
      tpu.wait_indirect_dma semaphore(%arg9 : memref<!tpu.dma_semaphore, #tpu.memory_space<semaphore_mem>>) src(%dma_wait3A_56 : memref<10000x128xf32, #tpu.memory_space<hbm>>) dst(%arg8 : memref<128x128xf32, #tpu.memory_space<vmem>>)
      "tpu.region"() ({
        %run_scoped3A = tpu.sem_alloc : memref<!tpu.dma_semaphore, #tpu.memory_space<semaphore_mem>>
        %dma_start3A_61 = arith.constant 0 : i32
        %dma_start3A_62 = arith.constant 0 : i32
        %dma_start3A_63 = tpu.memref_slice %arg14[%dma_start3A_61, %dma_start3A_62] : memref<10008x128xf32, #tpu.memory_space<vmem_shared>> -> memref<10008x128xf32, #tpu.memory_space<vmem_shared>>
        tpu.enqueue_indirect_dma source(%arg8 : memref<128x128xf32, #tpu.memory_space<vmem>>) target(%dma_start3A_63 : memref<10008x128xf32, #tpu.memory_space<vmem_shared>>) offsets(%arg7 : memref<128xi32, #tpu.memory_space<vmem>>) semaphore(%run_scoped3A : memref<!tpu.dma_semaphore, #tpu.memory_space<semaphore_mem>>) {add = true}
        %dma_wait3A_64 = arith.constant 0 : i32
        %dma_wait3A_65 = arith.constant 0 : i32
        %dma_wait3A_66 = tpu.memref_slice %arg14[%dma_wait3A_64, %dma_wait3A_65] : memref<10008x128xf32, #tpu.memory_space<vmem_shared>> -> memref<10008x128xf32, #tpu.memory_space<vmem_shared>>
        tpu.wait_indirect_dma semaphore(%run_scoped3A : memref<!tpu.dma_semaphore, #tpu.memory_space<semaphore_mem>>) src(%arg8 : memref<128x128xf32, #tpu.memory_space<vmem>>) dst(%dma_wait3A_66 : memref<10008x128xf32, #tpu.memory_space<vmem_shared>>)
        tpu.yield
      }) : () -> ()
      %dma_wait3A_57 = arith.constant 0 : i32
      %dma_wait3A_58 = arith.constant 0 : i32
      %dma_wait3A_59 = tpu.memref_slice %arg2[%dma_wait3A_57, %dma_wait3A_58] : memref<10000x128xf32, #tpu.memory_space<hbm>> -> memref<10000x128xf32, #tpu.memory_space<hbm>>
      tpu.wait_indirect_dma semaphore(%arg13 : memref<!tpu.dma_semaphore, #tpu.memory_space<semaphore_mem>>) src(%dma_wait3A_59 : memref<10000x128xf32, #tpu.memory_space<hbm>>) dst(%arg12 : memref<128x128xf32, #tpu.memory_space<vmem>>)
      "tpu.region"() ({
        %run_scoped3A = tpu.sem_alloc : memref<!tpu.dma_semaphore, #tpu.memory_space<semaphore_mem>>
        %dma_start3A_61 = arith.constant 0 : i32
        %dma_start3A_62 = arith.constant 0 : i32
        %dma_start3A_63 = tpu.memref_slice %arg14[%dma_start3A_61, %dma_start3A_62] : memref<10008x128xf32, #tpu.memory_space<vmem_shared>> -> memref<10008x128xf32, #tpu.memory_space<vmem_shared>>
        tpu.enqueue_indirect_dma source(%arg12 : memref<128x128xf32, #tpu.memory_space<vmem>>) target(%dma_start3A_63 : memref<10008x128xf32, #tpu.memory_space<vmem_shared>>) offsets(%arg11 : memref<128xi32, #tpu.memory_space<vmem>>) semaphore(%run_scoped3A : memref<!tpu.dma_semaphore, #tpu.memory_space<semaphore_mem>>) {add = true}
        %dma_wait3A_64 = arith.constant 0 : i32
        %dma_wait3A_65 = arith.constant 0 : i32
        %dma_wait3A_66 = tpu.memref_slice %arg14[%dma_wait3A_64, %dma_wait3A_65] : memref<10008x128xf32, #tpu.memory_space<vmem_shared>> -> memref<10008x128xf32, #tpu.memory_space<vmem_shared>>
        tpu.wait_indirect_dma semaphore(%run_scoped3A : memref<!tpu.dma_semaphore, #tpu.memory_space<semaphore_mem>>) src(%arg12 : memref<128x128xf32, #tpu.memory_space<vmem>>) dst(%dma_wait3A_66 : memref<10008x128xf32, #tpu.memory_space<vmem_shared>>)
        tpu.yield
      }) : () -> ()
      %scan3A_60 = arith.constant 0 : i32
      scf.yield %scan3A_60 : i32
    }
    %scan3A_29 = arith.constant 40 : i32
    %barrier3A_30 = arith.constant 0 : index
    tpu.barrier barrier_id(%barrier3A_30)
    %mul3A_31 = arith.constant 10000 : i32
    %mul3A_32 = arith.muli %arg0, %mul3A_31 : i32
    %add3A_33 = arith.addi %mul3A_32, %mul3A_8 : i32
    "tpu.region"() ({
      %run_scoped3A = tpu.sem_alloc : memref<!tpu.dma_semaphore, #tpu.memory_space<semaphore_mem>>
      %dma_start3A = arith.constant 0 : i32
      %dma_start3A_39 = tpu.memref_slice %arg5[%add3A_33, %dma_start3A] : memref<20000x128xf32, #tpu.memory_space<hbm>> -> memref<624x128xf32, #tpu.memory_space<hbm>>
      %dma_start3A_40 = arith.constant 0 : i32
      %dma_start3A_41 = tpu.memref_slice %arg14[%mul3A_8, %dma_start3A_40] : memref<10008x128xf32, #tpu.memory_space<vmem_shared>> -> memref<624x128xf32, #tpu.memory_space<vmem_shared>>
      tpu.enqueue_dma source(%dma_start3A_41 : memref<624x128xf32, #tpu.memory_space<vmem_shared>>) target(%dma_start3A_39 : memref<624x128xf32, #tpu.memory_space<hbm>>) target_semaphore(%run_scoped3A : memref<!tpu.dma_semaphore, #tpu.memory_space<semaphore_mem>>)
      %dma_wait3A = arith.constant 0 : i32
      %dma_wait3A_42 = tpu.memref_slice %arg5[%add3A_33, %dma_wait3A] : memref<20000x128xf32, #tpu.memory_space<hbm>> -> memref<624x128xf32, #tpu.memory_space<hbm>>
      %dma_wait3A_43 = arith.constant 0 : i32
      %dma_wait3A_44 = tpu.memref_slice %arg14[%mul3A_8, %dma_wait3A_43] : memref<10008x128xf32, #tpu.memory_space<vmem_shared>> -> memref<624x128xf32, #tpu.memory_space<vmem_shared>>
      tpu.wait_dma2 semaphore(%run_scoped3A : memref<!tpu.dma_semaphore, #tpu.memory_space<semaphore_mem>>) src(%dma_wait3A_44 : memref<624x128xf32, #tpu.memory_space<vmem_shared>>) dst(%dma_wait3A_42 : memref<624x128xf32, #tpu.memory_space<hbm>>)
      tpu.yield
    }) : () -> ()
    %eq3A_34 = arith.constant 15 : i32
    %eq3A_35 = arith.cmpi eq, %arg1, %eq3A_34 : i32
    %convert_element_type3A_36 = arith.extui %eq3A_35 : i1 to i32
    %cond3A_37 = arith.constant 0 : i32
    %cond3A_38 = arith.cmpi ne, %convert_element_type3A_36, %cond3A_37 : i32
    scf.if %cond3A_38 {
      %mul3A_39 = arith.constant 10000 : i32
      %mul3A_40 = arith.muli %arg0, %mul3A_39 : i32
      %add3A_41 = arith.constant 9984 : i32
      %add3A_42 = arith.addi %mul3A_40, %add3A_41 : i32
      "tpu.region"() ({
        %run_scoped3A = tpu.sem_alloc : memref<!tpu.dma_semaphore, #tpu.memory_space<semaphore_mem>>
        %dma_start3A = arith.constant 0 : i32
        %dma_start3A_43 = tpu.memref_slice %arg5[%add3A_42, %dma_start3A] : memref<20000x128xf32, #tpu.memory_space<hbm>> -> memref<16x128xf32, #tpu.memory_space<hbm>>
        %dma_start3A_44 = arith.constant 9984 : i32
        %dma_start3A_45 = arith.constant 0 : i32
        %dma_start3A_46 = tpu.memref_slice %arg14[%dma_start3A_44, %dma_start3A_45] : memref<10008x128xf32, #tpu.memory_space<vmem_shared>> -> memref<16x128xf32, #tpu.memory_space<vmem_shared>>
        tpu.enqueue_dma source(%dma_start3A_46 : memref<16x128xf32, #tpu.memory_space<vmem_shared>>) target(%dma_start3A_43 : memref<16x128xf32, #tpu.memory_space<hbm>>) target_semaphore(%run_scoped3A : memref<!tpu.dma_semaphore, #tpu.memory_space<semaphore_mem>>)
        %dma_wait3A = arith.constant 0 : i32
        %dma_wait3A_47 = tpu.memref_slice %arg5[%add3A_42, %dma_wait3A] : memref<20000x128xf32, #tpu.memory_space<hbm>> -> memref<16x128xf32, #tpu.memory_space<hbm>>
        %dma_wait3A_48 = arith.constant 9984 : i32
        %dma_wait3A_49 = arith.constant 0 : i32
        %dma_wait3A_50 = tpu.memref_slice %arg14[%dma_wait3A_48, %dma_wait3A_49] : memref<10008x128xf32, #tpu.memory_space<vmem_shared>> -> memref<16x128xf32, #tpu.memory_space<vmem_shared>>
        tpu.wait_dma2 semaphore(%run_scoped3A : memref<!tpu.dma_semaphore, #tpu.memory_space<semaphore_mem>>) src(%dma_wait3A_50 : memref<16x128xf32, #tpu.memory_space<vmem_shared>>) dst(%dma_wait3A_47 : memref<16x128xf32, #tpu.memory_space<hbm>>)
        tpu.yield
      }) : () -> ()
    } else {
    }
    return
  }
}

#map = affine_map<(d0, d1) -> (0, 0)>
#map1 = affine_map<(d0, d1) -> (0)>
module attributes {stable_mosaic.version = 14 : i64} {
  func.func @_sc_scatter_body(%arg0: i32, %arg1: i32, %arg2: memref<10000x128xf32, #tpu.memory_space<hbm>>, %arg3: memref<327680xi32, #tpu.memory_space<hbm>>, %arg4: memref<327680xi32, #tpu.memory_space<hbm>>, %arg5: memref<20000x128xf32, #tpu.memory_space<hbm>>, %arg6: memref<128xi32, #tpu.memory_space<vmem>>, %arg7: memref<128xi32, #tpu.memory_space<vmem>>, %arg8: memref<128x128xf32, #tpu.memory_space<vmem>>, %arg9: memref<!tpu.dma_semaphore, #tpu.memory_space<semaphore_mem>>, %arg10: memref<128xi32, #tpu.memory_space<vmem>>, %arg11: memref<128xi32, #tpu.memory_space<vmem>>, %arg12: memref<128x128xf32, #tpu.memory_space<vmem>>, %arg13: memref<!tpu.dma_semaphore, #tpu.memory_space<semaphore_mem>>, %arg14: memref<10008x128xf32, #tpu.memory_space<vmem_shared>>) attributes {dimension_semantics = [#tpu.dimension_semantics<core_parallel>, #tpu.dimension_semantics<subcore_parallel>], iteration_bounds = array<i64: 2, 16>, scalar_prefetch = 0 : i64, scratch_operands = 9 : i64, tpu.core_type = #tpu.core_type<sc_vector_subcore>, window_params = [{transform_indices = #map}, {transform_indices = #map1}, {transform_indices = #map1}, {transform_indices = #map}]} {
    %mul3A = arith.constant 16 : i32
    %mul3A_0 = arith.muli %arg0, %mul3A : i32
    %add3A = arith.addi %mul3A_0, %arg1 : i32
    %scan3A = arith.constant 0 : i32
    %scan3A_1 = arith.constant 0 : i32
    %scan3A_2 = arith.constant 128 : i32
    %scan3A_3 = arith.addi %scan3A_1, %scan3A_2 : i32
    %scan3A_4 = arith.constant 1 : i32
    %scan3A_5 = scf.for %scan3A_39 = %scan3A_1 to %scan3A_3 step %scan3A_4 iter_args(%scan3A_40 = %scan3A) -> (i32)  : i32 {
      %scan3A_41 = arith.constant 0 : i32
      %scan3A_42 = arith.constant 0 : i32
      %scan3A_43 = arith.constant 8 : i32
      %scan3A_44 = arith.addi %scan3A_42, %scan3A_43 : i32
      %scan3A_45 = arith.constant 1 : i32
      %scan3A_46 = scf.for %scan3A_48 = %scan3A_42 to %scan3A_44 step %scan3A_45 iter_args(%scan3A_49 = %scan3A_41) -> (i32)  : i32 {
        %broadcast_in_dim3A = arith.constant 0.000000e+00 : f32
        %broadcast_in_dim3A_50 = vector.broadcast %broadcast_in_dim3A : f32 to vector<16xf32>
        %mul3A_51 = arith.constant 16 : i32
        %mul3A_52 = arith.muli %scan3A_48, %mul3A_51 : i32
        %swap3A = arith.index_cast %scan3A_39 : i32 to index
        %swap3A_53 = arith.index_cast %mul3A_52 : i32 to index
        %swap3A_54 = tpu.vector_load %arg8[%swap3A, %swap3A_53] {strides = array<i32>} : memref<128x128xf32, #tpu.memory_space<vmem>>, vector<1x16xf32>,
        %swap3A_55 = vector.shape_cast %swap3A_54 : vector<1x16xf32> to vector<16xf32>
        %swap3A_56 = vector.shape_cast %broadcast_in_dim3A_50 : vector<16xf32> to vector<1x16xf32>
        tpu.vector_store %arg8[%swap3A, %swap3A_53], %swap3A_56 {strides = array<i32>} : memref<128x128xf32, #tpu.memory_space<vmem>>, vector<1x16xf32>,
        %scan3A_57 = arith.constant 0 : i32
        scf.yield %scan3A_57 : i32
      }
      %scan3A_47 = arith.constant 8 : i32
      scf.yield %scan3A_46 : i32
    }
    %scan3A_6 = arith.constant 128 : i32
    %mul3A_7 = arith.constant 624 : i32
    %mul3A_8 = arith.muli %arg1, %mul3A_7 : i32
    %add3A_9 = arith.constant 0 : i32
    %add3A_10 = arith.addi %mul3A_8, %add3A_9 : i32
    "tpu.region"() ({
      %run_scoped3A = tpu.sem_alloc : memref<!tpu.dma_semaphore, #tpu.memory_space<semaphore_mem>>
      %dma_start3A = arith.constant 0 : i32
      %dma_start3A_39 = tpu.memref_slice %arg14[%add3A_10, %dma_start3A] : memref<10008x128xf32, #tpu.memory_space<vmem_shared>> -> memref<128x128xf32, #tpu.memory_space<vmem_shared>>
      %dma_start3A_40 = arith.constant 0 : i32
      %dma_start3A_41 = tpu.memref_slice %arg14[%add3A_10, %dma_start3A_40] : memref<10008x128xf32, #tpu.memory_space<vmem_shared>> -> memref<128x128xf32, #tpu.memory_space<vmem_shared>>
      tpu.enqueue_dma source(%arg8 : memref<128x128xf32, #tpu.memory_space<vmem>>) target(%dma_start3A_41 : memref<128x128xf32, #tpu.memory_space<vmem_shared>>) target_semaphore(%run_scoped3A : memref<!tpu.dma_semaphore, #tpu.memory_space<semaphore_mem>>)
      %dma_wait3A = arith.constant 0 : i32
      %dma_wait3A_42 = tpu.memref_slice %arg14[%add3A_10, %dma_wait3A] : memref<10008x128xf32, #tpu.memory_space<vmem_shared>> -> memref<128x128xf32, #tpu.memory_space<vmem_shared>>
      %dma_wait3A_43 = arith.constant 0 : i32
      %dma_wait3A_44 = tpu.memref_slice %arg14[%add3A_10, %dma_wait3A_43] : memref<10008x128xf32, #tpu.memory_space<vmem_shared>> -> memref<128x128xf32, #tpu.memory_space<vmem_shared>>
      tpu.wait_dma2 semaphore(%run_scoped3A : memref<!tpu.dma_semaphore, #tpu.memory_space<semaphore_mem>>) src(%arg8 : memref<128x128xf32, #tpu.memory_space<vmem>>) dst(%dma_wait3A_44 : memref<128x128xf32, #tpu.memory_space<vmem_shared>>)
      tpu.yield
    }) : () -> ()
    %add3A_11 = arith.constant 128 : i32
    %add3A_12 = arith.addi %mul3A_8, %add3A_11 : i32
    "tpu.region"() ({
      %run_scoped3A = tpu.sem_alloc : memref<!tpu.dma_semaphore, #tpu.memory_space<semaphore_mem>>
      %dma_start3A = arith.constant 0 : i32
      %dma_start3A_39 = tpu.memref_slice %arg14[%add3A_12, %dma_start3A] : memref<10008x128xf32, #tpu.memory_space<vmem_shared>> -> memref<128x128xf32, #tpu.memory_space<vmem_shared>>
      %dma_start3A_40 = arith.constant 0 : i32
      %dma_start3A_41 = tpu.memref_slice %arg14[%add3A_12, %dma_start3A_40] : memref<10008x128xf32, #tpu.memory_space<vmem_shared>> -> memref<128x128xf32, #tpu.memory_space<vmem_shared>>
      tpu.enqueue_dma source(%arg8 : memref<128x128xf32, #tpu.memory_space<vmem>>) target(%dma_start3A_41 : memref<128x128xf32, #tpu.memory_space<vmem_shared>>) target_semaphore(%run_scoped3A : memref<!tpu.dma_semaphore, #tpu.memory_space<semaphore_mem>>)
      %dma_wait3A = arith.constant 0 : i32
      %dma_wait3A_42 = tpu.memref_slice %arg14[%add3A_12, %dma_wait3A] : memref<10008x128xf32, #tpu.memory_space<vmem_shared>> -> memref<128x128xf32, #tpu.memory_space<vmem_shared>>
      %dma_wait3A_43 = arith.constant 0 : i32
      %dma_wait3A_44 = tpu.memref_slice %arg14[%add3A_12, %dma_wait3A_43] : memref<10008x128xf32, #tpu.memory_space<vmem_shared>> -> memref<128x128xf32, #tpu.memory_space<vmem_shared>>
      tpu.wait_dma2 semaphore(%run_scoped3A : memref<!tpu.dma_semaphore, #tpu.memory_space<semaphore_mem>>) src(%arg8 : memref<128x128xf32, #tpu.memory_space<vmem>>) dst(%dma_wait3A_44 : memref<128x128xf32, #tpu.memory_space<vmem_shared>>)
      tpu.yield
    }) : () -> ()
    %add3A_13 = arith.constant 256 : i32
    %add3A_14 = arith.addi %mul3A_8, %add3A_13 : i32
    "tpu.region"() ({
      %run_scoped3A = tpu.sem_alloc : memref<!tpu.dma_semaphore, #tpu.memory_space<semaphore_mem>>
      %dma_start3A = arith.constant 0 : i32
      %dma_start3A_39 = tpu.memref_slice %arg14[%add3A_14, %dma_start3A] : memref<10008x128xf32, #tpu.memory_space<vmem_shared>> -> memref<128x128xf32, #tpu.memory_space<vmem_shared>>
      %dma_start3A_40 = arith.constant 0 : i32
      %dma_start3A_41 = tpu.memref_slice %arg14[%add3A_14, %dma_start3A_40] : memref<10008x128xf32, #tpu.memory_space<vmem_shared>> -> memref<128x128xf32, #tpu.memory_space<vmem_shared>>
      tpu.enqueue_dma source(%arg8 : memref<128x128xf32, #tpu.memory_space<vmem>>) target(%dma_start3A_41 : memref<128x128xf32, #tpu.memory_space<vmem_shared>>) target_semaphore(%run_scoped3A : memref<!tpu.dma_semaphore, #tpu.memory_space<semaphore_mem>>)
      %dma_wait3A = arith.constant 0 : i32
      %dma_wait3A_42 = tpu.memref_slice %arg14[%add3A_14, %dma_wait3A] : memref<10008x128xf32, #tpu.memory_space<vmem_shared>> -> memref<128x128xf32, #tpu.memory_space<vmem_shared>>
      %dma_wait3A_43 = arith.constant 0 : i32
      %dma_wait3A_44 = tpu.memref_slice %arg14[%add3A_14, %dma_wait3A_43] : memref<10008x128xf32, #tpu.memory_space<vmem_shared>> -> memref<128x128xf32, #tpu.memory_space<vmem_shared>>
      tpu.wait_dma2 semaphore(%run_scoped3A : memref<!tpu.dma_semaphore, #tpu.memory_space<semaphore_mem>>) src(%arg8 : memref<128x128xf32, #tpu.memory_space<vmem>>) dst(%dma_wait3A_44 : memref<128x128xf32, #tpu.memory_space<vmem_shared>>)
      tpu.yield
    }) : () -> ()
    %add3A_15 = arith.constant 384 : i32
    %add3A_16 = arith.addi %mul3A_8, %add3A_15 : i32
    "tpu.region"() ({
      %run_scoped3A = tpu.sem_alloc : memref<!tpu.dma_semaphore, #tpu.memory_space<semaphore_mem>>
      %dma_start3A = arith.constant 0 : i32
      %dma_start3A_39 = tpu.memref_slice %arg14[%add3A_16, %dma_start3A] : memref<10008x128xf32, #tpu.memory_space<vmem_shared>> -> memref<128x128xf32, #tpu.memory_space<vmem_shared>>
      %dma_start3A_40 = arith.constant 0 : i32
      %dma_start3A_41 = tpu.memref_slice %arg14[%add3A_16, %dma_start3A_40] : memref<10008x128xf32, #tpu.memory_space<vmem_shared>> -> memref<128x128xf32, #tpu.memory_space<vmem_shared>>
      tpu.enqueue_dma source(%arg8 : memref<128x128xf32, #tpu.memory_space<vmem>>) target(%dma_start3A_41 : memref<128x128xf32, #tpu.memory_space<vmem_shared>>) target_semaphore(%run_scoped3A : memref<!tpu.dma_semaphore, #tpu.memory_space<semaphore_mem>>)
      %dma_wait3A = arith.constant 0 : i32
      %dma_wait3A_42 = tpu.memref_slice %arg14[%add3A_16, %dma_wait3A] : memref<10008x128xf32, #tpu.memory_space<vmem_shared>> -> memref<128x128xf32, #tpu.memory_space<vmem_shared>>
      %dma_wait3A_43 = arith.constant 0 : i32
      %dma_wait3A_44 = tpu.memref_slice %arg14[%add3A_16, %dma_wait3A_43] : memref<10008x128xf32, #tpu.memory_space<vmem_shared>> -> memref<128x128xf32, #tpu.memory_space<vmem_shared>>
      tpu.wait_dma2 semaphore(%run_scoped3A : memref<!tpu.dma_semaphore, #tpu.memory_space<semaphore_mem>>) src(%arg8 : memref<128x128xf32, #tpu.memory_space<vmem>>) dst(%dma_wait3A_44 : memref<128x128xf32, #tpu.memory_space<vmem_shared>>)
      tpu.yield
    }) : () -> ()
    %add3A_17 = arith.constant 512 : i32
    %add3A_18 = arith.addi %mul3A_8, %add3A_17 : i32
    "tpu.region"() ({
      %run_scoped3A = tpu.sem_alloc : memref<!tpu.dma_semaphore, #tpu.memory_space<semaphore_mem>>
      %dma_start3A = arith.constant 0 : i32
      %dma_start3A_39 = arith.constant 0 : i32
      %dma_start3A_40 = tpu.memref_slice %arg8[%dma_start3A, %dma_start3A_39] : memref<128x128xf32, #tpu.memory_space<vmem>> -> memref<112x128xf32, #tpu.memory_space<vmem>>
      %dma_start3A_41 = arith.constant 0 : i32
      %dma_start3A_42 = tpu.memref_slice %arg14[%add3A_18, %dma_start3A_41] : memref<10008x128xf32, #tpu.memory_space<vmem_shared>> -> memref<112x128xf32, #tpu.memory_space<vmem_shared>>
      %dma_start3A_43 = arith.constant 0 : i32
      %dma_start3A_44 = tpu.memref_slice %arg14[%add3A_18, %dma_start3A_43] : memref<10008x128xf32, #tpu.memory_space<vmem_shared>> -> memref<112x128xf32, #tpu.memory_space<vmem_shared>>
      %dma_start3A_45 = arith.constant 0 : i32
      %dma_start3A_46 = arith.constant 0 : i32
      %dma_start3A_47 = tpu.memref_slice %arg8[%dma_start3A_45, %dma_start3A_46] : memref<128x128xf32, #tpu.memory_space<vmem>> -> memref<112x128xf32, #tpu.memory_space<vmem>>
      tpu.enqueue_dma source(%dma_start3A_47 : memref<112x128xf32, #tpu.memory_space<vmem>>) target(%dma_start3A_44 : memref<112x128xf32, #tpu.memory_space<vmem_shared>>) target_semaphore(%run_scoped3A : memref<!tpu.dma_semaphore, #tpu.memory_space<semaphore_mem>>)
      %dma_wait3A = arith.constant 0 : i32
      %dma_wait3A_48 = arith.constant 0 : i32
      %dma_wait3A_49 = tpu.memref_slice %arg8[%dma_wait3A, %dma_wait3A_48] : memref<128x128xf32, #tpu.memory_space<vmem>> -> memref<112x128xf32, #tpu.memory_space<vmem>>
      %dma_wait3A_50 = arith.constant 0 : i32
      %dma_wait3A_51 = tpu.memref_slice %arg14[%add3A_18, %dma_wait3A_50] : memref<10008x128xf32, #tpu.memory_space<vmem_shared>> -> memref<112x128xf32, #tpu.memory_space<vmem_shared>>
      %dma_wait3A_52 = arith.constant 0 : i32
      %dma_wait3A_53 = tpu.memref_slice %arg14[%add3A_18, %dma_wait3A_52] : memref<10008x128xf32, #tpu.memory_space<vmem_shared>> -> memref<112x128xf32, #tpu.memory_space<vmem_shared>>
      %dma_wait3A_54 = arith.constant 0 : i32
      %dma_wait3A_55 = arith.constant 0 : i32
      %dma_wait3A_56 = tpu.memref_slice %arg8[%dma_wait3A_54, %dma_wait3A_55] : memref<128x128xf32, #tpu.memory_space<vmem>> -> memref<112x128xf32, #tpu.memory_space<vmem>>
      tpu.wait_dma2 semaphore(%run_scoped3A : memref<!tpu.dma_semaphore, #tpu.memory_space<semaphore_mem>>) src(%dma_wait3A_56 : memref<112x128xf32, #tpu.memory_space<vmem>>) dst(%dma_wait3A_53 : memref<112x128xf32, #tpu.memory_space<vmem_shared>>)
      tpu.yield
    }) : () -> ()
    %eq3A = arith.constant 15 : i32
    %eq3A_19 = arith.cmpi eq, %arg1, %eq3A : i32
    %convert_element_type3A = arith.extui %eq3A_19 : i1 to i32
    %cond3A = arith.constant 0 : i32
    %cond3A_20 = arith.cmpi ne, %convert_element_type3A, %cond3A : i32
    scf.if %cond3A_20 {
      "tpu.region"() ({
        %run_scoped3A = tpu.sem_alloc : memref<!tpu.dma_semaphore, #tpu.memory_space<semaphore_mem>>
        %dma_start3A = arith.constant 0 : i32
        %dma_start3A_39 = arith.constant 0 : i32
        %dma_start3A_40 = tpu.memref_slice %arg8[%dma_start3A, %dma_start3A_39] : memref<128x128xf32, #tpu.memory_space<vmem>> -> memref<24x128xf32, #tpu.memory_space<vmem>>
        %dma_start3A_41 = arith.constant 9984 : i32
        %dma_start3A_42 = arith.constant 0 : i32
        %dma_start3A_43 = tpu.memref_slice %arg14[%dma_start3A_41, %dma_start3A_42] : memref<10008x128xf32, #tpu.memory_space<vmem_shared>> -> memref<24x128xf32, #tpu.memory_space<vmem_shared>>
        %dma_start3A_44 = arith.constant 9984 : i32
        %dma_start3A_45 = arith.constant 0 : i32
        %dma_start3A_46 = tpu.memref_slice %arg14[%dma_start3A_44, %dma_start3A_45] : memref<10008x128xf32, #tpu.memory_space<vmem_shared>> -> memref<24x128xf32, #tpu.memory_space<vmem_shared>>
        %dma_start3A_47 = arith.constant 0 : i32
        %dma_start3A_48 = arith.constant 0 : i32
        %dma_start3A_49 = tpu.memref_slice %arg8[%dma_start3A_47, %dma_start3A_48] : memref<128x128xf32, #tpu.memory_space<vmem>> -> memref<24x128xf32, #tpu.memory_space<vmem>>
        tpu.enqueue_dma source(%dma_start3A_49 : memref<24x128xf32, #tpu.memory_space<vmem>>) target(%dma_start3A_46 : memref<24x128xf32, #tpu.memory_space<vmem_shared>>) target_semaphore(%run_scoped3A : memref<!tpu.dma_semaphore, #tpu.memory_space<semaphore_mem>>)
        %dma_wait3A = arith.constant 0 : i32
        %dma_wait3A_50 = arith.constant 0 : i32
        %dma_wait3A_51 = tpu.memref_slice %arg8[%dma_wait3A, %dma_wait3A_50] : memref<128x128xf32, #tpu.memory_space<vmem>> -> memref<24x128xf32, #tpu.memory_space<vmem>>
        %dma_wait3A_52 = arith.constant 9984 : i32
        %dma_wait3A_53 = arith.constant 0 : i32
        %dma_wait3A_54 = tpu.memref_slice %arg14[%dma_wait3A_52, %dma_wait3A_53] : memref<10008x128xf32, #tpu.memory_space<vmem_shared>> -> memref<24x128xf32, #tpu.memory_space<vmem_shared>>
        %dma_wait3A_55 = arith.constant 9984 : i32
        %dma_wait3A_56 = arith.constant 0 : i32
        %dma_wait3A_57 = tpu.memref_slice %arg14[%dma_wait3A_55, %dma_wait3A_56] : memref<10008x128xf32, #tpu.memory_space<vmem_shared>> -> memref<24x128xf32, #tpu.memory_space<vmem_shared>>
        %dma_wait3A_58 = arith.constant 0 : i32
        %dma_wait3A_59 = arith.constant 0 : i32
        %dma_wait3A_60 = tpu.memref_slice %arg8[%dma_wait3A_58, %dma_wait3A_59] : memref<128x128xf32, #tpu.memory_space<vmem>> -> memref<24x128xf32, #tpu.memory_space<vmem>>
        tpu.wait_dma2 semaphore(%run_scoped3A : memref<!tpu.dma_semaphore, #tpu.memory_space<semaphore_mem>>) src(%dma_wait3A_60 : memref<24x128xf32, #tpu.memory_space<vmem>>) dst(%dma_wait3A_57 : memref<24x128xf32, #tpu.memory_space<vmem_shared>>)
        tpu.yield
      }) : () -> ()
    } else {
    }
    %barrier3A = arith.constant 0 : index
    tpu.barrier barrier_id(%barrier3A)
    %mul3A_21 = arith.constant 80 : i32
    %mul3A_22 = arith.muli %add3A, %mul3A_21 : i32
    %scan3A_23 = arith.constant 0 : i32
    %scan3A_24 = arith.constant 0 : i32
    %scan3A_25 = arith.constant 40 : i32
    %scan3A_26 = arith.addi %scan3A_24, %scan3A_25 : i32
    %scan3A_27 = arith.constant 1 : i32
    %scan3A_28 = scf.for %scan3A_39 = %scan3A_24 to %scan3A_26 step %scan3A_27 iter_args(%scan3A_40 = %scan3A_23) -> (i32)  : i32 {
      %mul3A_41 = arith.constant 2 : i32
      %mul3A_42 = arith.muli %mul3A_41, %scan3A_39 : i32
      %add3A_43 = arith.addi %mul3A_22, %mul3A_42 : i32
      %mul3A_44 = arith.constant 128 : i32
      %mul3A_45 = arith.muli %add3A_43, %mul3A_44 : i32
      "tpu.region"() ({
        %run_scoped3A = tpu.sem_alloc : memref<!tpu.dma_semaphore, #tpu.memory_space<semaphore_mem>>
        %dma_start3A_61 = tpu.memref_slice %arg3[%mul3A_45] : memref<327680xi32, #tpu.memory_space<hbm>> -> memref<128xi32, #tpu.memory_space<hbm>>
        %dma_start3A_62 = tpu.memref_slice %arg3[%mul3A_45] : memref<327680xi32, #tpu.memory_space<hbm>> -> memref<128xi32, #tpu.memory_space<hbm>>
        tpu.enqueue_dma source(%dma_start3A_62 : memref<128xi32, #tpu.memory_space<hbm>>) target(%arg6 : memref<128xi32, #tpu.memory_space<vmem>>) target_semaphore(%run_scoped3A : memref<!tpu.dma_semaphore, #tpu.memory_space<semaphore_mem>>)
        %dma_wait3A_63 = tpu.memref_slice %arg3[%mul3A_45] : memref<327680xi32, #tpu.memory_space<hbm>> -> memref<128xi32, #tpu.memory_space<hbm>>
        %dma_wait3A_64 = tpu.memref_slice %arg3[%mul3A_45] : memref<327680xi32, #tpu.memory_space<hbm>> -> memref<128xi32, #tpu.memory_space<hbm>>
        tpu.wait_dma2 semaphore(%run_scoped3A : memref<!tpu.dma_semaphore, #tpu.memory_space<semaphore_mem>>) src(%dma_wait3A_64 : memref<128xi32, #tpu.memory_space<hbm>>) dst(%arg6 : memref<128xi32, #tpu.memory_space<vmem>>)
        tpu.yield
      }) : () -> ()
      "tpu.region"() ({
        %run_scoped3A = tpu.sem_alloc : memref<!tpu.dma_semaphore, #tpu.memory_space<semaphore_mem>>
        %dma_start3A_61 = tpu.memref_slice %arg4[%mul3A_45] : memref<327680xi32, #tpu.memory_space<hbm>> -> memref<128xi32, #tpu.memory_space<hbm>>
        %dma_start3A_62 = tpu.memref_slice %arg4[%mul3A_45] : memref<327680xi32, #tpu.memory_space<hbm>> -> memref<128xi32, #tpu.memory_space<hbm>>
        tpu.enqueue_dma source(%dma_start3A_62 : memref<128xi32, #tpu.memory_space<hbm>>) target(%arg7 : memref<128xi32, #tpu.memory_space<vmem>>) target_semaphore(%run_scoped3A : memref<!tpu.dma_semaphore, #tpu.memory_space<semaphore_mem>>)
        %dma_wait3A_63 = tpu.memref_slice %arg4[%mul3A_45] : memref<327680xi32, #tpu.memory_space<hbm>> -> memref<128xi32, #tpu.memory_space<hbm>>
        %dma_wait3A_64 = tpu.memref_slice %arg4[%mul3A_45] : memref<327680xi32, #tpu.memory_space<hbm>> -> memref<128xi32, #tpu.memory_space<hbm>>
        tpu.wait_dma2 semaphore(%run_scoped3A : memref<!tpu.dma_semaphore, #tpu.memory_space<semaphore_mem>>) src(%dma_wait3A_64 : memref<128xi32, #tpu.memory_space<hbm>>) dst(%arg7 : memref<128xi32, #tpu.memory_space<vmem>>)
        tpu.yield
      }) : () -> ()
      %dma_start3A = arith.constant 0 : i32
      %dma_start3A_46 = arith.constant 0 : i32
      %dma_start3A_47 = tpu.memref_slice %arg2[%dma_start3A, %dma_start3A_46] : memref<10000x128xf32, #tpu.memory_space<hbm>> -> memref<10000x128xf32, #tpu.memory_space<hbm>>
      tpu.enqueue_indirect_dma source(%dma_start3A_47 : memref<10000x128xf32, #tpu.memory_space<hbm>>) target(%arg8 : memref<128x128xf32, #tpu.memory_space<vmem>>) offsets(%arg6 : memref<128xi32, #tpu.memory_space<vmem>>) semaphore(%arg9 : memref<!tpu.dma_semaphore, #tpu.memory_space<semaphore_mem>>)
      %add3A_48 = arith.constant 128 : i32
      %add3A_49 = arith.addi %mul3A_45, %add3A_48 : i32
      "tpu.region"() ({
        %run_scoped3A = tpu.sem_alloc : memref<!tpu.dma_semaphore, #tpu.memory_space<semaphore_mem>>
        %dma_start3A_61 = tpu.memref_slice %arg3[%add3A_49] : memref<327680xi32, #tpu.memory_space<hbm>> -> memref<128xi32, #tpu.memory_space<hbm>>
        %dma_start3A_62 = tpu.memref_slice %arg3[%add3A_49] : memref<327680xi32, #tpu.memory_space<hbm>> -> memref<128xi32, #tpu.memory_space<hbm>>
        tpu.enqueue_dma source(%dma_start3A_62 : memref<128xi32, #tpu.memory_space<hbm>>) target(%arg10 : memref<128xi32, #tpu.memory_space<vmem>>) target_semaphore(%run_scoped3A : memref<!tpu.dma_semaphore, #tpu.memory_space<semaphore_mem>>)
        %dma_wait3A_63 = tpu.memref_slice %arg3[%add3A_49] : memref<327680xi32, #tpu.memory_space<hbm>> -> memref<128xi32, #tpu.memory_space<hbm>>
        %dma_wait3A_64 = tpu.memref_slice %arg3[%add3A_49] : memref<327680xi32, #tpu.memory_space<hbm>> -> memref<128xi32, #tpu.memory_space<hbm>>
        tpu.wait_dma2 semaphore(%run_scoped3A : memref<!tpu.dma_semaphore, #tpu.memory_space<semaphore_mem>>) src(%dma_wait3A_64 : memref<128xi32, #tpu.memory_space<hbm>>) dst(%arg10 : memref<128xi32, #tpu.memory_space<vmem>>)
        tpu.yield
      }) : () -> ()
      %add3A_50 = arith.constant 128 : i32
      %add3A_51 = arith.addi %mul3A_45, %add3A_50 : i32
      "tpu.region"() ({
        %run_scoped3A = tpu.sem_alloc : memref<!tpu.dma_semaphore, #tpu.memory_space<semaphore_mem>>
        %dma_start3A_61 = tpu.memref_slice %arg4[%add3A_51] : memref<327680xi32, #tpu.memory_space<hbm>> -> memref<128xi32, #tpu.memory_space<hbm>>
        %dma_start3A_62 = tpu.memref_slice %arg4[%add3A_51] : memref<327680xi32, #tpu.memory_space<hbm>> -> memref<128xi32, #tpu.memory_space<hbm>>
        tpu.enqueue_dma source(%dma_start3A_62 : memref<128xi32, #tpu.memory_space<hbm>>) target(%arg11 : memref<128xi32, #tpu.memory_space<vmem>>) target_semaphore(%run_scoped3A : memref<!tpu.dma_semaphore, #tpu.memory_space<semaphore_mem>>)
        %dma_wait3A_63 = tpu.memref_slice %arg4[%add3A_51] : memref<327680xi32, #tpu.memory_space<hbm>> -> memref<128xi32, #tpu.memory_space<hbm>>
        %dma_wait3A_64 = tpu.memref_slice %arg4[%add3A_51] : memref<327680xi32, #tpu.memory_space<hbm>> -> memref<128xi32, #tpu.memory_space<hbm>>
        tpu.wait_dma2 semaphore(%run_scoped3A : memref<!tpu.dma_semaphore, #tpu.memory_space<semaphore_mem>>) src(%dma_wait3A_64 : memref<128xi32, #tpu.memory_space<hbm>>) dst(%arg11 : memref<128xi32, #tpu.memory_space<vmem>>)
        tpu.yield
      }) : () -> ()
      %dma_start3A_52 = arith.constant 0 : i32
      %dma_start3A_53 = arith.constant 0 : i32
      %dma_start3A_54 = tpu.memref_slice %arg2[%dma_start3A_52, %dma_start3A_53] : memref<10000x128xf32, #tpu.memory_space<hbm>> -> memref<10000x128xf32, #tpu.memory_space<hbm>>
      tpu.enqueue_indirect_dma source(%dma_start3A_54 : memref<10000x128xf32, #tpu.memory_space<hbm>>) target(%arg12 : memref<128x128xf32, #tpu.memory_space<vmem>>) offsets(%arg10 : memref<128xi32, #tpu.memory_space<vmem>>) semaphore(%arg13 : memref<!tpu.dma_semaphore, #tpu.memory_space<semaphore_mem>>)
      %dma_wait3A = arith.constant 0 : i32
      %dma_wait3A_55 = arith.constant 0 : i32
      %dma_wait3A_56 = tpu.memref_slice %arg2[%dma_wait3A, %dma_wait3A_55] : memref<10000x128xf32, #tpu.memory_space<hbm>> -> memref<10000x128xf32, #tpu.memory_space<hbm>>
      tpu.wait_indirect_dma semaphore(%arg9 : memref<!tpu.dma_semaphore, #tpu.memory_space<semaphore_mem>>) src(%dma_wait3A_56 : memref<10000x128xf32, #tpu.memory_space<hbm>>) dst(%arg8 : memref<128x128xf32, #tpu.memory_space<vmem>>)
      "tpu.region"() ({
        %run_scoped3A = tpu.sem_alloc : memref<!tpu.dma_semaphore, #tpu.memory_space<semaphore_mem>>
        %dma_start3A_61 = arith.constant 0 : i32
        %dma_start3A_62 = arith.constant 0 : i32
        %dma_start3A_63 = tpu.memref_slice %arg14[%dma_start3A_61, %dma_start3A_62] : memref<10008x128xf32, #tpu.memory_space<vmem_shared>> -> memref<10008x128xf32, #tpu.memory_space<vmem_shared>>
        tpu.enqueue_indirect_dma source(%arg8 : memref<128x128xf32, #tpu.memory_space<vmem>>) target(%dma_start3A_63 : memref<10008x128xf32, #tpu.memory_space<vmem_shared>>) offsets(%arg7 : memref<128xi32, #tpu.memory_space<vmem>>) semaphore(%run_scoped3A : memref<!tpu.dma_semaphore, #tpu.memory_space<semaphore_mem>>) {add = true}
        %dma_wait3A_64 = arith.constant 0 : i32
        %dma_wait3A_65 = arith.constant 0 : i32
        %dma_wait3A_66 = tpu.memref_slice %arg14[%dma_wait3A_64, %dma_wait3A_65] : memref<10008x128xf32, #tpu.memory_space<vmem_shared>> -> memref<10008x128xf32, #tpu.memory_space<vmem_shared>>
        tpu.wait_indirect_dma semaphore(%run_scoped3A : memref<!tpu.dma_semaphore, #tpu.memory_space<semaphore_mem>>) src(%arg8 : memref<128x128xf32, #tpu.memory_space<vmem>>) dst(%dma_wait3A_66 : memref<10008x128xf32, #tpu.memory_space<vmem_shared>>)
        tpu.yield
      }) : () -> ()
      %dma_wait3A_57 = arith.constant 0 : i32
      %dma_wait3A_58 = arith.constant 0 : i32
      %dma_wait3A_59 = tpu.memref_slice %arg2[%dma_wait3A_57, %dma_wait3A_58] : memref<10000x128xf32, #tpu.memory_space<hbm>> -> memref<10000x128xf32, #tpu.memory_space<hbm>>
      tpu.wait_indirect_dma semaphore(%arg13 : memref<!tpu.dma_semaphore, #tpu.memory_space<semaphore_mem>>) src(%dma_wait3A_59 : memref<10000x128xf32, #tpu.memory_space<hbm>>) dst(%arg12 : memref<128x128xf32, #tpu.memory_space<vmem>>)
      "tpu.region"() ({
        %run_scoped3A = tpu.sem_alloc : memref<!tpu.dma_semaphore, #tpu.memory_space<semaphore_mem>>
        %dma_start3A_61 = arith.constant 0 : i32
        %dma_start3A_62 = arith.constant 0 : i32
        %dma_start3A_63 = tpu.memref_slice %arg14[%dma_start3A_61, %dma_start3A_62] : memref<10008x128xf32, #tpu.memory_space<vmem_shared>> -> memref<10008x128xf32, #tpu.memory_space<vmem_shared>>
        tpu.enqueue_indirect_dma source(%arg12 : memref<128x128xf32, #tpu.memory_space<vmem>>) target(%dma_start3A_63 : memref<10008x128xf32, #tpu.memory_space<vmem_shared>>) offsets(%arg11 : memref<128xi32, #tpu.memory_space<vmem>>) semaphore(%run_scoped3A : memref<!tpu.dma_semaphore, #tpu.memory_space<semaphore_mem>>) {add = true}
        %dma_wait3A_64 = arith.constant 0 : i32
        %dma_wait3A_65 = arith.constant 0 : i32
        %dma_wait3A_66 = tpu.memref_slice %arg14[%dma_wait3A_64, %dma_wait3A_65] : memref<10008x128xf32, #tpu.memory_space<vmem_shared>> -> memref<10008x128xf32, #tpu.memory_space<vmem_shared>>
        tpu.wait_indirect_dma semaphore(%run_scoped3A : memref<!tpu.dma_semaphore, #tpu.memory_space<semaphore_mem>>) src(%arg12 : memref<128x128xf32, #tpu.memory_space<vmem>>) dst(%dma_wait3A_66 : memref<10008x128xf32, #tpu.memory_space<vmem_shared>>)
        tpu.yield
      }) : () -> ()
      %scan3A_60 = arith.constant 0 : i32
      scf.yield %scan3A_60 : i32
    }
    %scan3A_29 = arith.constant 40 : i32
    %barrier3A_30 = arith.constant 0 : index
    tpu.barrier barrier_id(%barrier3A_30)
    %mul3A_31 = arith.constant 10000 : i32
    %mul3A_32 = arith.muli %arg0, %mul3A_31 : i32
    %add3A_33 = arith.addi %mul3A_32, %mul3A_8 : i32
    "tpu.region"() ({
      %run_scoped3A = tpu.sem_alloc : memref<!tpu.dma_semaphore, #tpu.memory_space<semaphore_mem>>
      %dma_start3A = arith.constant 0 : i32
      %dma_start3A_39 = tpu.memref_slice %arg5[%add3A_33, %dma_start3A] : memref<20000x128xf32, #tpu.memory_space<hbm>> -> memref<624x128xf32, #tpu.memory_space<hbm>>
      %dma_start3A_40 = arith.constant 0 : i32
      %dma_start3A_41 = tpu.memref_slice %arg14[%mul3A_8, %dma_start3A_40] : memref<10008x128xf32, #tpu.memory_space<vmem_shared>> -> memref<624x128xf32, #tpu.memory_space<vmem_shared>>
      tpu.enqueue_dma source(%dma_start3A_41 : memref<624x128xf32, #tpu.memory_space<vmem_shared>>) target(%dma_start3A_39 : memref<624x128xf32, #tpu.memory_space<hbm>>) target_semaphore(%run_scoped3A : memref<!tpu.dma_semaphore, #tpu.memory_space<semaphore_mem>>)
      %dma_wait3A = arith.constant 0 : i32
      %dma_wait3A_42 = tpu.memref_slice %arg5[%add3A_33, %dma_wait3A] : memref<20000x128xf32, #tpu.memory_space<hbm>> -> memref<624x128xf32, #tpu.memory_space<hbm>>
      %dma_wait3A_43 = arith.constant 0 : i32
      %dma_wait3A_44 = tpu.memref_slice %arg14[%mul3A_8, %dma_wait3A_43] : memref<10008x128xf32, #tpu.memory_space<vmem_shared>> -> memref<624x128xf32, #tpu.memory_space<vmem_shared>>
      tpu.wait_dma2 semaphore(%run_scoped3A : memref<!tpu.dma_semaphore, #tpu.memory_space<semaphore_mem>>) src(%dma_wait3A_44 : memref<624x128xf32, #tpu.memory_space<vmem_shared>>) dst(%dma_wait3A_42 : memref<624x128xf32, #tpu.memory_space<hbm>>)
      tpu.yield
    }) : () -> ()
    %eq3A_34 = arith.constant 15 : i32
    %eq3A_35 = arith.cmpi eq, %arg1, %eq3A_34 : i32
    %convert_element_type3A_36 = arith.extui %eq3A_35 : i1 to i32
    %cond3A_37 = arith.constant 0 : i32
    %cond3A_38 = arith.cmpi ne, %convert_element_type3A_36, %cond3A_37 : i32
    scf.if %cond3A_38 {
      %mul3A_39 = arith.constant 10000 : i32
      %mul3A_40 = arith.muli %arg0, %mul3A_39 : i32
      %add3A_41 = arith.constant 9984 : i32
      %add3A_42 = arith.addi %mul3A_40, %add3A_41 : i32
      "tpu.region"() ({
        %run_scoped3A = tpu.sem_alloc : memref<!tpu.dma_semaphore, #tpu.memory_space<semaphore_mem>>
        %dma_start3A = arith.constant 0 : i32
        %dma_start3A_43 = tpu.memref_slice %arg5[%add3A_42, %dma_start3A] : memref<20000x128xf32, #tpu.memory_space<hbm>> -> memref<16x128xf32, #tpu.memory_space<hbm>>
        %dma_start3A_44 = arith.constant 9984 : i32
        %dma_start3A_45 = arith.constant 0 : i32
        %dma_start3A_46 = tpu.memref_slice %arg14[%dma_start3A_44, %dma_start3A_45] : memref<10008x128xf32, #tpu.memory_space<vmem_shared>> -> memref<16x128xf32, #tpu.memory_space<vmem_shared>>
        tpu.enqueue_dma source(%dma_start3A_46 : memref<16x128xf32, #tpu.memory_space<vmem_shared>>) target(%dma_start3A_43 : memref<16x128xf32, #tpu.memory_space<hbm>>) target_semaphore(%run_scoped3A : memref<!tpu.dma_semaphore, #tpu.memory_space<semaphore_mem>>)
        %dma_wait3A = arith.constant 0 : i32
        %dma_wait3A_47 = tpu.memref_slice %arg5[%add3A_42, %dma_wait3A] : memref<20000x128xf32, #tpu.memory_space<hbm>> -> memref<16x128xf32, #tpu.memory_space<hbm>>
        %dma_wait3A_48 = arith.constant 9984 : i32
        %dma_wait3A_49 = arith.constant 0 : i32
        %dma_wait3A_50 = tpu.memref_slice %arg14[%dma_wait3A_48, %dma_wait3A_49] : memref<10008x128xf32, #tpu.memory_space<vmem_shared>> -> memref<16x128xf32, #tpu.memory_space<vmem_shared>>
        tpu.wait_dma2 semaphore(%run_scoped3A : memref<!tpu.dma_semaphore, #tpu.memory_space<semaphore_mem>>) src(%dma_wait3A_50 : memref<16x128xf32, #tpu.memory_space<vmem_shared>>) dst(%dma_wait3A_47 : memref<16x128xf32, #tpu.memory_space<hbm>>)
        tpu.yield
      }) : () -> ()
    } else {
    }
    return
  }
}

#map = affine_map<(d0, d1) -> (0, 0)>
#map1 = affine_map<(d0, d1) -> (0)>
module attributes {stable_mosaic.version = 14 : i64} {
  func.func @_sc_scatter_body(%arg0: i32, %arg1: i32, %arg2: memref<10000x128xf32, #tpu.memory_space<hbm>>, %arg3: memref<327680xi32, #tpu.memory_space<hbm>>, %arg4: memref<327680xi32, #tpu.memory_space<hbm>>, %arg5: memref<20000x128xf32, #tpu.memory_space<hbm>>, %arg6: memref<128xi32, #tpu.memory_space<vmem>>, %arg7: memref<128xi32, #tpu.memory_space<vmem>>, %arg8: memref<128x128xf32, #tpu.memory_space<vmem>>, %arg9: memref<!tpu.dma_semaphore, #tpu.memory_space<semaphore_mem>>, %arg10: memref<128xi32, #tpu.memory_space<vmem>>, %arg11: memref<128xi32, #tpu.memory_space<vmem>>, %arg12: memref<128x128xf32, #tpu.memory_space<vmem>>, %arg13: memref<!tpu.dma_semaphore, #tpu.memory_space<semaphore_mem>>, %arg14: memref<10008x128xf32, #tpu.memory_space<vmem_shared>>) attributes {dimension_semantics = [#tpu.dimension_semantics<core_parallel>, #tpu.dimension_semantics<subcore_parallel>], iteration_bounds = array<i64: 2, 16>, scalar_prefetch = 0 : i64, scratch_operands = 9 : i64, tpu.core_type = #tpu.core_type<sc_vector_subcore>, window_params = [{transform_indices = #map}, {transform_indices = #map1}, {transform_indices = #map1}, {transform_indices = #map}]} {
    %mul3A = arith.constant 16 : i32
    %mul3A_0 = arith.muli %arg0, %mul3A : i32
    %add3A = arith.addi %mul3A_0, %arg1 : i32
    %scan3A = arith.constant 0 : i32
    %scan3A_1 = arith.constant 0 : i32
    %scan3A_2 = arith.constant 128 : i32
    %scan3A_3 = arith.addi %scan3A_1, %scan3A_2 : i32
    %scan3A_4 = arith.constant 1 : i32
    %scan3A_5 = scf.for %scan3A_39 = %scan3A_1 to %scan3A_3 step %scan3A_4 iter_args(%scan3A_40 = %scan3A) -> (i32)  : i32 {
      %scan3A_41 = arith.constant 0 : i32
      %scan3A_42 = arith.constant 0 : i32
      %scan3A_43 = arith.constant 8 : i32
      %scan3A_44 = arith.addi %scan3A_42, %scan3A_43 : i32
      %scan3A_45 = arith.constant 1 : i32
      %scan3A_46 = scf.for %scan3A_48 = %scan3A_42 to %scan3A_44 step %scan3A_45 iter_args(%scan3A_49 = %scan3A_41) -> (i32)  : i32 {
        %broadcast_in_dim3A = arith.constant 0.000000e+00 : f32
        %broadcast_in_dim3A_50 = vector.broadcast %broadcast_in_dim3A : f32 to vector<16xf32>
        %mul3A_51 = arith.constant 16 : i32
        %mul3A_52 = arith.muli %scan3A_48, %mul3A_51 : i32
        %swap3A = arith.index_cast %scan3A_39 : i32 to index
        %swap3A_53 = arith.index_cast %mul3A_52 : i32 to index
        %swap3A_54 = tpu.vector_load %arg8[%swap3A, %swap3A_53] {strides = array<i32>} : memref<128x128xf32, #tpu.memory_space<vmem>>, vector<1x16xf32>,
        %swap3A_55 = vector.shape_cast %swap3A_54 : vector<1x16xf32> to vector<16xf32>
        %swap3A_56 = vector.shape_cast %broadcast_in_dim3A_50 : vector<16xf32> to vector<1x16xf32>
        tpu.vector_store %arg8[%swap3A, %swap3A_53], %swap3A_56 {strides = array<i32>} : memref<128x128xf32, #tpu.memory_space<vmem>>, vector<1x16xf32>,
        %scan3A_57 = arith.constant 0 : i32
        scf.yield %scan3A_57 : i32
      }
      %scan3A_47 = arith.constant 8 : i32
      scf.yield %scan3A_46 : i32
    }
    %scan3A_6 = arith.constant 128 : i32
    %mul3A_7 = arith.constant 624 : i32
    %mul3A_8 = arith.muli %arg1, %mul3A_7 : i32
    %add3A_9 = arith.constant 0 : i32
    %add3A_10 = arith.addi %mul3A_8, %add3A_9 : i32
    "tpu.region"() ({
      %run_scoped3A = tpu.sem_alloc : memref<!tpu.dma_semaphore, #tpu.memory_space<semaphore_mem>>
      %dma_start3A = arith.constant 0 : i32
      %dma_start3A_39 = tpu.memref_slice %arg14[%add3A_10, %dma_start3A] : memref<10008x128xf32, #tpu.memory_space<vmem_shared>> -> memref<128x128xf32, #tpu.memory_space<vmem_shared>>
      %dma_start3A_40 = arith.constant 0 : i32
      %dma_start3A_41 = tpu.memref_slice %arg14[%add3A_10, %dma_start3A_40] : memref<10008x128xf32, #tpu.memory_space<vmem_shared>> -> memref<128x128xf32, #tpu.memory_space<vmem_shared>>
      tpu.enqueue_dma source(%arg8 : memref<128x128xf32, #tpu.memory_space<vmem>>) target(%dma_start3A_41 : memref<128x128xf32, #tpu.memory_space<vmem_shared>>) target_semaphore(%run_scoped3A : memref<!tpu.dma_semaphore, #tpu.memory_space<semaphore_mem>>)
      %dma_wait3A = arith.constant 0 : i32
      %dma_wait3A_42 = tpu.memref_slice %arg14[%add3A_10, %dma_wait3A] : memref<10008x128xf32, #tpu.memory_space<vmem_shared>> -> memref<128x128xf32, #tpu.memory_space<vmem_shared>>
      %dma_wait3A_43 = arith.constant 0 : i32
      %dma_wait3A_44 = tpu.memref_slice %arg14[%add3A_10, %dma_wait3A_43] : memref<10008x128xf32, #tpu.memory_space<vmem_shared>> -> memref<128x128xf32, #tpu.memory_space<vmem_shared>>
      tpu.wait_dma2 semaphore(%run_scoped3A : memref<!tpu.dma_semaphore, #tpu.memory_space<semaphore_mem>>) src(%arg8 : memref<128x128xf32, #tpu.memory_space<vmem>>) dst(%dma_wait3A_44 : memref<128x128xf32, #tpu.memory_space<vmem_shared>>)
      tpu.yield
    }) : () -> ()
    %add3A_11 = arith.constant 128 : i32
    %add3A_12 = arith.addi %mul3A_8, %add3A_11 : i32
    "tpu.region"() ({
      %run_scoped3A = tpu.sem_alloc : memref<!tpu.dma_semaphore, #tpu.memory_space<semaphore_mem>>
      %dma_start3A = arith.constant 0 : i32
      %dma_start3A_39 = tpu.memref_slice %arg14[%add3A_12, %dma_start3A] : memref<10008x128xf32, #tpu.memory_space<vmem_shared>> -> memref<128x128xf32, #tpu.memory_space<vmem_shared>>
      %dma_start3A_40 = arith.constant 0 : i32
      %dma_start3A_41 = tpu.memref_slice %arg14[%add3A_12, %dma_start3A_40] : memref<10008x128xf32, #tpu.memory_space<vmem_shared>> -> memref<128x128xf32, #tpu.memory_space<vmem_shared>>
      tpu.enqueue_dma source(%arg8 : memref<128x128xf32, #tpu.memory_space<vmem>>) target(%dma_start3A_41 : memref<128x128xf32, #tpu.memory_space<vmem_shared>>) target_semaphore(%run_scoped3A : memref<!tpu.dma_semaphore, #tpu.memory_space<semaphore_mem>>)
      %dma_wait3A = arith.constant 0 : i32
      %dma_wait3A_42 = tpu.memref_slice %arg14[%add3A_12, %dma_wait3A] : memref<10008x128xf32, #tpu.memory_space<vmem_shared>> -> memref<128x128xf32, #tpu.memory_space<vmem_shared>>
      %dma_wait3A_43 = arith.constant 0 : i32
      %dma_wait3A_44 = tpu.memref_slice %arg14[%add3A_12, %dma_wait3A_43] : memref<10008x128xf32, #tpu.memory_space<vmem_shared>> -> memref<128x128xf32, #tpu.memory_space<vmem_shared>>
      tpu.wait_dma2 semaphore(%run_scoped3A : memref<!tpu.dma_semaphore, #tpu.memory_space<semaphore_mem>>) src(%arg8 : memref<128x128xf32, #tpu.memory_space<vmem>>) dst(%dma_wait3A_44 : memref<128x128xf32, #tpu.memory_space<vmem_shared>>)
      tpu.yield
    }) : () -> ()
    %add3A_13 = arith.constant 256 : i32
    %add3A_14 = arith.addi %mul3A_8, %add3A_13 : i32
    "tpu.region"() ({
      %run_scoped3A = tpu.sem_alloc : memref<!tpu.dma_semaphore, #tpu.memory_space<semaphore_mem>>
      %dma_start3A = arith.constant 0 : i32
      %dma_start3A_39 = tpu.memref_slice %arg14[%add3A_14, %dma_start3A] : memref<10008x128xf32, #tpu.memory_space<vmem_shared>> -> memref<128x128xf32, #tpu.memory_space<vmem_shared>>
      %dma_start3A_40 = arith.constant 0 : i32
      %dma_start3A_41 = tpu.memref_slice %arg14[%add3A_14, %dma_start3A_40] : memref<10008x128xf32, #tpu.memory_space<vmem_shared>> -> memref<128x128xf32, #tpu.memory_space<vmem_shared>>
      tpu.enqueue_dma source(%arg8 : memref<128x128xf32, #tpu.memory_space<vmem>>) target(%dma_start3A_41 : memref<128x128xf32, #tpu.memory_space<vmem_shared>>) target_semaphore(%run_scoped3A : memref<!tpu.dma_semaphore, #tpu.memory_space<semaphore_mem>>)
      %dma_wait3A = arith.constant 0 : i32
      %dma_wait3A_42 = tpu.memref_slice %arg14[%add3A_14, %dma_wait3A] : memref<10008x128xf32, #tpu.memory_space<vmem_shared>> -> memref<128x128xf32, #tpu.memory_space<vmem_shared>>
      %dma_wait3A_43 = arith.constant 0 : i32
      %dma_wait3A_44 = tpu.memref_slice %arg14[%add3A_14, %dma_wait3A_43] : memref<10008x128xf32, #tpu.memory_space<vmem_shared>> -> memref<128x128xf32, #tpu.memory_space<vmem_shared>>
      tpu.wait_dma2 semaphore(%run_scoped3A : memref<!tpu.dma_semaphore, #tpu.memory_space<semaphore_mem>>) src(%arg8 : memref<128x128xf32, #tpu.memory_space<vmem>>) dst(%dma_wait3A_44 : memref<128x128xf32, #tpu.memory_space<vmem_shared>>)
      tpu.yield
    }) : () -> ()
    %add3A_15 = arith.constant 384 : i32
    %add3A_16 = arith.addi %mul3A_8, %add3A_15 : i32
    "tpu.region"() ({
      %run_scoped3A = tpu.sem_alloc : memref<!tpu.dma_semaphore, #tpu.memory_space<semaphore_mem>>
      %dma_start3A = arith.constant 0 : i32
      %dma_start3A_39 = tpu.memref_slice %arg14[%add3A_16, %dma_start3A] : memref<10008x128xf32, #tpu.memory_space<vmem_shared>> -> memref<128x128xf32, #tpu.memory_space<vmem_shared>>
      %dma_start3A_40 = arith.constant 0 : i32
      %dma_start3A_41 = tpu.memref_slice %arg14[%add3A_16, %dma_start3A_40] : memref<10008x128xf32, #tpu.memory_space<vmem_shared>> -> memref<128x128xf32, #tpu.memory_space<vmem_shared>>
      tpu.enqueue_dma source(%arg8 : memref<128x128xf32, #tpu.memory_space<vmem>>) target(%dma_start3A_41 : memref<128x128xf32, #tpu.memory_space<vmem_shared>>) target_semaphore(%run_scoped3A : memref<!tpu.dma_semaphore, #tpu.memory_space<semaphore_mem>>)
      %dma_wait3A = arith.constant 0 : i32
      %dma_wait3A_42 = tpu.memref_slice %arg14[%add3A_16, %dma_wait3A] : memref<10008x128xf32, #tpu.memory_space<vmem_shared>> -> memref<128x128xf32, #tpu.memory_space<vmem_shared>>
      %dma_wait3A_43 = arith.constant 0 : i32
      %dma_wait3A_44 = tpu.memref_slice %arg14[%add3A_16, %dma_wait3A_43] : memref<10008x128xf32, #tpu.memory_space<vmem_shared>> -> memref<128x128xf32, #tpu.memory_space<vmem_shared>>
      tpu.wait_dma2 semaphore(%run_scoped3A : memref<!tpu.dma_semaphore, #tpu.memory_space<semaphore_mem>>) src(%arg8 : memref<128x128xf32, #tpu.memory_space<vmem>>) dst(%dma_wait3A_44 : memref<128x128xf32, #tpu.memory_space<vmem_shared>>)
      tpu.yield
    }) : () -> ()
    %add3A_17 = arith.constant 512 : i32
    %add3A_18 = arith.addi %mul3A_8, %add3A_17 : i32
    "tpu.region"() ({
      %run_scoped3A = tpu.sem_alloc : memref<!tpu.dma_semaphore, #tpu.memory_space<semaphore_mem>>
      %dma_start3A = arith.constant 0 : i32
      %dma_start3A_39 = arith.constant 0 : i32
      %dma_start3A_40 = tpu.memref_slice %arg8[%dma_start3A, %dma_start3A_39] : memref<128x128xf32, #tpu.memory_space<vmem>> -> memref<112x128xf32, #tpu.memory_space<vmem>>
      %dma_start3A_41 = arith.constant 0 : i32
      %dma_start3A_42 = tpu.memref_slice %arg14[%add3A_18, %dma_start3A_41] : memref<10008x128xf32, #tpu.memory_space<vmem_shared>> -> memref<112x128xf32, #tpu.memory_space<vmem_shared>>
      %dma_start3A_43 = arith.constant 0 : i32
      %dma_start3A_44 = tpu.memref_slice %arg14[%add3A_18, %dma_start3A_43] : memref<10008x128xf32, #tpu.memory_space<vmem_shared>> -> memref<112x128xf32, #tpu.memory_space<vmem_shared>>
      %dma_start3A_45 = arith.constant 0 : i32
      %dma_start3A_46 = arith.constant 0 : i32
      %dma_start3A_47 = tpu.memref_slice %arg8[%dma_start3A_45, %dma_start3A_46] : memref<128x128xf32, #tpu.memory_space<vmem>> -> memref<112x128xf32, #tpu.memory_space<vmem>>
      tpu.enqueue_dma source(%dma_start3A_47 : memref<112x128xf32, #tpu.memory_space<vmem>>) target(%dma_start3A_44 : memref<112x128xf32, #tpu.memory_space<vmem_shared>>) target_semaphore(%run_scoped3A : memref<!tpu.dma_semaphore, #tpu.memory_space<semaphore_mem>>)
      %dma_wait3A = arith.constant 0 : i32
      %dma_wait3A_48 = arith.constant 0 : i32
      %dma_wait3A_49 = tpu.memref_slice %arg8[%dma_wait3A, %dma_wait3A_48] : memref<128x128xf32, #tpu.memory_space<vmem>> -> memref<112x128xf32, #tpu.memory_space<vmem>>
      %dma_wait3A_50 = arith.constant 0 : i32
      %dma_wait3A_51 = tpu.memref_slice %arg14[%add3A_18, %dma_wait3A_50] : memref<10008x128xf32, #tpu.memory_space<vmem_shared>> -> memref<112x128xf32, #tpu.memory_space<vmem_shared>>
      %dma_wait3A_52 = arith.constant 0 : i32
      %dma_wait3A_53 = tpu.memref_slice %arg14[%add3A_18, %dma_wait3A_52] : memref<10008x128xf32, #tpu.memory_space<vmem_shared>> -> memref<112x128xf32, #tpu.memory_space<vmem_shared>>
      %dma_wait3A_54 = arith.constant 0 : i32
      %dma_wait3A_55 = arith.constant 0 : i32
      %dma_wait3A_56 = tpu.memref_slice %arg8[%dma_wait3A_54, %dma_wait3A_55] : memref<128x128xf32, #tpu.memory_space<vmem>> -> memref<112x128xf32, #tpu.memory_space<vmem>>
      tpu.wait_dma2 semaphore(%run_scoped3A : memref<!tpu.dma_semaphore, #tpu.memory_space<semaphore_mem>>) src(%dma_wait3A_56 : memref<112x128xf32, #tpu.memory_space<vmem>>) dst(%dma_wait3A_53 : memref<112x128xf32, #tpu.memory_space<vmem_shared>>)
      tpu.yield
    }) : () -> ()
    %eq3A = arith.constant 15 : i32
    %eq3A_19 = arith.cmpi eq, %arg1, %eq3A : i32
    %convert_element_type3A = arith.extui %eq3A_19 : i1 to i32
    %cond3A = arith.constant 0 : i32
    %cond3A_20 = arith.cmpi ne, %convert_element_type3A, %cond3A : i32
    scf.if %cond3A_20 {
      "tpu.region"() ({
        %run_scoped3A = tpu.sem_alloc : memref<!tpu.dma_semaphore, #tpu.memory_space<semaphore_mem>>
        %dma_start3A = arith.constant 0 : i32
        %dma_start3A_39 = arith.constant 0 : i32
        %dma_start3A_40 = tpu.memref_slice %arg8[%dma_start3A, %dma_start3A_39] : memref<128x128xf32, #tpu.memory_space<vmem>> -> memref<24x128xf32, #tpu.memory_space<vmem>>
        %dma_start3A_41 = arith.constant 9984 : i32
        %dma_start3A_42 = arith.constant 0 : i32
        %dma_start3A_43 = tpu.memref_slice %arg14[%dma_start3A_41, %dma_start3A_42] : memref<10008x128xf32, #tpu.memory_space<vmem_shared>> -> memref<24x128xf32, #tpu.memory_space<vmem_shared>>
        %dma_start3A_44 = arith.constant 9984 : i32
        %dma_start3A_45 = arith.constant 0 : i32
        %dma_start3A_46 = tpu.memref_slice %arg14[%dma_start3A_44, %dma_start3A_45] : memref<10008x128xf32, #tpu.memory_space<vmem_shared>> -> memref<24x128xf32, #tpu.memory_space<vmem_shared>>
        %dma_start3A_47 = arith.constant 0 : i32
        %dma_start3A_48 = arith.constant 0 : i32
        %dma_start3A_49 = tpu.memref_slice %arg8[%dma_start3A_47, %dma_start3A_48] : memref<128x128xf32, #tpu.memory_space<vmem>> -> memref<24x128xf32, #tpu.memory_space<vmem>>
        tpu.enqueue_dma source(%dma_start3A_49 : memref<24x128xf32, #tpu.memory_space<vmem>>) target(%dma_start3A_46 : memref<24x128xf32, #tpu.memory_space<vmem_shared>>) target_semaphore(%run_scoped3A : memref<!tpu.dma_semaphore, #tpu.memory_space<semaphore_mem>>)
        %dma_wait3A = arith.constant 0 : i32
        %dma_wait3A_50 = arith.constant 0 : i32
        %dma_wait3A_51 = tpu.memref_slice %arg8[%dma_wait3A, %dma_wait3A_50] : memref<128x128xf32, #tpu.memory_space<vmem>> -> memref<24x128xf32, #tpu.memory_space<vmem>>
        %dma_wait3A_52 = arith.constant 9984 : i32
        %dma_wait3A_53 = arith.constant 0 : i32
        %dma_wait3A_54 = tpu.memref_slice %arg14[%dma_wait3A_52, %dma_wait3A_53] : memref<10008x128xf32, #tpu.memory_space<vmem_shared>> -> memref<24x128xf32, #tpu.memory_space<vmem_shared>>
        %dma_wait3A_55 = arith.constant 9984 : i32
        %dma_wait3A_56 = arith.constant 0 : i32
        %dma_wait3A_57 = tpu.memref_slice %arg14[%dma_wait3A_55, %dma_wait3A_56] : memref<10008x128xf32, #tpu.memory_space<vmem_shared>> -> memref<24x128xf32, #tpu.memory_space<vmem_shared>>
        %dma_wait3A_58 = arith.constant 0 : i32
        %dma_wait3A_59 = arith.constant 0 : i32
        %dma_wait3A_60 = tpu.memref_slice %arg8[%dma_wait3A_58, %dma_wait3A_59] : memref<128x128xf32, #tpu.memory_space<vmem>> -> memref<24x128xf32, #tpu.memory_space<vmem>>
        tpu.wait_dma2 semaphore(%run_scoped3A : memref<!tpu.dma_semaphore, #tpu.memory_space<semaphore_mem>>) src(%dma_wait3A_60 : memref<24x128xf32, #tpu.memory_space<vmem>>) dst(%dma_wait3A_57 : memref<24x128xf32, #tpu.memory_space<vmem_shared>>)
        tpu.yield
      }) : () -> ()
    } else {
    }
    %barrier3A = arith.constant 0 : index
    tpu.barrier barrier_id(%barrier3A)
    %mul3A_21 = arith.constant 80 : i32
    %mul3A_22 = arith.muli %add3A, %mul3A_21 : i32
    %scan3A_23 = arith.constant 0 : i32
    %scan3A_24 = arith.constant 0 : i32
    %scan3A_25 = arith.constant 40 : i32
    %scan3A_26 = arith.addi %scan3A_24, %scan3A_25 : i32
    %scan3A_27 = arith.constant 1 : i32
    %scan3A_28 = scf.for %scan3A_39 = %scan3A_24 to %scan3A_26 step %scan3A_27 iter_args(%scan3A_40 = %scan3A_23) -> (i32)  : i32 {
      %mul3A_41 = arith.constant 2 : i32
      %mul3A_42 = arith.muli %mul3A_41, %scan3A_39 : i32
      %add3A_43 = arith.addi %mul3A_22, %mul3A_42 : i32
      %mul3A_44 = arith.constant 128 : i32
      %mul3A_45 = arith.muli %add3A_43, %mul3A_44 : i32
      "tpu.region"() ({
        %run_scoped3A = tpu.sem_alloc : memref<!tpu.dma_semaphore, #tpu.memory_space<semaphore_mem>>
        %dma_start3A_61 = tpu.memref_slice %arg3[%mul3A_45] : memref<327680xi32, #tpu.memory_space<hbm>> -> memref<128xi32, #tpu.memory_space<hbm>>
        %dma_start3A_62 = tpu.memref_slice %arg3[%mul3A_45] : memref<327680xi32, #tpu.memory_space<hbm>> -> memref<128xi32, #tpu.memory_space<hbm>>
        tpu.enqueue_dma source(%dma_start3A_62 : memref<128xi32, #tpu.memory_space<hbm>>) target(%arg6 : memref<128xi32, #tpu.memory_space<vmem>>) target_semaphore(%run_scoped3A : memref<!tpu.dma_semaphore, #tpu.memory_space<semaphore_mem>>)
        %dma_wait3A_63 = tpu.memref_slice %arg3[%mul3A_45] : memref<327680xi32, #tpu.memory_space<hbm>> -> memref<128xi32, #tpu.memory_space<hbm>>
        %dma_wait3A_64 = tpu.memref_slice %arg3[%mul3A_45] : memref<327680xi32, #tpu.memory_space<hbm>> -> memref<128xi32, #tpu.memory_space<hbm>>
        tpu.wait_dma2 semaphore(%run_scoped3A : memref<!tpu.dma_semaphore, #tpu.memory_space<semaphore_mem>>) src(%dma_wait3A_64 : memref<128xi32, #tpu.memory_space<hbm>>) dst(%arg6 : memref<128xi32, #tpu.memory_space<vmem>>)
        tpu.yield
      }) : () -> ()
      "tpu.region"() ({
        %run_scoped3A = tpu.sem_alloc : memref<!tpu.dma_semaphore, #tpu.memory_space<semaphore_mem>>
        %dma_start3A_61 = tpu.memref_slice %arg4[%mul3A_45] : memref<327680xi32, #tpu.memory_space<hbm>> -> memref<128xi32, #tpu.memory_space<hbm>>
        %dma_start3A_62 = tpu.memref_slice %arg4[%mul3A_45] : memref<327680xi32, #tpu.memory_space<hbm>> -> memref<128xi32, #tpu.memory_space<hbm>>
        tpu.enqueue_dma source(%dma_start3A_62 : memref<128xi32, #tpu.memory_space<hbm>>) target(%arg7 : memref<128xi32, #tpu.memory_space<vmem>>) target_semaphore(%run_scoped3A : memref<!tpu.dma_semaphore, #tpu.memory_space<semaphore_mem>>)
        %dma_wait3A_63 = tpu.memref_slice %arg4[%mul3A_45] : memref<327680xi32, #tpu.memory_space<hbm>> -> memref<128xi32, #tpu.memory_space<hbm>>
        %dma_wait3A_64 = tpu.memref_slice %arg4[%mul3A_45] : memref<327680xi32, #tpu.memory_space<hbm>> -> memref<128xi32, #tpu.memory_space<hbm>>
        tpu.wait_dma2 semaphore(%run_scoped3A : memref<!tpu.dma_semaphore, #tpu.memory_space<semaphore_mem>>) src(%dma_wait3A_64 : memref<128xi32, #tpu.memory_space<hbm>>) dst(%arg7 : memref<128xi32, #tpu.memory_space<vmem>>)
        tpu.yield
      }) : () -> ()
      %dma_start3A = arith.constant 0 : i32
      %dma_start3A_46 = arith.constant 0 : i32
      %dma_start3A_47 = tpu.memref_slice %arg2[%dma_start3A, %dma_start3A_46] : memref<10000x128xf32, #tpu.memory_space<hbm>> -> memref<10000x128xf32, #tpu.memory_space<hbm>>
      tpu.enqueue_indirect_dma source(%dma_start3A_47 : memref<10000x128xf32, #tpu.memory_space<hbm>>) target(%arg8 : memref<128x128xf32, #tpu.memory_space<vmem>>) offsets(%arg6 : memref<128xi32, #tpu.memory_space<vmem>>) semaphore(%arg9 : memref<!tpu.dma_semaphore, #tpu.memory_space<semaphore_mem>>)
      %add3A_48 = arith.constant 128 : i32
      %add3A_49 = arith.addi %mul3A_45, %add3A_48 : i32
      "tpu.region"() ({
        %run_scoped3A = tpu.sem_alloc : memref<!tpu.dma_semaphore, #tpu.memory_space<semaphore_mem>>
        %dma_start3A_61 = tpu.memref_slice %arg3[%add3A_49] : memref<327680xi32, #tpu.memory_space<hbm>> -> memref<128xi32, #tpu.memory_space<hbm>>
        %dma_start3A_62 = tpu.memref_slice %arg3[%add3A_49] : memref<327680xi32, #tpu.memory_space<hbm>> -> memref<128xi32, #tpu.memory_space<hbm>>
        tpu.enqueue_dma source(%dma_start3A_62 : memref<128xi32, #tpu.memory_space<hbm>>) target(%arg10 : memref<128xi32, #tpu.memory_space<vmem>>) target_semaphore(%run_scoped3A : memref<!tpu.dma_semaphore, #tpu.memory_space<semaphore_mem>>)
        %dma_wait3A_63 = tpu.memref_slice %arg3[%add3A_49] : memref<327680xi32, #tpu.memory_space<hbm>> -> memref<128xi32, #tpu.memory_space<hbm>>
        %dma_wait3A_64 = tpu.memref_slice %arg3[%add3A_49] : memref<327680xi32, #tpu.memory_space<hbm>> -> memref<128xi32, #tpu.memory_space<hbm>>
        tpu.wait_dma2 semaphore(%run_scoped3A : memref<!tpu.dma_semaphore, #tpu.memory_space<semaphore_mem>>) src(%dma_wait3A_64 : memref<128xi32, #tpu.memory_space<hbm>>) dst(%arg10 : memref<128xi32, #tpu.memory_space<vmem>>)
        tpu.yield
      }) : () -> ()
      %add3A_50 = arith.constant 128 : i32
      %add3A_51 = arith.addi %mul3A_45, %add3A_50 : i32
      "tpu.region"() ({
        %run_scoped3A = tpu.sem_alloc : memref<!tpu.dma_semaphore, #tpu.memory_space<semaphore_mem>>
        %dma_start3A_61 = tpu.memref_slice %arg4[%add3A_51] : memref<327680xi32, #tpu.memory_space<hbm>> -> memref<128xi32, #tpu.memory_space<hbm>>
        %dma_start3A_62 = tpu.memref_slice %arg4[%add3A_51] : memref<327680xi32, #tpu.memory_space<hbm>> -> memref<128xi32, #tpu.memory_space<hbm>>
        tpu.enqueue_dma source(%dma_start3A_62 : memref<128xi32, #tpu.memory_space<hbm>>) target(%arg11 : memref<128xi32, #tpu.memory_space<vmem>>) target_semaphore(%run_scoped3A : memref<!tpu.dma_semaphore, #tpu.memory_space<semaphore_mem>>)
        %dma_wait3A_63 = tpu.memref_slice %arg4[%add3A_51] : memref<327680xi32, #tpu.memory_space<hbm>> -> memref<128xi32, #tpu.memory_space<hbm>>
        %dma_wait3A_64 = tpu.memref_slice %arg4[%add3A_51] : memref<327680xi32, #tpu.memory_space<hbm>> -> memref<128xi32, #tpu.memory_space<hbm>>
        tpu.wait_dma2 semaphore(%run_scoped3A : memref<!tpu.dma_semaphore, #tpu.memory_space<semaphore_mem>>) src(%dma_wait3A_64 : memref<128xi32, #tpu.memory_space<hbm>>) dst(%arg11 : memref<128xi32, #tpu.memory_space<vmem>>)
        tpu.yield
      }) : () -> ()
      %dma_start3A_52 = arith.constant 0 : i32
      %dma_start3A_53 = arith.constant 0 : i32
      %dma_start3A_54 = tpu.memref_slice %arg2[%dma_start3A_52, %dma_start3A_53] : memref<10000x128xf32, #tpu.memory_space<hbm>> -> memref<10000x128xf32, #tpu.memory_space<hbm>>
      tpu.enqueue_indirect_dma source(%dma_start3A_54 : memref<10000x128xf32, #tpu.memory_space<hbm>>) target(%arg12 : memref<128x128xf32, #tpu.memory_space<vmem>>) offsets(%arg10 : memref<128xi32, #tpu.memory_space<vmem>>) semaphore(%arg13 : memref<!tpu.dma_semaphore, #tpu.memory_space<semaphore_mem>>)
      %dma_wait3A = arith.constant 0 : i32
      %dma_wait3A_55 = arith.constant 0 : i32
      %dma_wait3A_56 = tpu.memref_slice %arg2[%dma_wait3A, %dma_wait3A_55] : memref<10000x128xf32, #tpu.memory_space<hbm>> -> memref<10000x128xf32, #tpu.memory_space<hbm>>
      tpu.wait_indirect_dma semaphore(%arg9 : memref<!tpu.dma_semaphore, #tpu.memory_space<semaphore_mem>>) src(%dma_wait3A_56 : memref<10000x128xf32, #tpu.memory_space<hbm>>) dst(%arg8 : memref<128x128xf32, #tpu.memory_space<vmem>>)
      "tpu.region"() ({
        %run_scoped3A = tpu.sem_alloc : memref<!tpu.dma_semaphore, #tpu.memory_space<semaphore_mem>>
        %dma_start3A_61 = arith.constant 0 : i32
        %dma_start3A_62 = arith.constant 0 : i32
        %dma_start3A_63 = tpu.memref_slice %arg14[%dma_start3A_61, %dma_start3A_62] : memref<10008x128xf32, #tpu.memory_space<vmem_shared>> -> memref<10008x128xf32, #tpu.memory_space<vmem_shared>>
        tpu.enqueue_indirect_dma source(%arg8 : memref<128x128xf32, #tpu.memory_space<vmem>>) target(%dma_start3A_63 : memref<10008x128xf32, #tpu.memory_space<vmem_shared>>) offsets(%arg7 : memref<128xi32, #tpu.memory_space<vmem>>) semaphore(%run_scoped3A : memref<!tpu.dma_semaphore, #tpu.memory_space<semaphore_mem>>) {add = true}
        %dma_wait3A_64 = arith.constant 0 : i32
        %dma_wait3A_65 = arith.constant 0 : i32
        %dma_wait3A_66 = tpu.memref_slice %arg14[%dma_wait3A_64, %dma_wait3A_65] : memref<10008x128xf32, #tpu.memory_space<vmem_shared>> -> memref<10008x128xf32, #tpu.memory_space<vmem_shared>>
        tpu.wait_indirect_dma semaphore(%run_scoped3A : memref<!tpu.dma_semaphore, #tpu.memory_space<semaphore_mem>>) src(%arg8 : memref<128x128xf32, #tpu.memory_space<vmem>>) dst(%dma_wait3A_66 : memref<10008x128xf32, #tpu.memory_space<vmem_shared>>)
        tpu.yield
      }) : () -> ()
      %dma_wait3A_57 = arith.constant 0 : i32
      %dma_wait3A_58 = arith.constant 0 : i32
      %dma_wait3A_59 = tpu.memref_slice %arg2[%dma_wait3A_57, %dma_wait3A_58] : memref<10000x128xf32, #tpu.memory_space<hbm>> -> memref<10000x128xf32, #tpu.memory_space<hbm>>
      tpu.wait_indirect_dma semaphore(%arg13 : memref<!tpu.dma_semaphore, #tpu.memory_space<semaphore_mem>>) src(%dma_wait3A_59 : memref<10000x128xf32, #tpu.memory_space<hbm>>) dst(%arg12 : memref<128x128xf32, #tpu.memory_space<vmem>>)
      "tpu.region"() ({
        %run_scoped3A = tpu.sem_alloc : memref<!tpu.dma_semaphore, #tpu.memory_space<semaphore_mem>>
        %dma_start3A_61 = arith.constant 0 : i32
        %dma_start3A_62 = arith.constant 0 : i32
        %dma_start3A_63 = tpu.memref_slice %arg14[%dma_start3A_61, %dma_start3A_62] : memref<10008x128xf32, #tpu.memory_space<vmem_shared>> -> memref<10008x128xf32, #tpu.memory_space<vmem_shared>>
        tpu.enqueue_indirect_dma source(%arg12 : memref<128x128xf32, #tpu.memory_space<vmem>>) target(%dma_start3A_63 : memref<10008x128xf32, #tpu.memory_space<vmem_shared>>) offsets(%arg11 : memref<128xi32, #tpu.memory_space<vmem>>) semaphore(%run_scoped3A : memref<!tpu.dma_semaphore, #tpu.memory_space<semaphore_mem>>) {add = true}
        %dma_wait3A_64 = arith.constant 0 : i32
        %dma_wait3A_65 = arith.constant 0 : i32
        %dma_wait3A_66 = tpu.memref_slice %arg14[%dma_wait3A_64, %dma_wait3A_65] : memref<10008x128xf32, #tpu.memory_space<vmem_shared>> -> memref<10008x128xf32, #tpu.memory_space<vmem_shared>>
        tpu.wait_indirect_dma semaphore(%run_scoped3A : memref<!tpu.dma_semaphore, #tpu.memory_space<semaphore_mem>>) src(%arg12 : memref<128x128xf32, #tpu.memory_space<vmem>>) dst(%dma_wait3A_66 : memref<10008x128xf32, #tpu.memory_space<vmem_shared>>)
        tpu.yield
      }) : () -> ()
      %scan3A_60 = arith.constant 0 : i32
      scf.yield %scan3A_60 : i32
    }
    %scan3A_29 = arith.constant 40 : i32
    %barrier3A_30 = arith.constant 0 : index
    tpu.barrier barrier_id(%barrier3A_30)
    %mul3A_31 = arith.constant 10000 : i32
    %mul3A_32 = arith.muli %arg0, %mul3A_31 : i32
    %add3A_33 = arith.addi %mul3A_32, %mul3A_8 : i32
    "tpu.region"() ({
      %run_scoped3A = tpu.sem_alloc : memref<!tpu.dma_semaphore, #tpu.memory_space<semaphore_mem>>
      %dma_start3A = arith.constant 0 : i32
      %dma_start3A_39 = tpu.memref_slice %arg5[%add3A_33, %dma_start3A] : memref<20000x128xf32, #tpu.memory_space<hbm>> -> memref<624x128xf32, #tpu.memory_space<hbm>>
      %dma_start3A_40 = arith.constant 0 : i32
      %dma_start3A_41 = tpu.memref_slice %arg14[%mul3A_8, %dma_start3A_40] : memref<10008x128xf32, #tpu.memory_space<vmem_shared>> -> memref<624x128xf32, #tpu.memory_space<vmem_shared>>
      tpu.enqueue_dma source(%dma_start3A_41 : memref<624x128xf32, #tpu.memory_space<vmem_shared>>) target(%dma_start3A_39 : memref<624x128xf32, #tpu.memory_space<hbm>>) target_semaphore(%run_scoped3A : memref<!tpu.dma_semaphore, #tpu.memory_space<semaphore_mem>>)
      %dma_wait3A = arith.constant 0 : i32
      %dma_wait3A_42 = tpu.memref_slice %arg5[%add3A_33, %dma_wait3A] : memref<20000x128xf32, #tpu.memory_space<hbm>> -> memref<624x128xf32, #tpu.memory_space<hbm>>
      %dma_wait3A_43 = arith.constant 0 : i32
      %dma_wait3A_44 = tpu.memref_slice %arg14[%mul3A_8, %dma_wait3A_43] : memref<10008x128xf32, #tpu.memory_space<vmem_shared>> -> memref<624x128xf32, #tpu.memory_space<vmem_shared>>
      tpu.wait_dma2 semaphore(%run_scoped3A : memref<!tpu.dma_semaphore, #tpu.memory_space<semaphore_mem>>) src(%dma_wait3A_44 : memref<624x128xf32, #tpu.memory_space<vmem_shared>>) dst(%dma_wait3A_42 : memref<624x128xf32, #tpu.memory_space<hbm>>)
      tpu.yield
    }) : () -> ()
    %eq3A_34 = arith.constant 15 : i32
    %eq3A_35 = arith.cmpi eq, %arg1, %eq3A_34 : i32
    %convert_element_type3A_36 = arith.extui %eq3A_35 : i1 to i32
    %cond3A_37 = arith.constant 0 : i32
    %cond3A_38 = arith.cmpi ne, %convert_element_type3A_36, %cond3A_37 : i32
    scf.if %cond3A_38 {
      %mul3A_39 = arith.constant 10000 : i32
      %mul3A_40 = arith.muli %arg0, %mul3A_39 : i32
      %add3A_41 = arith.constant 9984 : i32
      %add3A_42 = arith.addi %mul3A_40, %add3A_41 : i32
      "tpu.region"() ({
        %run_scoped3A = tpu.sem_alloc : memref<!tpu.dma_semaphore, #tpu.memory_space<semaphore_mem>>
        %dma_start3A = arith.constant 0 : i32
        %dma_start3A_43 = tpu.memref_slice %arg5[%add3A_42, %dma_start3A] : memref<20000x128xf32, #tpu.memory_space<hbm>> -> memref<16x128xf32, #tpu.memory_space<hbm>>
        %dma_start3A_44 = arith.constant 9984 : i32
        %dma_start3A_45 = arith.constant 0 : i32
        %dma_start3A_46 = tpu.memref_slice %arg14[%dma_start3A_44, %dma_start3A_45] : memref<10008x128xf32, #tpu.memory_space<vmem_shared>> -> memref<16x128xf32, #tpu.memory_space<vmem_shared>>
        tpu.enqueue_dma source(%dma_start3A_46 : memref<16x128xf32, #tpu.memory_space<vmem_shared>>) target(%dma_start3A_43 : memref<16x128xf32, #tpu.memory_space<hbm>>) target_semaphore(%run_scoped3A : memref<!tpu.dma_semaphore, #tpu.memory_space<semaphore_mem>>)
        %dma_wait3A = arith.constant 0 : i32
        %dma_wait3A_47 = tpu.memref_slice %arg5[%add3A_42, %dma_wait3A] : memref<20000x128xf32, #tpu.memory_space<hbm>> -> memref<16x128xf32, #tpu.memory_space<hbm>>
        %dma_wait3A_48 = arith.constant 9984 : i32
        %dma_wait3A_49 = arith.constant 0 : i32
        %dma_wait3A_50 = tpu.memref_slice %arg14[%dma_wait3A_48, %dma_wait3A_49] : memref<10008x128xf32, #tpu.memory_space<vmem_shared>> -> memref<16x128xf32, #tpu.memory_space<vmem_shared>>
        tpu.wait_dma2 semaphore(%run_scoped3A : memref<!tpu.dma_semaphore, #tpu.memory_space<semaphore_mem>>) src(%dma_wait3A_50 : memref<16x128xf32, #tpu.memory_space<vmem_shared>>) dst(%dma_wait3A_47 : memref<16x128xf32, #tpu.memory_space<hbm>>)
        tpu.yield
      }) : () -> ()
    } else {
    }
    return
  }
}

module attributes {stable_mosaic.version = 14 : i64} {
  func.func @_mm_body(%arg0: i32, %arg1: memref<1000x128xf32, #tpu.memory_space<vmem>>, %arg2: memref<128x128xf32, #tpu.memory_space<vmem>>, %arg3: memref<1000x128xf32, #tpu.memory_space<vmem>>) attributes {dimension_semantics = [#tpu.dimension_semantics<arbitrary>], iteration_bounds = array<i64: 10>, scalar_prefetch = 0 : i64, scratch_operands = 0 : i64, tpu.core_type = #tpu.core_type<tc>, window_params = [{transform_indices = @transform_0, window_bounds = array<i64: 1000, 128>}, {pipeline_mode = #tpu.pipeline_mode<synchronous>, transform_indices = @transform_1, window_bounds = array<i64: 128, 128>}, {transform_indices = @transform_2, window_bounds = array<i64: 1000, 128>}]} {
    %get3A = arith.constant 0 : index
    %get3A_0 = arith.constant 0 : index
    %get3A_1 = vector.load %arg1[%get3A, %get3A_0] : memref<1000x128xf32, #tpu.memory_space<vmem>>, vector<1000x128xf32>
    %get3A_2 = arith.constant 0 : index
    %get3A_3 = arith.constant 0 : index
    %get3A_4 = vector.load %arg2[%get3A_2, %get3A_3] : memref<128x128xf32, #tpu.memory_space<vmem>>, vector<128x128xf32>
    %dot_general3A = arith.constant dense<0.000000e+00> : vector<1000x128xf32>
    %dot_general3A_5 = tpu.matmul %get3A_1, %get3A_4, %dot_general3A {dimension_numbers = #tpu.dot_dimension_numbers<[1], [0], [0], [1], [0, 0, 1, 1], [], []>, transpose_lhs_hint = false} : vector<1000x128xf32>, vector<128x128xf32>, vector<1000x128xf32> -> vector<1000x128xf32>
    %swap3A = arith.constant 0 : index
    %swap3A_6 = arith.constant 0 : index
    %swap3A_7 = vector.load %arg3[%swap3A, %swap3A_6] : memref<1000x128xf32, #tpu.memory_space<vmem>>, vector<1000x128xf32>
    tpu.vector_store %arg3[%swap3A, %swap3A_6], %dot_general3A_5 {strides = array<i32>} : memref<1000x128xf32, #tpu.memory_space<vmem>>, vector<1000x128xf32>,
    return
  }
  func.func @transform_0(%arg0: i32) -> (i32, i32) {
    %c0_i32 = arith.constant 0 : i32
    %c0_i32_0 = arith.constant 0 : i32
    return %arg0, %c0_i32 : i32, i32
  }
  func.func @transform_1(%arg0: i32) -> (i32, i32) {
    %c0_i32 = arith.constant 0 : i32
    %c0_i32_0 = arith.constant 0 : i32
    %c0_i32_1 = arith.constant 0 : i32
    return %c0_i32, %c0_i32_0 : i32, i32
  }
  func.func @transform_2(%arg0: i32) -> (i32, i32) {
    %c0_i32 = arith.constant 0 : i32
    %c0_i32_0 = arith.constant 0 : i32
    return %arg0, %c0_i32 : i32, i32
  }
}

module attributes {stable_mosaic.version = 14 : i64} {
  func.func @_gru_body(%arg0: i32, %arg1: memref<1000x128xf32, #tpu.memory_space<vmem>>, %arg2: memref<1000x128xf32, #tpu.memory_space<vmem>>, %arg3: memref<1000x128xf32, #tpu.memory_space<vmem>>, %arg4: memref<128x384xf32, #tpu.memory_space<vmem>>, %arg5: memref<128x384xf32, #tpu.memory_space<vmem>>, %arg6: memref<1x384xf32, #tpu.memory_space<vmem>>, %arg7: memref<1x384xf32, #tpu.memory_space<vmem>>, %arg8: memref<128x128xf32, #tpu.memory_space<vmem>>, %arg9: memref<1000x128xf32, #tpu.memory_space<vmem>>, %arg10: memref<1000x128xf32, #tpu.memory_space<vmem>>) attributes {dimension_semantics = [#tpu.dimension_semantics<arbitrary>], iteration_bounds = array<i64: 10>, scalar_prefetch = 0 : i64, scratch_operands = 0 : i64, tpu.core_type = #tpu.core_type<tc>, window_params = [{transform_indices = @transform_0, window_bounds = array<i64: 1000, 128>}, {transform_indices = @transform_1, window_bounds = array<i64: 1000, 128>}, {transform_indices = @transform_2, window_bounds = array<i64: 1000, 128>}, {pipeline_mode = #tpu.pipeline_mode<synchronous>, transform_indices = @transform_3, window_bounds = array<i64: 128, 384>}, {pipeline_mode = #tpu.pipeline_mode<synchronous>, transform_indices = @transform_4, window_bounds = array<i64: 128, 384>}, {pipeline_mode = #tpu.pipeline_mode<synchronous>, transform_indices = @transform_5, window_bounds = array<i64: 1, 384>}, {pipeline_mode = #tpu.pipeline_mode<synchronous>, transform_indices = @transform_6, window_bounds = array<i64: 1, 384>}, {pipeline_mode = #tpu.pipeline_mode<synchronous>, transform_indices = @transform_7, window_bounds = array<i64: 128, 128>}, {transform_indices = @transform_8, window_bounds = array<i64: 1000, 128>}, {transform_indices = @transform_9, window_bounds = array<i64: 1000, 128>}]} {
    %get3A = arith.constant 0 : index
    %get3A_0 = arith.constant 0 : index
    %get3A_1 = vector.load %arg1[%get3A, %get3A_0] : memref<1000x128xf32, #tpu.memory_space<vmem>>, vector<1000x128xf32>
    %get3A_2 = arith.constant 0 : index
    %get3A_3 = arith.constant 0 : index
    %get3A_4 = vector.load %arg2[%get3A_2, %get3A_3] : memref<1000x128xf32, #tpu.memory_space<vmem>>, vector<1000x128xf32>
    %add3A = arith.addf %get3A_1, %get3A_4 : vector<1000x128xf32>
    %get3A_5 = arith.constant 0 : index
    %get3A_6 = arith.constant 0 : index
    %get3A_7 = vector.load %arg3[%get3A_5, %get3A_6] : memref<1000x128xf32, #tpu.memory_space<vmem>>, vector<1000x128xf32>
    %get3A_8 = arith.constant 0 : index
    %get3A_9 = arith.constant 0 : index
    %get3A_10 = vector.load %arg4[%get3A_8, %get3A_9] : memref<128x384xf32, #tpu.memory_space<vmem>>, vector<128x384xf32>
    %dot_general3A = arith.constant dense<0.000000e+00> : vector<1000x384xf32>
    %dot_general3A_11 = tpu.matmul %add3A, %get3A_10, %dot_general3A {dimension_numbers = #tpu.dot_dimension_numbers<[1], [0], [0], [1], [0, 0, 1, 1], [], []>, transpose_lhs_hint = false} : vector<1000x128xf32>, vector<128x384xf32>, vector<1000x384xf32> -> vector<1000x384xf32>
    %get3A_12 = arith.constant 0 : index
    %get3A_13 = arith.constant 0 : index
    %get3A_14 = vector.load %arg6[%get3A_12, %get3A_13] : memref<1x384xf32, #tpu.memory_space<vmem>>, vector<1x384xf32>
    %add3A_15 = vector.broadcast %get3A_14 : vector<1x384xf32> to vector<1000x384xf32>
    %add3A_16 = arith.addf %dot_general3A_11, %add3A_15 : vector<1000x384xf32>
    %get3A_17 = arith.constant 0 : index
    %get3A_18 = arith.constant 0 : index
    %get3A_19 = vector.load %arg5[%get3A_17, %get3A_18] : memref<128x384xf32, #tpu.memory_space<vmem>>, vector<128x384xf32>
    %dot_general3A_20 = arith.constant dense<0.000000e+00> : vector<1000x384xf32>
    %dot_general3A_21 = tpu.matmul %get3A_7, %get3A_19, %dot_general3A_20 {dimension_numbers = #tpu.dot_dimension_numbers<[1], [0], [0], [1], [0, 0, 1, 1], [], []>, transpose_lhs_hint = false} : vector<1000x128xf32>, vector<128x384xf32>, vector<1000x384xf32> -> vector<1000x384xf32>
    %get3A_22 = arith.constant 0 : index
    %get3A_23 = arith.constant 0 : index
    %get3A_24 = vector.load %arg7[%get3A_22, %get3A_23] : memref<1x384xf32, #tpu.memory_space<vmem>>, vector<1x384xf32>
    %add3A_25 = vector.broadcast %get3A_24 : vector<1x384xf32> to vector<1000x384xf32>
    %add3A_26 = arith.addf %dot_general3A_21, %add3A_25 : vector<1000x384xf32>
    %slice3A = vector.extract_strided_slice %add3A_16 {offsets = [0, 0], sizes = [1000, 128], strides = [1, 1]} : vector<1000x384xf32> to vector<1000x128xf32>
    %slice3A_27 = vector.extract_strided_slice %add3A_26 {offsets = [0, 0], sizes = [1000, 128], strides = [1, 1]} : vector<1000x384xf32> to vector<1000x128xf32>
    %add3A_28 = arith.addf %slice3A, %slice3A_27 : vector<1000x128xf32>
    %logistic3A = arith.negf %add3A_28 : vector<1000x128xf32>
    %logistic3A_29 = math.exp %logistic3A : vector<1000x128xf32>
    %logistic3A_30 = arith.constant 1.000000e+00 : f32
    %logistic3A_31 = vector.broadcast %logistic3A_30 : f32 to vector<1000x128xf32>
    %logistic3A_32 = arith.addf %logistic3A_31, %logistic3A_29 : vector<1000x128xf32>
    %logistic3A_33 = arith.divf %logistic3A_31, %logistic3A_32 : vector<1000x128xf32>
    %slice3A_34 = vector.extract_strided_slice %add3A_16 {offsets = [0, 128], sizes = [1000, 128], strides = [1, 1]} : vector<1000x384xf32> to vector<1000x128xf32>
    %slice3A_35 = vector.extract_strided_slice %add3A_26 {offsets = [0, 128], sizes = [1000, 128], strides = [1, 1]} : vector<1000x384xf32> to vector<1000x128xf32>
    %add3A_36 = arith.addf %slice3A_34, %slice3A_35 : vector<1000x128xf32>
    %logistic3A_37 = arith.negf %add3A_36 : vector<1000x128xf32>
    %logistic3A_38 = math.exp %logistic3A_37 : vector<1000x128xf32>
    %logistic3A_39 = arith.constant 1.000000e+00 : f32
    %logistic3A_40 = vector.broadcast %logistic3A_39 : f32 to vector<1000x128xf32>
    %logistic3A_41 = arith.addf %logistic3A_40, %logistic3A_38 : vector<1000x128xf32>
    %logistic3A_42 = arith.divf %logistic3A_40, %logistic3A_41 : vector<1000x128xf32>
    %slice3A_43 = vector.extract_strided_slice %add3A_16 {offsets = [0, 256], sizes = [1000, 128], strides = [1, 1]} : vector<1000x384xf32> to vector<1000x128xf32>
    %slice3A_44 = vector.extract_strided_slice %add3A_26 {offsets = [0, 256], sizes = [1000, 128], strides = [1, 1]} : vector<1000x384xf32> to vector<1000x128xf32>
    %mul3A = arith.mulf %logistic3A_33, %slice3A_44 : vector<1000x128xf32>
    %add3A_45 = arith.addf %slice3A_43, %mul3A : vector<1000x128xf32>
    %tanh3A = math.tanh %add3A_45 : vector<1000x128xf32>
    %sub3A = arith.constant 1.000000e+00 : f32
    %sub3A_46 = vector.broadcast %sub3A : f32 to vector<1000x128xf32>
    %sub3A_47 = arith.subf %sub3A_46, %logistic3A_42 : vector<1000x128xf32>
    %mul3A_48 = arith.mulf %sub3A_47, %tanh3A : vector<1000x128xf32>
    %mul3A_49 = arith.mulf %logistic3A_42, %get3A_7 : vector<1000x128xf32>
    %add3A_50 = arith.addf %mul3A_48, %mul3A_49 : vector<1000x128xf32>
    %swap3A = arith.constant 0 : index
    %swap3A_51 = arith.constant 0 : index
    %swap3A_52 = vector.load %arg9[%swap3A, %swap3A_51] : memref<1000x128xf32, #tpu.memory_space<vmem>>, vector<1000x128xf32>
    tpu.vector_store %arg9[%swap3A, %swap3A_51], %add3A_50 {strides = array<i32>} : memref<1000x128xf32, #tpu.memory_space<vmem>>, vector<1000x128xf32>,
    %get3A_53 = arith.constant 0 : index
    %get3A_54 = arith.constant 0 : index
    %get3A_55 = vector.load %arg8[%get3A_53, %get3A_54] : memref<128x128xf32, #tpu.memory_space<vmem>>, vector<128x128xf32>
    %dot_general3A_56 = arith.constant dense<0.000000e+00> : vector<1000x128xf32>
    %dot_general3A_57 = tpu.matmul %add3A_50, %get3A_55, %dot_general3A_56 {dimension_numbers = #tpu.dot_dimension_numbers<[1], [0], [0], [1], [0, 0, 1, 1], [], []>, transpose_lhs_hint = false} : vector<1000x128xf32>, vector<128x128xf32>, vector<1000x128xf32> -> vector<1000x128xf32>
    %swap3A_58 = arith.constant 0 : index
    %swap3A_59 = arith.constant 0 : index
    %swap3A_60 = vector.load %arg10[%swap3A_58, %swap3A_59] : memref<1000x128xf32, #tpu.memory_space<vmem>>, vector<1000x128xf32>
    tpu.vector_store %arg10[%swap3A_58, %swap3A_59], %dot_general3A_57 {strides = array<i32>} : memref<1000x128xf32, #tpu.memory_space<vmem>>, vector<1000x128xf32>,
    return
  }
  func.func @transform_0(%arg0: i32) -> (i32, i32) {
    %c0_i32 = arith.constant 0 : i32
    %c0_i32_0 = arith.constant 0 : i32
    return %arg0, %c0_i32 : i32, i32
  }
  func.func @transform_1(%arg0: i32) -> (i32, i32) {
    %add3A = arith.constant 10 : i32
    %add3A_0 = arith.addi %arg0, %add3A : i32
    %c0_i32 = arith.constant 0 : i32
    %c0_i32_1 = arith.constant 0 : i32
    return %add3A_0, %c0_i32 : i32, i32
  }
  func.func @transform_2(%arg0: i32) -> (i32, i32) {
    %c0_i32 = arith.constant 0 : i32
    %c0_i32_0 = arith.constant 0 : i32
    return %arg0, %c0_i32 : i32, i32
  }
  func.func @transform_3(%arg0: i32) -> (i32, i32) {
    %c0_i32 = arith.constant 0 : i32
    %c0_i32_0 = arith.constant 0 : i32
    %c0_i32_1 = arith.constant 0 : i32
    return %c0_i32, %c0_i32_0 : i32, i32
  }
  func.func @transform_4(%arg0: i32) -> (i32, i32) {
    %c0_i32 = arith.constant 0 : i32
    %c0_i32_0 = arith.constant 0 : i32
    %c0_i32_1 = arith.constant 0 : i32
    return %c0_i32, %c0_i32_0 : i32, i32
  }
  func.func @transform_5(%arg0: i32) -> (i32, i32) {
    %c0_i32 = arith.constant 0 : i32
    %c0_i32_0 = arith.constant 0 : i32
    %c0_i32_1 = arith.constant 0 : i32
    return %c0_i32, %c0_i32_0 : i32, i32
  }
  func.func @transform_6(%arg0: i32) -> (i32, i32) {
    %c0_i32 = arith.constant 0 : i32
    %c0_i32_0 = arith.constant 0 : i32
    %c0_i32_1 = arith.constant 0 : i32
    return %c0_i32, %c0_i32_0 : i32, i32
  }
  func.func @transform_7(%arg0: i32) -> (i32, i32) {
    %c0_i32 = arith.constant 0 : i32
    %c0_i32_0 = arith.constant 0 : i32
    %c0_i32_1 = arith.constant 0 : i32
    return %c0_i32, %c0_i32_0 : i32, i32
  }
  func.func @transform_8(%arg0: i32) -> (i32, i32) {
    %c0_i32 = arith.constant 0 : i32
    %c0_i32_0 = arith.constant 0 : i32
    return %arg0, %c0_i32 : i32, i32
  }
  func.func @transform_9(%arg0: i32) -> (i32, i32) {
    %c0_i32 = arith.constant 0 : i32
    %c0_i32_0 = arith.constant 0 : i32
    return %arg0, %c0_i32 : i32, i32
  }
}

module attributes {stable_mosaic.version = 14 : i64} {
  func.func @_gru_body(%arg0: i32, %arg1: memref<1000x128xf32, #tpu.memory_space<vmem>>, %arg2: memref<1000x128xf32, #tpu.memory_space<vmem>>, %arg3: memref<1000x128xf32, #tpu.memory_space<vmem>>, %arg4: memref<128x384xf32, #tpu.memory_space<vmem>>, %arg5: memref<128x384xf32, #tpu.memory_space<vmem>>, %arg6: memref<1x384xf32, #tpu.memory_space<vmem>>, %arg7: memref<1x384xf32, #tpu.memory_space<vmem>>, %arg8: memref<128x128xf32, #tpu.memory_space<vmem>>, %arg9: memref<1000x128xf32, #tpu.memory_space<vmem>>) attributes {dimension_semantics = [#tpu.dimension_semantics<arbitrary>], iteration_bounds = array<i64: 10>, scalar_prefetch = 0 : i64, scratch_operands = 0 : i64, tpu.core_type = #tpu.core_type<tc>, window_params = [{transform_indices = @transform_0, window_bounds = array<i64: 1000, 128>}, {transform_indices = @transform_1, window_bounds = array<i64: 1000, 128>}, {transform_indices = @transform_2, window_bounds = array<i64: 1000, 128>}, {pipeline_mode = #tpu.pipeline_mode<synchronous>, transform_indices = @transform_3, window_bounds = array<i64: 128, 384>}, {pipeline_mode = #tpu.pipeline_mode<synchronous>, transform_indices = @transform_4, window_bounds = array<i64: 128, 384>}, {pipeline_mode = #tpu.pipeline_mode<synchronous>, transform_indices = @transform_5, window_bounds = array<i64: 1, 384>}, {pipeline_mode = #tpu.pipeline_mode<synchronous>, transform_indices = @transform_6, window_bounds = array<i64: 1, 384>}, {pipeline_mode = #tpu.pipeline_mode<synchronous>, transform_indices = @transform_7, window_bounds = array<i64: 128, 128>}, {transform_indices = @transform_8, window_bounds = array<i64: 1000, 128>}]} {
    %get3A = arith.constant 0 : index
    %get3A_0 = arith.constant 0 : index
    %get3A_1 = vector.load %arg1[%get3A, %get3A_0] : memref<1000x128xf32, #tpu.memory_space<vmem>>, vector<1000x128xf32>
    %get3A_2 = arith.constant 0 : index
    %get3A_3 = arith.constant 0 : index
    %get3A_4 = vector.load %arg2[%get3A_2, %get3A_3] : memref<1000x128xf32, #tpu.memory_space<vmem>>, vector<1000x128xf32>
    %add3A = arith.addf %get3A_1, %get3A_4 : vector<1000x128xf32>
    %get3A_5 = arith.constant 0 : index
    %get3A_6 = arith.constant 0 : index
    %get3A_7 = vector.load %arg3[%get3A_5, %get3A_6] : memref<1000x128xf32, #tpu.memory_space<vmem>>, vector<1000x128xf32>
    %get3A_8 = arith.constant 0 : index
    %get3A_9 = arith.constant 0 : index
    %get3A_10 = vector.load %arg4[%get3A_8, %get3A_9] : memref<128x384xf32, #tpu.memory_space<vmem>>, vector<128x384xf32>
    %dot_general3A = arith.constant dense<0.000000e+00> : vector<1000x384xf32>
    %dot_general3A_11 = tpu.matmul %add3A, %get3A_10, %dot_general3A {dimension_numbers = #tpu.dot_dimension_numbers<[1], [0], [0], [1], [0, 0, 1, 1], [], []>, transpose_lhs_hint = false} : vector<1000x128xf32>, vector<128x384xf32>, vector<1000x384xf32> -> vector<1000x384xf32>
    %get3A_12 = arith.constant 0 : index
    %get3A_13 = arith.constant 0 : index
    %get3A_14 = vector.load %arg6[%get3A_12, %get3A_13] : memref<1x384xf32, #tpu.memory_space<vmem>>, vector<1x384xf32>
    %add3A_15 = vector.broadcast %get3A_14 : vector<1x384xf32> to vector<1000x384xf32>
    %add3A_16 = arith.addf %dot_general3A_11, %add3A_15 : vector<1000x384xf32>
    %get3A_17 = arith.constant 0 : index
    %get3A_18 = arith.constant 0 : index
    %get3A_19 = vector.load %arg5[%get3A_17, %get3A_18] : memref<128x384xf32, #tpu.memory_space<vmem>>, vector<128x384xf32>
    %dot_general3A_20 = arith.constant dense<0.000000e+00> : vector<1000x384xf32>
    %dot_general3A_21 = tpu.matmul %get3A_7, %get3A_19, %dot_general3A_20 {dimension_numbers = #tpu.dot_dimension_numbers<[1], [0], [0], [1], [0, 0, 1, 1], [], []>, transpose_lhs_hint = false} : vector<1000x128xf32>, vector<128x384xf32>, vector<1000x384xf32> -> vector<1000x384xf32>
    %get3A_22 = arith.constant 0 : index
    %get3A_23 = arith.constant 0 : index
    %get3A_24 = vector.load %arg7[%get3A_22, %get3A_23] : memref<1x384xf32, #tpu.memory_space<vmem>>, vector<1x384xf32>
    %add3A_25 = vector.broadcast %get3A_24 : vector<1x384xf32> to vector<1000x384xf32>
    %add3A_26 = arith.addf %dot_general3A_21, %add3A_25 : vector<1000x384xf32>
    %slice3A = vector.extract_strided_slice %add3A_16 {offsets = [0, 0], sizes = [1000, 128], strides = [1, 1]} : vector<1000x384xf32> to vector<1000x128xf32>
    %slice3A_27 = vector.extract_strided_slice %add3A_26 {offsets = [0, 0], sizes = [1000, 128], strides = [1, 1]} : vector<1000x384xf32> to vector<1000x128xf32>
    %add3A_28 = arith.addf %slice3A, %slice3A_27 : vector<1000x128xf32>
    %logistic3A = arith.negf %add3A_28 : vector<1000x128xf32>
    %logistic3A_29 = math.exp %logistic3A : vector<1000x128xf32>
    %logistic3A_30 = arith.constant 1.000000e+00 : f32
    %logistic3A_31 = vector.broadcast %logistic3A_30 : f32 to vector<1000x128xf32>
    %logistic3A_32 = arith.addf %logistic3A_31, %logistic3A_29 : vector<1000x128xf32>
    %logistic3A_33 = arith.divf %logistic3A_31, %logistic3A_32 : vector<1000x128xf32>
    %slice3A_34 = vector.extract_strided_slice %add3A_16 {offsets = [0, 128], sizes = [1000, 128], strides = [1, 1]} : vector<1000x384xf32> to vector<1000x128xf32>
    %slice3A_35 = vector.extract_strided_slice %add3A_26 {offsets = [0, 128], sizes = [1000, 128], strides = [1, 1]} : vector<1000x384xf32> to vector<1000x128xf32>
    %add3A_36 = arith.addf %slice3A_34, %slice3A_35 : vector<1000x128xf32>
    %logistic3A_37 = arith.negf %add3A_36 : vector<1000x128xf32>
    %logistic3A_38 = math.exp %logistic3A_37 : vector<1000x128xf32>
    %logistic3A_39 = arith.constant 1.000000e+00 : f32
    %logistic3A_40 = vector.broadcast %logistic3A_39 : f32 to vector<1000x128xf32>
    %logistic3A_41 = arith.addf %logistic3A_40, %logistic3A_38 : vector<1000x128xf32>
    %logistic3A_42 = arith.divf %logistic3A_40, %logistic3A_41 : vector<1000x128xf32>
    %slice3A_43 = vector.extract_strided_slice %add3A_16 {offsets = [0, 256], sizes = [1000, 128], strides = [1, 1]} : vector<1000x384xf32> to vector<1000x128xf32>
    %slice3A_44 = vector.extract_strided_slice %add3A_26 {offsets = [0, 256], sizes = [1000, 128], strides = [1, 1]} : vector<1000x384xf32> to vector<1000x128xf32>
    %mul3A = arith.mulf %logistic3A_33, %slice3A_44 : vector<1000x128xf32>
    %add3A_45 = arith.addf %slice3A_43, %mul3A : vector<1000x128xf32>
    %tanh3A = math.tanh %add3A_45 : vector<1000x128xf32>
    %sub3A = arith.constant 1.000000e+00 : f32
    %sub3A_46 = vector.broadcast %sub3A : f32 to vector<1000x128xf32>
    %sub3A_47 = arith.subf %sub3A_46, %logistic3A_42 : vector<1000x128xf32>
    %mul3A_48 = arith.mulf %sub3A_47, %tanh3A : vector<1000x128xf32>
    %mul3A_49 = arith.mulf %logistic3A_42, %get3A_7 : vector<1000x128xf32>
    %add3A_50 = arith.addf %mul3A_48, %mul3A_49 : vector<1000x128xf32>
    %swap3A = arith.constant 0 : index
    %swap3A_51 = arith.constant 0 : index
    %swap3A_52 = vector.load %arg9[%swap3A, %swap3A_51] : memref<1000x128xf32, #tpu.memory_space<vmem>>, vector<1000x128xf32>
    tpu.vector_store %arg9[%swap3A, %swap3A_51], %add3A_50 {strides = array<i32>} : memref<1000x128xf32, #tpu.memory_space<vmem>>, vector<1000x128xf32>,
    return
  }
  func.func @transform_0(%arg0: i32) -> (i32, i32) {
    %c0_i32 = arith.constant 0 : i32
    %c0_i32_0 = arith.constant 0 : i32
    return %arg0, %c0_i32 : i32, i32
  }
  func.func @transform_1(%arg0: i32) -> (i32, i32) {
    %add3A = arith.constant 10 : i32
    %add3A_0 = arith.addi %arg0, %add3A : i32
    %c0_i32 = arith.constant 0 : i32
    %c0_i32_1 = arith.constant 0 : i32
    return %add3A_0, %c0_i32 : i32, i32
  }
  func.func @transform_2(%arg0: i32) -> (i32, i32) {
    %c0_i32 = arith.constant 0 : i32
    %c0_i32_0 = arith.constant 0 : i32
    return %arg0, %c0_i32 : i32, i32
  }
  func.func @transform_3(%arg0: i32) -> (i32, i32) {
    %c0_i32 = arith.constant 0 : i32
    %c0_i32_0 = arith.constant 0 : i32
    %c0_i32_1 = arith.constant 0 : i32
    return %c0_i32, %c0_i32_0 : i32, i32
  }
  func.func @transform_4(%arg0: i32) -> (i32, i32) {
    %c0_i32 = arith.constant 0 : i32
    %c0_i32_0 = arith.constant 0 : i32
    %c0_i32_1 = arith.constant 0 : i32
    return %c0_i32, %c0_i32_0 : i32, i32
  }
  func.func @transform_5(%arg0: i32) -> (i32, i32) {
    %c0_i32 = arith.constant 0 : i32
    %c0_i32_0 = arith.constant 0 : i32
    %c0_i32_1 = arith.constant 0 : i32
    return %c0_i32, %c0_i32_0 : i32, i32
  }
  func.func @transform_6(%arg0: i32) -> (i32, i32) {
    %c0_i32 = arith.constant 0 : i32
    %c0_i32_0 = arith.constant 0 : i32
    %c0_i32_1 = arith.constant 0 : i32
    return %c0_i32, %c0_i32_0 : i32, i32
  }
  func.func @transform_7(%arg0: i32) -> (i32, i32) {
    %c0_i32 = arith.constant 0 : i32
    %c0_i32_0 = arith.constant 0 : i32
    %c0_i32_1 = arith.constant 0 : i32
    return %c0_i32, %c0_i32_0 : i32, i32
  }
  func.func @transform_8(%arg0: i32) -> (i32, i32) {
    %c0_i32 = arith.constant 0 : i32
    %c0_i32_0 = arith.constant 0 : i32
    return %arg0, %c0_i32 : i32, i32
  }
}

</mosaic_0001>

<sc_bundles>
// kernel: kernel.13.cloned.1.call-start
scs
__scs_entry_jumppad:
0x0: {  	(pc) =	sbr.rel $0x88, $3  }
0x1: {  	(tag) =	ssettag $0x0;
	lr =	simm.s32 $0x1  }
0x2: {  	[smem:$0x3F9A] =	sst lr;
	_ =	strace $0xD0000000  }
0x3: {  	_ = 	snop  }
0x4: {  	_ = 	snop  }
0x5: {  	_ = 	snop  }
0x6: {  	_ = 	snop  }
0x7: {  	_ = 	snop  }
__scs_overlays_trampoline_lowered:
0x8: {  	[smem:$0x3FA9] =	sst s0  }
0x9: {  	[smem:$0x3FAA] =	sst s1  }
0xa: {  	[smem:$0x3FAB] =	sst s2  }
0xb: {  	[smem:$0x3FAC] =	sst s3  }
0xc: {  	[smem:$0x3FAD] =	sst s4  }
0xd: {  	[smem:$0x3FAE] =	sst s5  }
0xe: {  	[smem:$0x3FAF] =	sst s6  }
0xf: {  	[smem:$0x3FB0] =	sst s7  }
0x10: {  	[smem:$0x3FB1] =	sst s8  }
0x11: {  	[smem:$0x3FB2] =	sst s9;
	s0 =	simm.s32 @!p0 $0x0  }
0x12: {  	s1 =	sld [smem:$0x3F98];
	s0 =	simm.s32 @p0 $0x1  }
0x13: {  	[smem:$0x3FB3] =	sst s0;
	s0 =	simm.s32 @!p1 $0x0  }
0x14: {  	s2 =	sld [smem:$0x3F97];
	s0 =	simm.s32 @p1 $0x1  }
0x15: {  	[smem:$0x3FB4] =	sst s0;
	s0 =	simm.s32 @!p2 $0x0  }
0x16: {  	s3 =	sld [smem:$0x3FDB];
	s0 =	simm.s32 @p2 $0x1  }
0x17: {  	s4 =	simm.s32 $0x1BF5;
	[smem:$0x3FB6] =	sst s0  }
0x18: {  	s0 =	sld [smem:$0x3F99];
	_ =	swait.ge [sflag:s4], $0x0  }
0x19: {  	s7 =	sld [smem:$0x3F9A]  }
0x1a: {  	s8 =	sadd.s32 $0xFFFFE003, lr  }
0x1b: {  	s9 =	sadd.s32 $0xFFFFFEF7, lr;
	s5 =	simm.s32 $0xFFFFFFFF;
	p2 =	slt.u32 s8, $0xFFFFF086  }
0x1c: {  	p1 =	slt.u32 s9, $0xF7A;
	s5 =	simm.s32 @!p2 $0x0  }
0x1d: {  	s5 =	simm.s32 @p1 $0x1;
	p0 =	seq.s32 s7, s2  }
0x1e: {  	s7 =	smul.u32 @!p0 $0xF7A, s2;
	p2 =	seq.s32 @!p0 s5, $0x0  }
0x1f: {  	s9 =	smul.u32 $0xF7A, s1;
	s8 =	simm.s32 @!p0 $0x1BF5;
	p2 =	por !p2, p0  }
0x20: {  	[sflag:s8] =	ssyncset.s32 @!p0 $0xFFFFF086;
	s6 =	sadd.s32 @!p0 s3, s7;
	s7 =	simm.s32 @!p0 $0x108  }
0x21: {  	s3 =	sadd.s32 s3, s9;
	s6 =	sadd.s32 @!p0 $0x88, s6;
	s7 =	simm.s32 @p2 $0x1082  }
0x22: {  	[simem:s7], [sflag:s8] =	dma.local @!p0 [hbm:s6], $0xF7A  }
0x23: {  	s9 =	sor.u32 $0xD0000000, s2;
	s6 =	simm.s32 $0x108;
	_ =	swait.ge @!p0 [sflag:s8], $0x0  }
0x24: {  	s3 =	sadd.s32 $0x88, s3;
	s6 =	simm.s32 @!p1 $0x1082;
	[sflag:s4] =	ssyncset.s32 $0xFFFFF086  }
0x25: {  	[simem:s6], [sflag:s4] =	dma.local [hbm:s3], $0xF7A  }
0x26: {  	[smem:$0x3F9A] =	sst s1;
	(tag) =	ssettag s2;
	_ =	strace s9  }
0x27: {  	s1 =	sld [smem:$0x3FAA]  }
0x28: {  	s2 =	sld [smem:$0x3FAB]  }
0x29: {  	s4 =	sld [smem:$0x3FAD]  }
0x2a: {  	p0 =	seq.s32 s5, $0x0;
	s5 =	sld [smem:$0x3FAE]  }
0x2b: {  	s6 =	sld [smem:$0x3FAF]  }
0x2c: {  	s7 =	sld [smem:$0x3FB0]  }
0x2d: {  	s3 =	simm.s32 $0x108;
	s8 =	sld [smem:$0x3FB1]  }
0x2e: {  	s3 =	simm.s32 @!p0 $0x1082;
	s9 =	sld [smem:$0x3FB2]  }
0x2f: {  	lr =	sadd.s32 s0, s3;
	s0 =	sld [smem:$0x3FA9]  }
0x30: {  	s3 =	sld [smem:$0x3FAC]  }
0x31: {  	[smem:$0x3FB5] =	sst s10  }
0x32: {  	s10 =	sld [smem:$0x3FB3];
	_ =	sdelay $0x3  }
0x33: {  	p0 =	seq.s32 s10, $0x1;
	s10 =	sld [smem:$0x3FB5];
	_ =	sdelay $0x3  }
0x34: {  	[smem:$0x3FB5] =	sst s10  }
0x35: {  	s10 =	sld [smem:$0x3FB4];
	_ =	sdelay $0x3  }
0x36: {  	p1 =	seq.s32 s10, $0x1;
	s10 =	sld [smem:$0x3FB5];
	_ =	sdelay $0x3  }
0x37: {  	[smem:$0x3FB5] =	sst s10  }
0x38: {  	s10 =	sld [smem:$0x3FB6]  }
0x39: {  	_ = 	snop;
	(pc) =	sbr.ind lr, $3  }
0x3a: {  	_ = 	snop  }
0x3b: {  	_ = 	snop  }
0x3c: {  	p2 =	seq.s32 s10, $0x1;
	s10 =	sld [smem:$0x3FB5]  }
0x3d: {  	_ =	shalt  }
0x3e: {  	_ =	shalt  }
0x3f: {  	_ =	shalt  }
0x40: {  	_ =	shalt  }
0x41: {  	_ =	shalt  }
0x42: {  	_ =	shalt  }
0x43: {  	_ =	shalt  }
0x44: {  	_ =	shalt  }
0x45: {  	_ =	shalt  }
0x46: {  	_ =	shalt  }
0x47: {  	_ =	shalt  }
0x48: {  	_ =	shalt  }
0x49: {  	_ =	shalt  }
0x4a: {  	_ =	shalt  }
0x4b: {  	_ =	shalt  }
0x4c: {  	_ =	shalt  }
0x4d: {  	_ =	shalt  }
0x4e: {  	_ =	shalt  }
0x4f: {  	_ =	shalt  }
0x50: {  	_ =	shalt  }
0x51: {  	_ =	shalt  }
0x52: {  	_ =	shalt  }
0x53: {  	_ =	shalt  }
0x54: {  	_ =	shalt  }
0x55: {  	_ =	shalt  }
0x56: {  	_ =	shalt  }
0x57: {  	_ =	shalt  }
0x58: {  	_ =	shalt  }
0x59: {  	_ =	shalt  }
0x5a: {  	_ =	shalt  }
0x5b: {  	_ =	shalt  }
0x5c: {  	_ =	shalt  }
0x5d: {  	_ =	shalt  }
0x5e: {  	_ =	shalt  }
0x5f: {  	_ =	shalt  }
0x60: {  	_ =	shalt  }
0x61: {  	_ =	shalt  }
0x62: {  	_ =	shalt  }
0x63: {  	_ =	shalt  }
0x64: {  	_ =	shalt  }
0x65: {  	_ =	shalt  }
0x66: {  	_ =	shalt  }
0x67: {  	_ =	shalt  }
0x68: {  	_ =	shalt  }
0x69: {  	_ =	shalt  }
0x6a: {  	_ =	shalt  }
0x6b: {  	_ =	shalt  }
0x6c: {  	_ =	shalt  }
0x6d: {  	_ =	shalt  }
0x6e: {  	_ =	shalt  }
0x6f: {  	_ =	shalt  }
0x70: {  	_ =	shalt  }
0x71: {  	_ =	shalt  }
0x72: {  	_ =	shalt  }
0x73: {  	_ =	shalt  }
0x74: {  	_ =	shalt  }
0x75: {  	_ =	shalt  }
0x76: {  	_ =	shalt  }
0x77: {  	_ =	shalt  }
0x78: {  	_ =	shalt  }
0x79: {  	_ =	shalt  }
0x7a: {  	_ =	shalt  }
0x7b: {  	_ =	shalt  }
0x7c: {  	_ =	shalt  }
0x7d: {  	_ =	shalt  }
0x7e: {  	_ =	shalt  }
0x7f: {  	_ =	shalt  }
0x80: {  	_ =	shalt  }
0x81: {  	_ =	shalt  }
0x82: {  	_ =	shalt  }
0x83: {  	_ =	shalt  }
0x84: {  	_ =	shalt  }
0x85: {  	_ =	shalt  }
0x86: {  	_ =	shalt  }
0x87: {  	_ =	shalt  }
.Lfunc_end0:
.L_simem_size_0:
called_computation_lowered:
.L_overlay_start_0:
0x88: {  	s2 =	sld [smem:$0x3FD9]  }
0x89: {  	s3 =	sld [smem:$0x3FFE];
	_ =	sdelay $0x1  }
0x8a: {  	s1 =	srdreg.scid  }
0x8b: {  	s0 =	sand.u32 $0x1, s1  }
0x8c: {  	s17 =	sshll.u32 s0, $0xA;
	s2 =	sadd.s32 s3, s2  }
0x8d: {  	s2 =	sadd.s32 s2, s17  }
0x8e: {  	[smem:$0x3FC1] =	sst s2  }
0x8f: {  	_ = 	snop  }
0x90: {  	s2 =	sld [smem:$0x3FD0];
	(tm) =	ssettm $0x1  }
0x91: {  	s18 =	sld [smem:$0x3FFB];
	_ =	sdelay $0x3  }
0x92: {  	_ =	strace s18  }
0x93: {  	s3 =	sld [smem:$0x3FFC];
	_ =	sdelay $0x3  }
0x94: {  	_ =	strace s3  }
0x95: {  	s3 =	sld [smem:$0x3FFD];
	_ =	sdelay $0x3  }
0x96: {  	_ =	strace s3  }
0x97: {  	_ =	strace $0x8FFFFFFF  }
0x98: {  	s19 =	sld [smem:$0x3FDB];
	_ =	sdelay $0x1  }
0x99: {  	s4 =	simm.s32 $_scs_section_size  }
0x9a: {  	s5 =	simm.s32 $_size__tile_overlayer_lowered;
	s6 =	simm.s32 $_tile_overlayer_lowered  }
0x9b: {  	s22 =	simm.s32 $0x1BFF;
	s21 =	sshll.u32 s6, $0x1;
	s3 =	sadd.s32 s4, s19  }
0x9c: {  	s7 =	simm.s32 $0x0;
	s20 =	sshll.u32 s5, $0x1;
	s5 =	sadd.s32 s21, s3  }
0x9d: {  	[timem:s7], [sflag:s22] =	dma.local [hbm:s5], s20  }
0x9e: {  	_ =	swait.ge [sflag:s22], s20  }
0x9f: {  	s4 =	ssub.s32 $0x0, s20;
	[sflag:s22] =	ssyncset.done $0x0  }
0xa0: {  	[sflag:s22] =	ssyncadd.s32 s4;
	_ =	sdelay $0x1  }
0xa1: {  	s23 =	simm.s32 $0x1B8B  }
0xa2: {  	_ =	swait.ge [sflag:s23], $0x1  }
0xa3: {  	[sflag:s23] =	ssyncset.done $0x0  }
0xa4: {  	s25 =	simm.s32 $0x1B8E;
	s24 =	sld [smem:$0x3FFE];
	[sflag:s23] =	ssyncadd.s32 $0xFFFFFFFF  }
0xa5: {  	s26 =	simm.s32 $execute0_lowered;
	[smem:$0x3FD2] =	sst s25  }
0xa6: {  	s5 =	sshll.u32 s26, $0x1;
	_ =	strace $0x80000046;
	[dreg:$0x1] =	wrdreg $0xFFFFFFFF  }
0xa7: {  	s28 =	simm.s32 $_size_execute0_lowered;
	s3 =	sadd.s32 s3, s5;
	[dreg:$0x0] =	wrdreg $0x0  }
0xa8: {  	s5 =	sshll.u32 s28, $0x1;
	[dreg:$0x2] =	wrdreg s3  }
0xa9: {  	[dreg:$0x3] =	wrdreg s5  }
0xaa: {  	[dreg:$0x4] =	wrdreg $0xC0  }
0xab: {  	_ =	task [dreg:s7], $0x5FFFF  }
0xac: {  	[dreg:$0x1] =	wrdreg $0xFFFFFFFF  }
0xad: {  	[dreg:$0x0] =	wrdreg $0x60  }
0xae: {  	[dreg:$0x2] =	wrdreg s2  }
0xaf: {  	[dreg:$0x3] =	wrdreg s24  }
0xb0: {  	[dreg:$0x4] =	wrdreg $0x82000  }
0xb1: {  	[dreg:$0x5] =	wrdreg $0x9  }
0xb2: {  	_ =	task.clear_ibuf [dreg:s7], $0x6FFFF;
	_ =	strace $0x90000046  }
0xb3: {  	s29 =	simm.s32 $0x9;
	_ =	strace $0x80000048  }
0xb4: {  	_ =	swait.ge [sflag:s29], $0x1  }
0xb5: {  	[sflag:s29] =	ssyncadd.s32 $0xFFFFFFFF  }
0xb6: {  	_ =	strace $0x90000048  }
0xb7: {  	_ =	sfence  }
0xb8: {  	s30 =	sld [smem:$0x0];
	_ =	sdelay $0x2  }
0xb9: {  	s31 =	sshll.u32 s1, $0xD;
	s1 =	sshrl.u32 s1, $0x2  }
0xba: {  	s3 =	sand.u32 $0x4000, s31;
	s1 =	sadd.s32 s1, s30  }
0xbb: {  	s0 =	sor.u32 s3, s0;
	s1 =	sshll.u32 s1, $0x11  }
0xbc: {  	s0 =	sor.u32 s1, s0  }
0xbd: {  	s0 =	sadd.s32 $0x8F2B, s0  }
0xbe: {  	[sflag:s0] =	ssyncadd.remote.s32 $0x1  }
0xbf: {  	_ =	sfence.sel $0xFFFF  }
0xc0: {  	[dreg:$0x0] =	wrdreg $0xFFFFFFFF;
	(pc) =	sbr.abs _section_cstart, $3  }
0xc1: {  	[dreg:$0x1] =	wrdreg $0xFFFFFFFF  }
0xc2: {  	_ =	task.clear_ibuf [dreg:s7], $0x2FFFF;
	_ =	strace $0x9FFFFFFF  }
0xc3: {  	(tm) =	ssettm $0x7FFFFFFF  }
tec
execute0_lowered:
.L_overlay_start_1:
0x0: {  	(tag) =	ssettag $0x1  }
0x1: {  	s1 =	rddreg [dreg:$0x0]  }
0x2: {  	s5 =	rddreg [dreg:$0x1]  }
0x3: {  	s3 =	rddreg [dreg:$0x2]  }
0x4: {  	s0 =	srdreg.scid;
	s2 =	rddreg [dreg:$0x3];
	s4 =	simm.s32 $0x0  }
0x5: {  	s17 =	simm.s32 $0x3;
	s18 =	simm.s32 $0x80;
	s8 =	sand.u32 $0x1, s0  }
0x6: {  	s19 =	simm.s32 $0x4100;
	s0 =	stileid.u32;
	s6 =	smul.u32 $0x28000, s8  }
0x7: {  	s20 =	simm.s32 $0x4180;
	s21 =	simm.s32 $0x4200;
	s7 =	smul.u32 $0x2800, s0  }
0x8: {  	s22 =	simm.s32 $0x1;
	s23 =	simm.s32 $0x2;
	s28 =	smul.u32 $0x4E000, s0  }
0x9: {  	[smem:$0x7FF] =	sst s4;
	s11 =	sadd.s32 $0x17400, s5;
	s12 =	smul.u32 $0x2700, s0  }
0xa: {  	s24 =	simm.s32 $0x0;
	_ =	strace $0x80000047;
	s10 =	smul.u32 $0x138800, s8  }
0xb: {  	s29 =	ssub.s32 $0x2, s8;
	s14 =	smul.u32 $0x27100, s8;
	p0 =	sne.s32 s0, $0xF  }
0xc: {  	s30 =	sshrl.u32 s29, $0x1;
	s6 =	sadd.s32 s7, s6;
	s7 =	sshrl.u32 s28, $0x2  }
0xd: {  	s13 =	ssub.s32 s29, s30;
	s16 =	sshrl.u32 s10, $0x3;
	s10 =	sadd.s32 $0x138000, s3  }
0xe: {  	s12 =	sadd.s32 s12, s14;
	s6 =	sshrl.u32 s6, $0x3;
	s31 =	sadd.s32 s11, s16  }
0xf: {  	s11 =	sadd.s32 s11, s12;
	s13 =	smax.u32 s13, $0x1;
	s16 =	simm.s32 $0x100  }
0x10: {  	s15 =	sadd.s32 s6, s5;
	s5 =	sadd.s32 s7, s3;
	s12 =	sadd.s32 $0x27000, s31  }
0x11: {  	s6 =	sadd.s32 $0x4000, s5;
	s7 =	sadd.s32 $0x8000, s5;
	s8 =	sadd.s32 $0xC000, s5  }
0x12: {  	v0 =	vimm.f32 $0.0e+00;
	s9 =	sadd.s32 $0x10000, s5;
	s14 =	sadd.s32 $0xD400, s15;
	s15 =	sadd.s32 $0x3400, s15  }
.LBB2_1:
0x13: {  	s25 =	simm.s32 $0x0;
	s26 =	simm.s32 $0x200  }
.LBB2_2:
0x14: {  	p1 =	sne.s32 s26, $0xFE00;
	[tilespmem:s25+$0x170] =	vst v0  }
0x15: {  	[tilespmem:s25+$0x100] =	vst v0  }
0x16: {  	[tilespmem:s25+$0x110] =	vst v0  }
.Ltmp0:
0x17: {  	[tilespmem:s25+$0x120] =	vst v0;
	(pc) =	sbr.rel @p1 .LBB2_2-.Ltmp0, $4  }
0x18: {  	[tilespmem:s25+$0x130] =	vst v0  }
0x19: {  	[tilespmem:s25+$0x140] =	vst v0  }
0x1a: {  	[tilespmem:s25+$0x150] =	vst v0  }
0x1b: {  	[tilespmem:s25+$0x160] =	vst v0;
	s25 =	sshra.s32 s26, $0x2;
	s26 =	sadd.s32 $0x200, s26  }
0x1c: {  	[tilespmem:s25+$0x170] =	vst v0  }
0x1d: {  	[tilespmem:s25+$0x100] =	vst v0  }
0x1e: {  	[tilespmem:s25+$0x110] =	vst v0  }
0x1f: {  	[tilespmem:s25+$0x120] =	vst v0  }
0x20: {  	[tilespmem:s25+$0x130] =	vst v0  }
0x21: {  	[tilespmem:s25+$0x140] =	vst v0  }
0x22: {  	[tilespmem:s25+$0x150] =	vst v0  }
0x23: {  	[tilespmem:s25+$0x160] =	vst v0  }
0x24: {  	[spmem:s5] =	stream.linear.scatter [tilespmem:s16], [sflag:$0x3], $0x4000, $0x38;
	[tilespmem:$0x1BAC0] =	vst v63  }
0x25: {  	_ =	swait.ge [sflag:s17], $0x4000  }
0x26: {  	[sflag:s17] =	ssyncset.done $0x0  }
0x27: {  	[sflag:s17] =	ssyncadd.s32 $0xFFFFC000  }
0x28: {  	[spmem:s6] =	stream.linear.scatter [tilespmem:s16], [sflag:$0x3], $0x4000, $0x38;
	[tilespmem:$0x1BAC0] =	vst v63  }
0x29: {  	_ =	swait.ge [sflag:s17], $0x4000  }
0x2a: {  	[sflag:s17] =	ssyncset.done $0x0  }
0x2b: {  	[sflag:s17] =	ssyncadd.s32 $0xFFFFC000  }
0x2c: {  	[spmem:s7] =	stream.linear.scatter [tilespmem:s16], [sflag:$0x3], $0x4000, $0x38;
	[tilespmem:$0x1BAC0] =	vst v63  }
0x2d: {  	_ =	swait.ge [sflag:s17], $0x4000  }
0x2e: {  	[sflag:s17] =	ssyncset.done $0x0  }
0x2f: {  	[sflag:s17] =	ssyncadd.s32 $0xFFFFC000  }
0x30: {  	[spmem:s8] =	stream.linear.scatter [tilespmem:s16], [sflag:$0x3], $0x4000, $0x38;
	[tilespmem:$0x1BAC0] =	vst v63  }
0x31: {  	_ =	swait.ge [sflag:s17], $0x4000  }
0x32: {  	[sflag:s17] =	ssyncset.done $0x0  }
0x33: {  	[sflag:s17] =	ssyncadd.s32 $0xFFFFC000  }
0x34: {  	[spmem:s9] =	stream.linear.scatter [tilespmem:s16], [sflag:$0x3], $0x3800, $0x38;
	[tilespmem:$0x1BAC0] =	vst v63  }
0x35: {  	_ =	swait.ge [sflag:s17], $0x3800  }
0x36: {  	[sflag:s17] =	ssyncset.done $0x0  }
0x37: {  	s25 =	simm.s32 @!p0 $0x100;
	[sflag:s17] =	ssyncadd.s32 $0xFFFFC800  }
0x38: {  	[spmem:s10] =	stream.linear.scatter @!p0 [tilespmem:s25], [sflag:$0x3], $0xC00, $0x38;
	[tilespmem:$0x1BAC0] =	vst v63  }
0x39: {  	s25 =	simm.s32 @!p0 $0x3  }
0x3a: {  	_ =	swait.ge @!p0 [sflag:s25], $0xC00  }
0x3b: {  	[sflag:s25] =	ssyncset.done @!p0 $0x0  }
0x3c: {  	[sflag:s25] =	ssyncadd.s32 @!p0 $0xFFFFF400  }
0x3d: {  	s30 =	sadd.s32 $0x0, s14;
	[bflag:$0x0] =	sbarrier.arrive $0xFFFF  }
0x3e: {  	[tilespmem:s4], [sflag:$0x3] =	stream.linear.gather [hbm4b:s30+s4], $0x80, $0x38;
	[tilespmem:$0x1BAC0] =	vst v63  }
0x3f: {  	_ =	swait.ge [sflag:s17], $0x80  }
0x40: {  	[sflag:s17] =	ssyncset.done $0x0  }
0x41: {  	s26 =	sadd.s32 $0x0, s15;
	[sflag:s17] =	ssyncadd.s32 $0xFFFFFF80  }
0x42: {  	[tilespmem:s18], [sflag:$0x3] =	stream.linear.gather [hbm4b:s26+s4], $0x80, $0x38;
	[tilespmem:$0x1BAC0] =	vst v63  }
0x43: {  	_ =	swait.ge [sflag:s17], $0x80  }
0x44: {  	[sflag:s17] =	ssyncset.done $0x0  }
0x45: {  	[sflag:s17] =	ssyncadd.s32 $0xFFFFFF80  }
0x46: {  	[tilespmem:s16], [sflag:$0x1] =	stream.indirect.gather [hbm4b:s1+s18], $0x80, s4, s18, $0xb8;
	[tilespmem:$0x1BAC0] =	vst v63  }
0x47: {  	s25 =	sadd.s32 $0x10, s30  }
0x48: {  	[tilespmem:s19], [sflag:$0x3] =	stream.linear.gather [hbm4b:s25+s4], $0x80, $0x38;
	[tilespmem:$0x1BAC0] =	vst v63  }
0x49: {  	_ =	swait.ge [sflag:s17], $0x80  }
0x4a: {  	[sflag:s17] =	ssyncset.done $0x0  }
0x4b: {  	s31 =	sadd.s32 $0x10, s26;
	[sflag:s17] =	ssyncadd.s32 $0xFFFFFF80  }
0x4c: {  	[tilespmem:s20], [sflag:$0x3] =	stream.linear.gather [hbm4b:s31+s4], $0x80, $0x38;
	[tilespmem:$0x1BAC0] =	vst v63  }
0x4d: {  	_ =	swait.ge [sflag:s17], $0x80  }
0x4e: {  	[sflag:s17] =	ssyncset.done $0x0  }
0x4f: {  	[sflag:s17] =	ssyncadd.s32 $0xFFFFFF80  }
0x50: {  	[tilespmem:s21], [sflag:$0x2] =	stream.indirect.gather [hbm4b:s1+s18], $0x80, s19, s18, $0xb8;
	[tilespmem:$0x1BAC0] =	vst v63  }
0x51: {  	_ =	swait.ge [sflag:s22], $0x4000  }
0x52: {  	[sflag:s22] =	ssyncset.done $0x0  }
0x53: {  	[sflag:s22] =	ssyncadd.s32 $0xFFFFC000  }
0x54: {  	[spmem:s3] =	stream.indirect.scatter.add.f32 [tilespmem:s16], [sflag:$0x3], $0x80, s18, s18, $0xb8;
	[tilespmem:$0x1BAC0] =	vst v63  }
0x55: {  	_ =	swait.ge [sflag:s17], $0x4000  }
0x56: {  	[sflag:s17] =	ssyncset.done $0x0  }
0x57: {  	[sflag:s17] =	ssyncadd.s32 $0xFFFFC000  }
0x58: {  	_ =	swait.ge [sflag:s23], $0x4000  }
0x59: {  	[sflag:s23] =	ssyncset.done $0x0  }
0x5a: {  	[sflag:s23] =	ssyncadd.s32 $0xFFFFC000  }
0x5b: {  	[spmem:s3] =	stream.indirect.scatter.add.f32 [tilespmem:s21], [sflag:$0x3], $0x80, s20, s18, $0xb8;
	[tilespmem:$0x1BAC0] =	vst v63  }
0x5c: {  	_ =	swait.ge [sflag:s17], $0x4000  }
0x5d: {  	s28 =	simm.s32 $0x40;
	s25 =	simm.s32 $0x20;
	[sflag:s17] =	ssyncset.done $0x0  }
.LBB2_4:
0x5e: {  	s29 =	sadd.s32 s25, s14  }
0x5f: {  	[sflag:s17] =	ssyncadd.s32 $0xFFFFC000;
	s30 =	smov.u32 s28;
	s26 =	sadd.s32 $0x20, s28  }
0x60: {  	[tilespmem:s4], [sflag:$0x3] =	stream.linear.gather [hbm4b:s29+s4], $0x80, $0x38;
	[tilespmem:$0x1BAC0] =	vst v63  }
0x61: {  	p1 =	sne.s32 s28, $0x4E0;
	_ =	swait.ge [sflag:s17], $0x80  }
0x62: {  	[sflag:s17] =	ssyncset.done $0x0  }
0x63: {  	s28 =	sadd.s32 s25, s15;
	s25 =	smov.u32 s30;
	[sflag:s17] =	ssyncadd.s32 $0xFFFFFF80  }
0x64: {  	[tilespmem:s18], [sflag:$0x3] =	stream.linear.gather [hbm4b:s28+s4], $0x80, $0x38;
	[tilespmem:$0x1BAC0] =	vst v63  }
0x65: {  	_ =	swait.ge [sflag:s17], $0x80  }
0x66: {  	[sflag:s17] =	ssyncset.done $0x0  }
0x67: {  	[sflag:s17] =	ssyncadd.s32 $0xFFFFFF80  }
0x68: {  	[tilespmem:s16], [sflag:$0x1] =	stream.indirect.gather [hbm4b:s1+s18], $0x80, s4, s18, $0xb8;
	[tilespmem:$0x1BAC0] =	vst v63  }
0x69: {  	s29 =	sadd.s32 $0x10, s29  }
0x6a: {  	[tilespmem:s19], [sflag:$0x3] =	stream.linear.gather [hbm4b:s29+s4], $0x80, $0x38;
	[tilespmem:$0x1BAC0] =	vst v63  }
0x6b: {  	_ =	swait.ge [sflag:s17], $0x80  }
0x6c: {  	[sflag:s17] =	ssyncset.done $0x0  }
0x6d: {  	s28 =	sadd.s32 $0x10, s28;
	[sflag:s17] =	ssyncadd.s32 $0xFFFFFF80  }
0x6e: {  	[tilespmem:s20], [sflag:$0x3] =	stream.linear.gather [hbm4b:s28+s4], $0x80, $0x38;
	[tilespmem:$0x1BAC0] =	vst v63  }
0x6f: {  	_ =	swait.ge [sflag:s17], $0x80  }
0x70: {  	[sflag:s17] =	ssyncset.done $0x0  }
0x71: {  	[sflag:s17] =	ssyncadd.s32 $0xFFFFFF80  }
0x72: {  	[tilespmem:s21], [sflag:$0x2] =	stream.indirect.gather [hbm4b:s1+s18], $0x80, s19, s18, $0xb8;
	[tilespmem:$0x1BAC0] =	vst v63  }
0x73: {  	_ =	swait.ge [sflag:s22], $0x4000  }
0x74: {  	[sflag:s22] =	ssyncset.done $0x0  }
0x75: {  	[sflag:s22] =	ssyncadd.s32 $0xFFFFC000  }
0x76: {  	[spmem:s3] =	stream.indirect.scatter.add.f32 [tilespmem:s16], [sflag:$0x3], $0x80, s18, s18, $0xb8;
	[tilespmem:$0x1BAC0] =	vst v63  }
0x77: {  	_ =	swait.ge [sflag:s17], $0x4000  }
0x78: {  	[sflag:s17] =	ssyncset.done $0x0  }
0x79: {  	[sflag:s17] =	ssyncadd.s32 $0xFFFFC000  }
0x7a: {  	_ =	swait.ge [sflag:s23], $0x4000  }
.Ltmp1:
0x7b: {  	[sflag:s23] =	ssyncset.done $0x0;
	(pc) =	sbr.rel @p1 .LBB2_4-.Ltmp1, $4  }
0x7c: {  	[sflag:s23] =	ssyncadd.s32 $0xFFFFC000  }
0x7d: {  	[spmem:s3] =	stream.indirect.scatter.add.f32 [tilespmem:s21], [sflag:$0x3], $0x80, s20, s18, $0xb8;
	[tilespmem:$0x1BAC0] =	vst v63  }
0x7e: {  	_ =	swait.ge [sflag:s17], $0x4000  }
0x7f: {  	s28 =	smov.u32 s26;
	[sflag:s17] =	ssyncset.done $0x0  }
0x80: {  	s26 =	sadd.s32 s25, s14;
	[sflag:s17] =	ssyncadd.s32 $0xFFFFC000  }
0x81: {  	[tilespmem:s4], [sflag:$0x3] =	stream.linear.gather [hbm4b:s26+s4], $0x80, $0x38;
	[tilespmem:$0x1BAC0] =	vst v63  }
0x82: {  	_ =	swait.ge [sflag:s17], $0x80  }
0x83: {  	[sflag:s17] =	ssyncset.done $0x0  }
0x84: {  	s29 =	sadd.s32 s25, s15;
	[sflag:s17] =	ssyncadd.s32 $0xFFFFFF80  }
0x85: {  	[tilespmem:s18], [sflag:$0x3] =	stream.linear.gather [hbm4b:s29+s4], $0x80, $0x38;
	[tilespmem:$0x1BAC0] =	vst v63  }
0x86: {  	_ =	swait.ge [sflag:s17], $0x80  }
0x87: {  	[sflag:s17] =	ssyncset.done $0x0  }
0x88: {  	[sflag:s17] =	ssyncadd.s32 $0xFFFFFF80  }
0x89: {  	[tilespmem:s16], [sflag:$0x1] =	stream.indirect.gather [hbm4b:s1+s18], $0x80, s4, s18, $0xb8;
	[tilespmem:$0x1BAC0] =	vst v63  }
0x8a: {  	s26 =	sadd.s32 $0x10, s26  }
0x8b: {  	[tilespmem:s19], [sflag:$0x3] =	stream.linear.gather [hbm4b:s26+s4], $0x80, $0x38;
	[tilespmem:$0x1BAC0] =	vst v63  }
0x8c: {  	_ =	swait.ge [sflag:s17], $0x80  }
0x8d: {  	[sflag:s17] =	ssyncset.done $0x0  }
0x8e: {  	s25 =	sadd.s32 $0x10, s29;
	[sflag:s17] =	ssyncadd.s32 $0xFFFFFF80  }
0x8f: {  	[tilespmem:s20], [sflag:$0x3] =	stream.linear.gather [hbm4b:s25+s4], $0x80, $0x38;
	[tilespmem:$0x1BAC0] =	vst v63  }
0x90: {  	_ =	swait.ge [sflag:s17], $0x80  }
0x91: {  	[sflag:s17] =	ssyncset.done $0x0  }
0x92: {  	[sflag:s17] =	ssyncadd.s32 $0xFFFFFF80  }
0x93: {  	[tilespmem:s21], [sflag:$0x2] =	stream.indirect.gather [hbm4b:s1+s18], $0x80, s19, s18, $0xb8;
	[tilespmem:$0x1BAC0] =	vst v63  }
0x94: {  	_ =	swait.ge [sflag:s22], $0x4000  }
0x95: {  	[sflag:s22] =	ssyncset.done $0x0  }
0x96: {  	[sflag:s22] =	ssyncadd.s32 $0xFFFFC000  }
0x97: {  	[spmem:s3] =	stream.indirect.scatter.add.f32 [tilespmem:s16], [sflag:$0x3], $0x80, s18, s18, $0xb8;
	[tilespmem:$0x1BAC0] =	vst v63  }
0x98: {  	_ =	swait.ge [sflag:s17], $0x4000  }
0x99: {  	[sflag:s17] =	ssyncset.done $0x0  }
0x9a: {  	[sflag:s17] =	ssyncadd.s32 $0xFFFFC000  }
0x9b: {  	_ =	swait.ge [sflag:s23], $0x4000  }
0x9c: {  	[sflag:s23] =	ssyncset.done $0x0  }
0x9d: {  	[sflag:s23] =	ssyncadd.s32 $0xFFFFC000  }
0x9e: {  	[spmem:s3] =	stream.indirect.scatter.add.f32 [tilespmem:s21], [sflag:$0x3], $0x80, s20, s18, $0xb8;
	[tilespmem:$0x1BAC0] =	vst v63  }
0x9f: {  	_ =	swait.ge [sflag:s17], $0x4000  }
0xa0: {  	[sflag:s17] =	ssyncset.done $0x0  }
0xa1: {  	s30 =	sshll.u32 s0, $0x6;
	[sflag:s17] =	ssyncadd.s32 $0xFFFFC000  }
0xa2: {  	s31 =	sshrl.u32 s5, $0x3;
	s25 =	sor.u32 $0x1C03, s30;
	[bflag:$0x0] =	sbarrier.arrive $0xFFFF  }
0xa3: {  	[hbm:s11], [sflag:s25] =	dma.local [spmem:s31], $0x2700  }
0xa4: {  	_ =	swait.ge [sflag:s17], $0x2700  }
0xa5: {  	s24 =	sadd.s32 $0x1, s24;
	[sflag:s17] =	ssyncset.done $0x0  }
0xa6: {  	p1 =	sne.s32 s24, s13;
	s26 =	sshrl.u32 @!p0 s10, $0x3;
	[sflag:s17] =	ssyncadd.s32 $0xFFFFD900  }
0xa7: {  	[hbm:s12], [sflag:s25] =	dma.local @!p0 [spmem:s26], $0x100  }
.Ltmp2:
0xa8: {  	_ = 	snop;
	(pc) =	sbr.rel @p1 .LBB2_1-.Ltmp2, $4  }
0xa9: {  	s25 =	simm.s32 @!p0 $0x3  }
0xaa: {  	_ =	swait.ge @!p0 [sflag:s25], $0x100  }
0xab: {  	[sflag:s25] =	ssyncset.done @!p0 $0x0  }
0xac: {  	[sflag:s25] =	ssyncadd.s32 @!p0 $0xFFFFFF00  }
0xad: {  	_ =	sfence.sel $0x180000  }
0xae: {  	[bflag:$0x0] =	sbarrier.arrive $0xFFFF  }
0xaf: {  	p0 =	sne.s32 s0, $0x0;
	_ =	strace $0x90000047  }
0xb0: {  	s0 =	sadd.s32 @!p0 $0x100000, s2;
	[bflag:$0x2] =	sbarrier.arrive $0xFFFF  }
0xb1: {  	[sflag:s0] =	ssyncadd.tile.s32 @!p0 $0x1;
	_ =	shalt  }
.Lfunc_end2:
_tile_overlayer_lowered:
.L_overlay_start_2:
0xb2: {  	(tag) =	ssettag $0x2  }
0xb3: {  	s0 =	rddreg [dreg:$0x0];
	s2 =	stileid.u32  }
0xb4: {  	s1 =	rddreg [dreg:$0x1];
	p0 =	sne.s32 s2, $0x0  }
0xb5: {  	s3 =	rddreg [dreg:$0x2];
	[bflag:$0x3] =	sbarrier.arrive $0xFFFF;
	s2 =	simm.s32 @!p0 $0x1C03  }
0xb6: {  	[timem:s3], [sflag:s2] =	dma.local @!p0 [hbm:s0], s1  }
0xb7: {  	s0 =	simm.s32 @!p0 $0x3  }
0xb8: {  	_ =	swait.ge @!p0 [sflag:s0], s1  }
0xb9: {  	s1 =	ssub.s32 @!p0 $0x0, s1;
	[sflag:s0] =	ssyncset.done @!p0 $0x0  }
0xba: {  	[sflag:s0] =	ssyncadd.s32 @!p0 s1  }
0xbb: {  	[bflag:$0x3] =	sbarrier.arrive $0xFFFF  }
0xbc: {  	_ =	shalt  }

// kernel: kernel.16.cloned.1.call-start
scs
__scs_entry_jumppad:
0x0: {  	(pc) =	sbr.rel $0x88, $3  }
0x1: {  	(tag) =	ssettag $0x0;
	lr =	simm.s32 $0x1  }
0x2: {  	[smem:$0x3F9A] =	sst lr;
	_ =	strace $0xD0000000  }
0x3: {  	_ = 	snop  }
0x4: {  	_ = 	snop  }
0x5: {  	_ = 	snop  }
0x6: {  	_ = 	snop  }
0x7: {  	_ = 	snop  }
__scs_overlays_trampoline_lowered:
0x8: {  	[smem:$0x3FA9] =	sst s0  }
0x9: {  	[smem:$0x3FAA] =	sst s1  }
0xa: {  	[smem:$0x3FAB] =	sst s2  }
0xb: {  	[smem:$0x3FAC] =	sst s3  }
0xc: {  	[smem:$0x3FAD] =	sst s4  }
0xd: {  	[smem:$0x3FAE] =	sst s5  }
0xe: {  	[smem:$0x3FAF] =	sst s6  }
0xf: {  	[smem:$0x3FB0] =	sst s7  }
0x10: {  	[smem:$0x3FB1] =	sst s8  }
0x11: {  	[smem:$0x3FB2] =	sst s9;
	s0 =	simm.s32 @!p0 $0x0  }
0x12: {  	s1 =	sld [smem:$0x3F98];
	s0 =	simm.s32 @p0 $0x1  }
0x13: {  	[smem:$0x3FB3] =	sst s0;
	s0 =	simm.s32 @!p1 $0x0  }
0x14: {  	s2 =	sld [smem:$0x3F97];
	s0 =	simm.s32 @p1 $0x1  }
0x15: {  	[smem:$0x3FB4] =	sst s0;
	s0 =	simm.s32 @!p2 $0x0  }
0x16: {  	s3 =	sld [smem:$0x3FDB];
	s0 =	simm.s32 @p2 $0x1  }
0x17: {  	s4 =	simm.s32 $0x1BF5;
	[smem:$0x3FB6] =	sst s0  }
0x18: {  	s0 =	sld [smem:$0x3F99];
	_ =	swait.ge [sflag:s4], $0x0  }
0x19: {  	s7 =	sld [smem:$0x3F9A]  }
0x1a: {  	s8 =	sadd.s32 $0xFFFFE003, lr  }
0x1b: {  	s9 =	sadd.s32 $0xFFFFFEF7, lr;
	s5 =	simm.s32 $0xFFFFFFFF;
	p2 =	slt.u32 s8, $0xFFFFF086  }
0x1c: {  	p1 =	slt.u32 s9, $0xF7A;
	s5 =	simm.s32 @!p2 $0x0  }
0x1d: {  	s5 =	simm.s32 @p1 $0x1;
	p0 =	seq.s32 s7, s2  }
0x1e: {  	s7 =	smul.u32 @!p0 $0xF7A, s2;
	p2 =	seq.s32 @!p0 s5, $0x0  }
0x1f: {  	s9 =	smul.u32 $0xF7A, s1;
	s8 =	simm.s32 @!p0 $0x1BF5;
	p2 =	por !p2, p0  }
0x20: {  	[sflag:s8] =	ssyncset.s32 @!p0 $0xFFFFF086;
	s6 =	sadd.s32 @!p0 s3, s7;
	s7 =	simm.s32 @!p0 $0x108  }
0x21: {  	s3 =	sadd.s32 s3, s9;
	s6 =	sadd.s32 @!p0 $0x88, s6;
	s7 =	simm.s32 @p2 $0x1082  }
0x22: {  	[simem:s7], [sflag:s8] =	dma.local @!p0 [hbm:s6], $0xF7A  }
0x23: {  	s9 =	sor.u32 $0xD0000000, s2;
	s6 =	simm.s32 $0x108;
	_ =	swait.ge @!p0 [sflag:s8], $0x0  }
0x24: {  	s3 =	sadd.s32 $0x88, s3;
	s6 =	simm.s32 @!p1 $0x1082;
	[sflag:s4] =	ssyncset.s32 $0xFFFFF086  }
0x25: {  	[simem:s6], [sflag:s4] =	dma.local [hbm:s3], $0xF7A  }
0x26: {  	[smem:$0x3F9A] =	sst s1;
	(tag) =	ssettag s2;
	_ =	strace s9  }
0x27: {  	s1 =	sld [smem:$0x3FAA]  }
0x28: {  	s2 =	sld [smem:$0x3FAB]  }
0x29: {  	s4 =	sld [smem:$0x3FAD]  }
0x2a: {  	p0 =	seq.s32 s5, $0x0;
	s5 =	sld [smem:$0x3FAE]  }
0x2b: {  	s6 =	sld [smem:$0x3FAF]  }
0x2c: {  	s7 =	sld [smem:$0x3FB0]  }
0x2d: {  	s3 =	simm.s32 $0x108;
	s8 =	sld [smem:$0x3FB1]  }
0x2e: {  	s3 =	simm.s32 @!p0 $0x1082;
	s9 =	sld [smem:$0x3FB2]  }
0x2f: {  	lr =	sadd.s32 s0, s3;
	s0 =	sld [smem:$0x3FA9]  }
0x30: {  	s3 =	sld [smem:$0x3FAC]  }
0x31: {  	[smem:$0x3FB5] =	sst s10  }
0x32: {  	s10 =	sld [smem:$0x3FB3];
	_ =	sdelay $0x3  }
0x33: {  	p0 =	seq.s32 s10, $0x1;
	s10 =	sld [smem:$0x3FB5];
	_ =	sdelay $0x3  }
0x34: {  	[smem:$0x3FB5] =	sst s10  }
0x35: {  	s10 =	sld [smem:$0x3FB4];
	_ =	sdelay $0x3  }
0x36: {  	p1 =	seq.s32 s10, $0x1;
	s10 =	sld [smem:$0x3FB5];
	_ =	sdelay $0x3  }
0x37: {  	[smem:$0x3FB5] =	sst s10  }
0x38: {  	s10 =	sld [smem:$0x3FB6]  }
0x39: {  	_ = 	snop;
	(pc) =	sbr.ind lr, $3  }
0x3a: {  	_ = 	snop  }
0x3b: {  	_ = 	snop  }
0x3c: {  	p2 =	seq.s32 s10, $0x1;
	s10 =	sld [smem:$0x3FB5]  }
0x3d: {  	_ =	shalt  }
0x3e: {  	_ =	shalt  }
0x3f: {  	_ =	shalt  }
0x40: {  	_ =	shalt  }
0x41: {  	_ =	shalt  }
0x42: {  	_ =	shalt  }
0x43: {  	_ =	shalt  }
0x44: {  	_ =	shalt  }
0x45: {  	_ =	shalt  }
0x46: {  	_ =	shalt  }
0x47: {  	_ =	shalt  }
0x48: {  	_ =	shalt  }
0x49: {  	_ =	shalt  }
0x4a: {  	_ =	shalt  }
0x4b: {  	_ =	shalt  }
0x4c: {  	_ =	shalt  }
0x4d: {  	_ =	shalt  }
0x4e: {  	_ =	shalt  }
0x4f: {  	_ =	shalt  }
0x50: {  	_ =	shalt  }
0x51: {  	_ =	shalt  }
0x52: {  	_ =	shalt  }
0x53: {  	_ =	shalt  }
0x54: {  	_ =	shalt  }
0x55: {  	_ =	shalt  }
0x56: {  	_ =	shalt  }
0x57: {  	_ =	shalt  }
0x58: {  	_ =	shalt  }
0x59: {  	_ =	shalt  }
0x5a: {  	_ =	shalt  }
0x5b: {  	_ =	shalt  }
0x5c: {  	_ =	shalt  }
0x5d: {  	_ =	shalt  }
0x5e: {  	_ =	shalt  }
0x5f: {  	_ =	shalt  }
0x60: {  	_ =	shalt  }
0x61: {  	_ =	shalt  }
0x62: {  	_ =	shalt  }
0x63: {  	_ =	shalt  }
0x64: {  	_ =	shalt  }
0x65: {  	_ =	shalt  }
0x66: {  	_ =	shalt  }
0x67: {  	_ =	shalt  }
0x68: {  	_ =	shalt  }
0x69: {  	_ =	shalt  }
0x6a: {  	_ =	shalt  }
0x6b: {  	_ =	shalt  }
0x6c: {  	_ =	shalt  }
0x6d: {  	_ =	shalt  }
0x6e: {  	_ =	shalt  }
0x6f: {  	_ =	shalt  }
0x70: {  	_ =	shalt  }
0x71: {  	_ =	shalt  }
0x72: {  	_ =	shalt  }
0x73: {  	_ =	shalt  }
0x74: {  	_ =	shalt  }
0x75: {  	_ =	shalt  }
0x76: {  	_ =	shalt  }
0x77: {  	_ =	shalt  }
0x78: {  	_ =	shalt  }
0x79: {  	_ =	shalt  }
0x7a: {  	_ =	shalt  }
0x7b: {  	_ =	shalt  }
0x7c: {  	_ =	shalt  }
0x7d: {  	_ =	shalt  }
0x7e: {  	_ =	shalt  }
0x7f: {  	_ =	shalt  }
0x80: {  	_ =	shalt  }
0x81: {  	_ =	shalt  }
0x82: {  	_ =	shalt  }
0x83: {  	_ =	shalt  }
0x84: {  	_ =	shalt  }
0x85: {  	_ =	shalt  }
0x86: {  	_ =	shalt  }
0x87: {  	_ =	shalt  }
.Lfunc_end0:
.L_simem_size_0:
called_computation.1_lowered:
.L_overlay_start_0:
0x88: {  	s2 =	sld [smem:$0x3FD9]  }
0x89: {  	s3 =	sld [smem:$0x3FFE];
	_ =	sdelay $0x1  }
0x8a: {  	s1 =	srdreg.scid  }
0x8b: {  	s0 =	sand.u32 $0x1, s1  }
0x8c: {  	s17 =	sshll.u32 s0, $0xA;
	s2 =	sadd.s32 s3, s2  }
0x8d: {  	s2 =	sadd.s32 s2, s17  }
0x8e: {  	[smem:$0x3FC1] =	sst s2  }
0x8f: {  	_ = 	snop  }
0x90: {  	s2 =	sld [smem:$0x3FD0];
	(tm) =	ssettm $0x1  }
0x91: {  	s18 =	sld [smem:$0x3FFB];
	_ =	sdelay $0x3  }
0x92: {  	_ =	strace s18  }
0x93: {  	s3 =	sld [smem:$0x3FFC];
	_ =	sdelay $0x3  }
0x94: {  	_ =	strace s3  }
0x95: {  	s3 =	sld [smem:$0x3FFD];
	_ =	sdelay $0x3  }
0x96: {  	_ =	strace s3  }
0x97: {  	_ =	strace $0x8FFFFFFF  }
0x98: {  	s19 =	sld [smem:$0x3FDB];
	_ =	sdelay $0x1  }
0x99: {  	s4 =	simm.s32 $_scs_section_size  }
0x9a: {  	s5 =	simm.s32 $_size__tile_overlayer_lowered;
	s6 =	simm.s32 $_tile_overlayer_lowered  }
0x9b: {  	s22 =	simm.s32 $0x1BFF;
	s21 =	sshll.u32 s6, $0x1;
	s3 =	sadd.s32 s4, s19  }
0x9c: {  	s7 =	simm.s32 $0x0;
	s20 =	sshll.u32 s5, $0x1;
	s5 =	sadd.s32 s21, s3  }
0x9d: {  	[timem:s7], [sflag:s22] =	dma.local [hbm:s5], s20  }
0x9e: {  	_ =	swait.ge [sflag:s22], s20  }
0x9f: {  	s4 =	ssub.s32 $0x0, s20;
	[sflag:s22] =	ssyncset.done $0x0  }
0xa0: {  	[sflag:s22] =	ssyncadd.s32 s4;
	_ =	sdelay $0x1  }
0xa1: {  	s23 =	simm.s32 $0x1B8B  }
0xa2: {  	_ =	swait.ge [sflag:s23], $0x1  }
0xa3: {  	[sflag:s23] =	ssyncset.done $0x0  }
0xa4: {  	s25 =	simm.s32 $0x1B8E;
	s24 =	sld [smem:$0x3FFE];
	[sflag:s23] =	ssyncadd.s32 $0xFFFFFFFF  }
0xa5: {  	s26 =	simm.s32 $execute0_lowered;
	[smem:$0x3FD2] =	sst s25  }
0xa6: {  	s5 =	sshll.u32 s26, $0x1;
	_ =	strace $0x80000049;
	[dreg:$0x1] =	wrdreg $0xFFFFFFFF  }
0xa7: {  	s28 =	simm.s32 $_size_execute0_lowered;
	s3 =	sadd.s32 s3, s5;
	[dreg:$0x0] =	wrdreg $0x0  }
0xa8: {  	s5 =	sshll.u32 s28, $0x1;
	[dreg:$0x2] =	wrdreg s3  }
0xa9: {  	[dreg:$0x3] =	wrdreg s5  }
0xaa: {  	[dreg:$0x4] =	wrdreg $0xC0  }
0xab: {  	_ =	task [dreg:s7], $0x5FFFF  }
0xac: {  	[dreg:$0x1] =	wrdreg $0xFFFFFFFF  }
0xad: {  	[dreg:$0x0] =	wrdreg $0x60  }
0xae: {  	[dreg:$0x2] =	wrdreg s2  }
0xaf: {  	[dreg:$0x3] =	wrdreg s24  }
0xb0: {  	[dreg:$0x4] =	wrdreg $0x82000  }
0xb1: {  	[dreg:$0x5] =	wrdreg $0x9  }
0xb2: {  	_ =	task.clear_ibuf [dreg:s7], $0x6FFFF;
	_ =	strace $0x90000049  }
0xb3: {  	s29 =	simm.s32 $0x9;
	_ =	strace $0x8000004B  }
0xb4: {  	_ =	swait.ge [sflag:s29], $0x1  }
0xb5: {  	[sflag:s29] =	ssyncadd.s32 $0xFFFFFFFF  }
0xb6: {  	_ =	strace $0x9000004B  }
0xb7: {  	_ =	sfence  }
0xb8: {  	s30 =	sld [smem:$0x0];
	_ =	sdelay $0x2  }
0xb9: {  	s31 =	sshll.u32 s1, $0xD;
	s1 =	sshrl.u32 s1, $0x2  }
0xba: {  	s3 =	sand.u32 $0x4000, s31;
	s1 =	sadd.s32 s1, s30  }
0xbb: {  	s0 =	sor.u32 s3, s0;
	s1 =	sshll.u32 s1, $0x11  }
0xbc: {  	s0 =	sor.u32 s1, s0  }
0xbd: {  	s0 =	sadd.s32 $0x8F2B, s0  }
0xbe: {  	[sflag:s0] =	ssyncadd.remote.s32 $0x1  }
0xbf: {  	_ =	sfence.sel $0xFFFF  }
0xc0: {  	[dreg:$0x0] =	wrdreg $0xFFFFFFFF;
	(pc) =	sbr.abs _section_cstart, $3  }
0xc1: {  	[dreg:$0x1] =	wrdreg $0xFFFFFFFF  }
0xc2: {  	_ =	task.clear_ibuf [dreg:s7], $0x2FFFF;
	_ =	strace $0x9FFFFFFF  }
0xc3: {  	(tm) =	ssettm $0x7FFFFFFF  }
tec
execute0_lowered:
.L_overlay_start_1:
0x0: {  	(tag) =	ssettag $0x1  }
0x1: {  	s1 =	rddreg [dreg:$0x0]  }
0x2: {  	s5 =	rddreg [dreg:$0x1]  }
0x3: {  	s3 =	rddreg [dreg:$0x2]  }
0x4: {  	s0 =	srdreg.scid;
	s2 =	rddreg [dreg:$0x3];
	s4 =	simm.s32 $0x0  }
0x5: {  	s17 =	simm.s32 $0x3;
	s18 =	simm.s32 $0x80;
	s8 =	sand.u32 $0x1, s0  }
0x6: {  	s19 =	simm.s32 $0x4100;
	s0 =	stileid.u32;
	s6 =	smul.u32 $0x28000, s8  }
0x7: {  	s20 =	simm.s32 $0x4180;
	s21 =	simm.s32 $0x4200;
	s7 =	smul.u32 $0x2800, s0  }
0x8: {  	s22 =	simm.s32 $0x1;
	s23 =	simm.s32 $0x2;
	s28 =	smul.u32 $0x4E000, s0  }
0x9: {  	[smem:$0x7FF] =	sst s4;
	s11 =	sadd.s32 $0x17400, s5;
	s12 =	smul.u32 $0x2700, s0  }
0xa: {  	s24 =	simm.s32 $0x0;
	_ =	strace $0x8000004A;
	s10 =	smul.u32 $0x138800, s8  }
0xb: {  	s29 =	ssub.s32 $0x2, s8;
	s14 =	smul.u32 $0x27100, s8;
	p0 =	sne.s32 s0, $0xF  }
0xc: {  	s30 =	sshrl.u32 s29, $0x1;
	s6 =	sadd.s32 s7, s6;
	s7 =	sshrl.u32 s28, $0x2  }
0xd: {  	s13 =	ssub.s32 s29, s30;
	s16 =	sshrl.u32 s10, $0x3;
	s10 =	sadd.s32 $0x138000, s3  }
0xe: {  	s12 =	sadd.s32 s12, s14;
	s6 =	sshrl.u32 s6, $0x3;
	s31 =	sadd.s32 s11, s16  }
0xf: {  	s11 =	sadd.s32 s11, s12;
	s13 =	smax.u32 s13, $0x1;
	s16 =	simm.s32 $0x100  }
0x10: {  	s15 =	sadd.s32 s6, s5;
	s5 =	sadd.s32 s7, s3;
	s12 =	sadd.s32 $0x27000, s31  }
0x11: {  	s6 =	sadd.s32 $0x4000, s5;
	s7 =	sadd.s32 $0x8000, s5;
	s8 =	sadd.s32 $0xC000, s5  }
0x12: {  	v0 =	vimm.f32 $0.0e+00;
	s9 =	sadd.s32 $0x10000, s5;
	s14 =	sadd.s32 $0xD400, s15;
	s15 =	sadd.s32 $0x3400, s15  }
.LBB2_1:
0x13: {  	s25 =	simm.s32 $0x0;
	s26 =	simm.s32 $0x200  }
.LBB2_2:
0x14: {  	p1 =	sne.s32 s26, $0xFE00;
	[tilespmem:s25+$0x170] =	vst v0  }
0x15: {  	[tilespmem:s25+$0x100] =	vst v0  }
0x16: {  	[tilespmem:s25+$0x110] =	vst v0  }
.Ltmp0:
0x17: {  	[tilespmem:s25+$0x120] =	vst v0;
	(pc) =	sbr.rel @p1 .LBB2_2-.Ltmp0, $4  }
0x18: {  	[tilespmem:s25+$0x130] =	vst v0  }
0x19: {  	[tilespmem:s25+$0x140] =	vst v0  }
0x1a: {  	[tilespmem:s25+$0x150] =	vst v0  }
0x1b: {  	[tilespmem:s25+$0x160] =	vst v0;
	s25 =	sshra.s32 s26, $0x2;
	s26 =	sadd.s32 $0x200, s26  }
0x1c: {  	[tilespmem:s25+$0x170] =	vst v0  }
0x1d: {  	[tilespmem:s25+$0x100] =	vst v0  }
0x1e: {  	[tilespmem:s25+$0x110] =	vst v0  }
0x1f: {  	[tilespmem:s25+$0x120] =	vst v0  }
0x20: {  	[tilespmem:s25+$0x130] =	vst v0  }
0x21: {  	[tilespmem:s25+$0x140] =	vst v0  }
0x22: {  	[tilespmem:s25+$0x150] =	vst v0  }
0x23: {  	[tilespmem:s25+$0x160] =	vst v0  }
0x24: {  	[spmem:s5] =	stream.linear.scatter [tilespmem:s16], [sflag:$0x3], $0x4000, $0x38;
	[tilespmem:$0x1BAC0] =	vst v63  }
0x25: {  	_ =	swait.ge [sflag:s17], $0x4000  }
0x26: {  	[sflag:s17] =	ssyncset.done $0x0  }
0x27: {  	[sflag:s17] =	ssyncadd.s32 $0xFFFFC000  }
0x28: {  	[spmem:s6] =	stream.linear.scatter [tilespmem:s16], [sflag:$0x3], $0x4000, $0x38;
	[tilespmem:$0x1BAC0] =	vst v63  }
0x29: {  	_ =	swait.ge [sflag:s17], $0x4000  }
0x2a: {  	[sflag:s17] =	ssyncset.done $0x0  }
0x2b: {  	[sflag:s17] =	ssyncadd.s32 $0xFFFFC000  }
0x2c: {  	[spmem:s7] =	stream.linear.scatter [tilespmem:s16], [sflag:$0x3], $0x4000, $0x38;
	[tilespmem:$0x1BAC0] =	vst v63  }
0x2d: {  	_ =	swait.ge [sflag:s17], $0x4000  }
0x2e: {  	[sflag:s17] =	ssyncset.done $0x0  }
0x2f: {  	[sflag:s17] =	ssyncadd.s32 $0xFFFFC000  }
0x30: {  	[spmem:s8] =	stream.linear.scatter [tilespmem:s16], [sflag:$0x3], $0x4000, $0x38;
	[tilespmem:$0x1BAC0] =	vst v63  }
0x31: {  	_ =	swait.ge [sflag:s17], $0x4000  }
0x32: {  	[sflag:s17] =	ssyncset.done $0x0  }
0x33: {  	[sflag:s17] =	ssyncadd.s32 $0xFFFFC000  }
0x34: {  	[spmem:s9] =	stream.linear.scatter [tilespmem:s16], [sflag:$0x3], $0x3800, $0x38;
	[tilespmem:$0x1BAC0] =	vst v63  }
0x35: {  	_ =	swait.ge [sflag:s17], $0x3800  }
0x36: {  	[sflag:s17] =	ssyncset.done $0x0  }
0x37: {  	s25 =	simm.s32 @!p0 $0x100;
	[sflag:s17] =	ssyncadd.s32 $0xFFFFC800  }
0x38: {  	[spmem:s10] =	stream.linear.scatter @!p0 [tilespmem:s25], [sflag:$0x3], $0xC00, $0x38;
	[tilespmem:$0x1BAC0] =	vst v63  }
0x39: {  	s25 =	simm.s32 @!p0 $0x3  }
0x3a: {  	_ =	swait.ge @!p0 [sflag:s25], $0xC00  }
0x3b: {  	[sflag:s25] =	ssyncset.done @!p0 $0x0  }
0x3c: {  	[sflag:s25] =	ssyncadd.s32 @!p0 $0xFFFFF400  }
0x3d: {  	s30 =	sadd.s32 $0x0, s14;
	[bflag:$0x0] =	sbarrier.arrive $0xFFFF  }
0x3e: {  	[tilespmem:s4], [sflag:$0x3] =	stream.linear.gather [hbm4b:s30+s4], $0x80, $0x38;
	[tilespmem:$0x1BAC0] =	vst v63  }
0x3f: {  	_ =	swait.ge [sflag:s17], $0x80  }
0x40: {  	[sflag:s17] =	ssyncset.done $0x0  }
0x41: {  	s26 =	sadd.s32 $0x0, s15;
	[sflag:s17] =	ssyncadd.s32 $0xFFFFFF80  }
0x42: {  	[tilespmem:s18], [sflag:$0x3] =	stream.linear.gather [hbm4b:s26+s4], $0x80, $0x38;
	[tilespmem:$0x1BAC0] =	vst v63  }
0x43: {  	_ =	swait.ge [sflag:s17], $0x80  }
0x44: {  	[sflag:s17] =	ssyncset.done $0x0  }
0x45: {  	[sflag:s17] =	ssyncadd.s32 $0xFFFFFF80  }
0x46: {  	[tilespmem:s16], [sflag:$0x1] =	stream.indirect.gather [hbm4b:s1+s18], $0x80, s4, s18, $0xb8;
	[tilespmem:$0x1BAC0] =	vst v63  }
0x47: {  	s25 =	sadd.s32 $0x10, s30  }
0x48: {  	[tilespmem:s19], [sflag:$0x3] =	stream.linear.gather [hbm4b:s25+s4], $0x80, $0x38;
	[tilespmem:$0x1BAC0] =	vst v63  }
0x49: {  	_ =	swait.ge [sflag:s17], $0x80  }
0x4a: {  	[sflag:s17] =	ssyncset.done $0x0  }
0x4b: {  	s31 =	sadd.s32 $0x10, s26;
	[sflag:s17] =	ssyncadd.s32 $0xFFFFFF80  }
0x4c: {  	[tilespmem:s20], [sflag:$0x3] =	stream.linear.gather [hbm4b:s31+s4], $0x80, $0x38;
	[tilespmem:$0x1BAC0] =	vst v63  }
0x4d: {  	_ =	swait.ge [sflag:s17], $0x80  }
0x4e: {  	[sflag:s17] =	ssyncset.done $0x0  }
0x4f: {  	[sflag:s17] =	ssyncadd.s32 $0xFFFFFF80  }
0x50: {  	[tilespmem:s21], [sflag:$0x2] =	stream.indirect.gather [hbm4b:s1+s18], $0x80, s19, s18, $0xb8;
	[tilespmem:$0x1BAC0] =	vst v63  }
0x51: {  	_ =	swait.ge [sflag:s22], $0x4000  }
0x52: {  	[sflag:s22] =	ssyncset.done $0x0  }
0x53: {  	[sflag:s22] =	ssyncadd.s32 $0xFFFFC000  }
0x54: {  	[spmem:s3] =	stream.indirect.scatter.add.f32 [tilespmem:s16], [sflag:$0x3], $0x80, s18, s18, $0xb8;
	[tilespmem:$0x1BAC0] =	vst v63  }
0x55: {  	_ =	swait.ge [sflag:s17], $0x4000  }
0x56: {  	[sflag:s17] =	ssyncset.done $0x0  }
0x57: {  	[sflag:s17] =	ssyncadd.s32 $0xFFFFC000  }
0x58: {  	_ =	swait.ge [sflag:s23], $0x4000  }
0x59: {  	[sflag:s23] =	ssyncset.done $0x0  }
0x5a: {  	[sflag:s23] =	ssyncadd.s32 $0xFFFFC000  }
0x5b: {  	[spmem:s3] =	stream.indirect.scatter.add.f32 [tilespmem:s21], [sflag:$0x3], $0x80, s20, s18, $0xb8;
	[tilespmem:$0x1BAC0] =	vst v63  }
0x5c: {  	_ =	swait.ge [sflag:s17], $0x4000  }
0x5d: {  	s28 =	simm.s32 $0x40;
	s25 =	simm.s32 $0x20;
	[sflag:s17] =	ssyncset.done $0x0  }
.LBB2_4:
0x5e: {  	s29 =	sadd.s32 s25, s14  }
0x5f: {  	[sflag:s17] =	ssyncadd.s32 $0xFFFFC000;
	s30 =	smov.u32 s28;
	s26 =	sadd.s32 $0x20, s28  }
0x60: {  	[tilespmem:s4], [sflag:$0x3] =	stream.linear.gather [hbm4b:s29+s4], $0x80, $0x38;
	[tilespmem:$0x1BAC0] =	vst v63  }
0x61: {  	p1 =	sne.s32 s28, $0x4E0;
	_ =	swait.ge [sflag:s17], $0x80  }
0x62: {  	[sflag:s17] =	ssyncset.done $0x0  }
0x63: {  	s28 =	sadd.s32 s25, s15;
	s25 =	smov.u32 s30;
	[sflag:s17] =	ssyncadd.s32 $0xFFFFFF80  }
0x64: {  	[tilespmem:s18], [sflag:$0x3] =	stream.linear.gather [hbm4b:s28+s4], $0x80, $0x38;
	[tilespmem:$0x1BAC0] =	vst v63  }
0x65: {  	_ =	swait.ge [sflag:s17], $0x80  }
0x66: {  	[sflag:s17] =	ssyncset.done $0x0  }
0x67: {  	[sflag:s17] =	ssyncadd.s32 $0xFFFFFF80  }
0x68: {  	[tilespmem:s16], [sflag:$0x1] =	stream.indirect.gather [hbm4b:s1+s18], $0x80, s4, s18, $0xb8;
	[tilespmem:$0x1BAC0] =	vst v63  }
0x69: {  	s29 =	sadd.s32 $0x10, s29  }
0x6a: {  	[tilespmem:s19], [sflag:$0x3] =	stream.linear.gather [hbm4b:s29+s4], $0x80, $0x38;
	[tilespmem:$0x1BAC0] =	vst v63  }
0x6b: {  	_ =	swait.ge [sflag:s17], $0x80  }
0x6c: {  	[sflag:s17] =	ssyncset.done $0x0  }
0x6d: {  	s28 =	sadd.s32 $0x10, s28;
	[sflag:s17] =	ssyncadd.s32 $0xFFFFFF80  }
0x6e: {  	[tilespmem:s20], [sflag:$0x3] =	stream.linear.gather [hbm4b:s28+s4], $0x80, $0x38;
	[tilespmem:$0x1BAC0] =	vst v63  }
0x6f: {  	_ =	swait.ge [sflag:s17], $0x80  }
0x70: {  	[sflag:s17] =	ssyncset.done $0x0  }
0x71: {  	[sflag:s17] =	ssyncadd.s32 $0xFFFFFF80  }
0x72: {  	[tilespmem:s21], [sflag:$0x2] =	stream.indirect.gather [hbm4b:s1+s18], $0x80, s19, s18, $0xb8;
	[tilespmem:$0x1BAC0] =	vst v63  }
0x73: {  	_ =	swait.ge [sflag:s22], $0x4000  }
0x74: {  	[sflag:s22] =	ssyncset.done $0x0  }
0x75: {  	[sflag:s22] =	ssyncadd.s32 $0xFFFFC000  }
0x76: {  	[spmem:s3] =	stream.indirect.scatter.add.f32 [tilespmem:s16], [sflag:$0x3], $0x80, s18, s18, $0xb8;
	[tilespmem:$0x1BAC0] =	vst v63  }
0x77: {  	_ =	swait.ge [sflag:s17], $0x4000  }
0x78: {  	[sflag:s17] =	ssyncset.done $0x0  }
0x79: {  	[sflag:s17] =	ssyncadd.s32 $0xFFFFC000  }
0x7a: {  	_ =	swait.ge [sflag:s23], $0x4000  }
.Ltmp1:
0x7b: {  	[sflag:s23] =	ssyncset.done $0x0;
	(pc) =	sbr.rel @p1 .LBB2_4-.Ltmp1, $4  }
0x7c: {  	[sflag:s23] =	ssyncadd.s32 $0xFFFFC000  }
0x7d: {  	[spmem:s3] =	stream.indirect.scatter.add.f32 [tilespmem:s21], [sflag:$0x3], $0x80, s20, s18, $0xb8;
	[tilespmem:$0x1BAC0] =	vst v63  }
0x7e: {  	_ =	swait.ge [sflag:s17], $0x4000  }
0x7f: {  	s28 =	smov.u32 s26;
	[sflag:s17] =	ssyncset.done $0x0  }
0x80: {  	s26 =	sadd.s32 s25, s14;
	[sflag:s17] =	ssyncadd.s32 $0xFFFFC000  }
0x81: {  	[tilespmem:s4], [sflag:$0x3] =	stream.linear.gather [hbm4b:s26+s4], $0x80, $0x38;
	[tilespmem:$0x1BAC0] =	vst v63  }
0x82: {  	_ =	swait.ge [sflag:s17], $0x80  }
0x83: {  	[sflag:s17] =	ssyncset.done $0x0  }
0x84: {  	s29 =	sadd.s32 s25, s15;
	[sflag:s17] =	ssyncadd.s32 $0xFFFFFF80  }
0x85: {  	[tilespmem:s18], [sflag:$0x3] =	stream.linear.gather [hbm4b:s29+s4], $0x80, $0x38;
	[tilespmem:$0x1BAC0] =	vst v63  }
0x86: {  	_ =	swait.ge [sflag:s17], $0x80  }
0x87: {  	[sflag:s17] =	ssyncset.done $0x0  }
0x88: {  	[sflag:s17] =	ssyncadd.s32 $0xFFFFFF80  }
0x89: {  	[tilespmem:s16], [sflag:$0x1] =	stream.indirect.gather [hbm4b:s1+s18], $0x80, s4, s18, $0xb8;
	[tilespmem:$0x1BAC0] =	vst v63  }
0x8a: {  	s26 =	sadd.s32 $0x10, s26  }
0x8b: {  	[tilespmem:s19], [sflag:$0x3] =	stream.linear.gather [hbm4b:s26+s4], $0x80, $0x38;
	[tilespmem:$0x1BAC0] =	vst v63  }
0x8c: {  	_ =	swait.ge [sflag:s17], $0x80  }
0x8d: {  	[sflag:s17] =	ssyncset.done $0x0  }
0x8e: {  	s25 =	sadd.s32 $0x10, s29;
	[sflag:s17] =	ssyncadd.s32 $0xFFFFFF80  }
0x8f: {  	[tilespmem:s20], [sflag:$0x3] =	stream.linear.gather [hbm4b:s25+s4], $0x80, $0x38;
	[tilespmem:$0x1BAC0] =	vst v63  }
0x90: {  	_ =	swait.ge [sflag:s17], $0x80  }
0x91: {  	[sflag:s17] =	ssyncset.done $0x0  }
0x92: {  	[sflag:s17] =	ssyncadd.s32 $0xFFFFFF80  }
0x93: {  	[tilespmem:s21], [sflag:$0x2] =	stream.indirect.gather [hbm4b:s1+s18], $0x80, s19, s18, $0xb8;
	[tilespmem:$0x1BAC0] =	vst v63  }
0x94: {  	_ =	swait.ge [sflag:s22], $0x4000  }
0x95: {  	[sflag:s22] =	ssyncset.done $0x0  }
0x96: {  	[sflag:s22] =	ssyncadd.s32 $0xFFFFC000  }
0x97: {  	[spmem:s3] =	stream.indirect.scatter.add.f32 [tilespmem:s16], [sflag:$0x3], $0x80, s18, s18, $0xb8;
	[tilespmem:$0x1BAC0] =	vst v63  }
0x98: {  	_ =	swait.ge [sflag:s17], $0x4000  }
0x99: {  	[sflag:s17] =	ssyncset.done $0x0  }
0x9a: {  	[sflag:s17] =	ssyncadd.s32 $0xFFFFC000  }
0x9b: {  	_ =	swait.ge [sflag:s23], $0x4000  }
0x9c: {  	[sflag:s23] =	ssyncset.done $0x0  }
0x9d: {  	[sflag:s23] =	ssyncadd.s32 $0xFFFFC000  }
0x9e: {  	[spmem:s3] =	stream.indirect.scatter.add.f32 [tilespmem:s21], [sflag:$0x3], $0x80, s20, s18, $0xb8;
	[tilespmem:$0x1BAC0] =	vst v63  }
0x9f: {  	_ =	swait.ge [sflag:s17], $0x4000  }
0xa0: {  	[sflag:s17] =	ssyncset.done $0x0  }
0xa1: {  	s30 =	sshll.u32 s0, $0x6;
	[sflag:s17] =	ssyncadd.s32 $0xFFFFC000  }
0xa2: {  	s31 =	sshrl.u32 s5, $0x3;
	s25 =	sor.u32 $0x1C03, s30;
	[bflag:$0x0] =	sbarrier.arrive $0xFFFF  }
0xa3: {  	[hbm:s11], [sflag:s25] =	dma.local [spmem:s31], $0x2700  }
0xa4: {  	_ =	swait.ge [sflag:s17], $0x2700  }
0xa5: {  	s24 =	sadd.s32 $0x1, s24;
	[sflag:s17] =	ssyncset.done $0x0  }
0xa6: {  	p1 =	sne.s32 s24, s13;
	s26 =	sshrl.u32 @!p0 s10, $0x3;
	[sflag:s17] =	ssyncadd.s32 $0xFFFFD900  }
0xa7: {  	[hbm:s12], [sflag:s25] =	dma.local @!p0 [spmem:s26], $0x100  }
.Ltmp2:
0xa8: {  	_ = 	snop;
	(pc) =	sbr.rel @p1 .LBB2_1-.Ltmp2, $4  }
0xa9: {  	s25 =	simm.s32 @!p0 $0x3  }
0xaa: {  	_ =	swait.ge @!p0 [sflag:s25], $0x100  }
0xab: {  	[sflag:s25] =	ssyncset.done @!p0 $0x0  }
0xac: {  	[sflag:s25] =	ssyncadd.s32 @!p0 $0xFFFFFF00  }
0xad: {  	_ =	sfence.sel $0x180000  }
0xae: {  	[bflag:$0x0] =	sbarrier.arrive $0xFFFF  }
0xaf: {  	p0 =	sne.s32 s0, $0x0;
	_ =	strace $0x9000004A  }
0xb0: {  	s0 =	sadd.s32 @!p0 $0x100000, s2;
	[bflag:$0x2] =	sbarrier.arrive $0xFFFF  }
0xb1: {  	[sflag:s0] =	ssyncadd.tile.s32 @!p0 $0x1;
	_ =	shalt  }
.Lfunc_end2:
_tile_overlayer_lowered:
.L_overlay_start_2:
0xb2: {  	(tag) =	ssettag $0x2  }
0xb3: {  	s0 =	rddreg [dreg:$0x0];
	s2 =	stileid.u32  }
0xb4: {  	s1 =	rddreg [dreg:$0x1];
	p0 =	sne.s32 s2, $0x0  }
0xb5: {  	s3 =	rddreg [dreg:$0x2];
	[bflag:$0x3] =	sbarrier.arrive $0xFFFF;
	s2 =	simm.s32 @!p0 $0x1C03  }
0xb6: {  	[timem:s3], [sflag:s2] =	dma.local @!p0 [hbm:s0], s1  }
0xb7: {  	s0 =	simm.s32 @!p0 $0x3  }
0xb8: {  	_ =	swait.ge @!p0 [sflag:s0], s1  }
0xb9: {  	s1 =	ssub.s32 @!p0 $0x0, s1;
	[sflag:s0] =	ssyncset.done @!p0 $0x0  }
0xba: {  	[sflag:s0] =	ssyncadd.s32 @!p0 s1  }
0xbb: {  	[bflag:$0x3] =	sbarrier.arrive $0xFFFF  }
0xbc: {  	_ =	shalt  }

// kernel: kernel.19.cloned.1.call-start
scs
__scs_entry_jumppad:
0x0: {  	(pc) =	sbr.rel $0x88, $3  }
0x1: {  	(tag) =	ssettag $0x0;
	lr =	simm.s32 $0x1  }
0x2: {  	[smem:$0x3F9A] =	sst lr;
	_ =	strace $0xD0000000  }
0x3: {  	_ = 	snop  }
0x4: {  	_ = 	snop  }
0x5: {  	_ = 	snop  }
0x6: {  	_ = 	snop  }
0x7: {  	_ = 	snop  }
__scs_overlays_trampoline_lowered:
0x8: {  	[smem:$0x3FA9] =	sst s0  }
0x9: {  	[smem:$0x3FAA] =	sst s1  }
0xa: {  	[smem:$0x3FAB] =	sst s2  }
0xb: {  	[smem:$0x3FAC] =	sst s3  }
0xc: {  	[smem:$0x3FAD] =	sst s4  }
0xd: {  	[smem:$0x3FAE] =	sst s5  }
0xe: {  	[smem:$0x3FAF] =	sst s6  }
0xf: {  	[smem:$0x3FB0] =	sst s7  }
0x10: {  	[smem:$0x3FB1] =	sst s8  }
0x11: {  	[smem:$0x3FB2] =	sst s9;
	s0 =	simm.s32 @!p0 $0x0  }
0x12: {  	s1 =	sld [smem:$0x3F98];
	s0 =	simm.s32 @p0 $0x1  }
0x13: {  	[smem:$0x3FB3] =	sst s0;
	s0 =	simm.s32 @!p1 $0x0  }
0x14: {  	s2 =	sld [smem:$0x3F97];
	s0 =	simm.s32 @p1 $0x1  }
0x15: {  	[smem:$0x3FB4] =	sst s0;
	s0 =	simm.s32 @!p2 $0x0  }
0x16: {  	s3 =	sld [smem:$0x3FDB];
	s0 =	simm.s32 @p2 $0x1  }
0x17: {  	s4 =	simm.s32 $0x1BF5;
	[smem:$0x3FB6] =	sst s0  }
0x18: {  	s0 =	sld [smem:$0x3F99];
	_ =	swait.ge [sflag:s4], $0x0  }
0x19: {  	s7 =	sld [smem:$0x3F9A]  }
0x1a: {  	s8 =	sadd.s32 $0xFFFFE003, lr  }
0x1b: {  	s9 =	sadd.s32 $0xFFFFFEF7, lr;
	s5 =	simm.s32 $0xFFFFFFFF;
	p2 =	slt.u32 s8, $0xFFFFF086  }
0x1c: {  	p1 =	slt.u32 s9, $0xF7A;
	s5 =	simm.s32 @!p2 $0x0  }
0x1d: {  	s5 =	simm.s32 @p1 $0x1;
	p0 =	seq.s32 s7, s2  }
0x1e: {  	s7 =	smul.u32 @!p0 $0xF7A, s2;
	p2 =	seq.s32 @!p0 s5, $0x0  }
0x1f: {  	s9 =	smul.u32 $0xF7A, s1;
	s8 =	simm.s32 @!p0 $0x1BF5;
	p2 =	por !p2, p0  }
0x20: {  	[sflag:s8] =	ssyncset.s32 @!p0 $0xFFFFF086;
	s6 =	sadd.s32 @!p0 s3, s7;
	s7 =	simm.s32 @!p0 $0x108  }
0x21: {  	s3 =	sadd.s32 s3, s9;
	s6 =	sadd.s32 @!p0 $0x88, s6;
	s7 =	simm.s32 @p2 $0x1082  }
0x22: {  	[simem:s7], [sflag:s8] =	dma.local @!p0 [hbm:s6], $0xF7A  }
0x23: {  	s9 =	sor.u32 $0xD0000000, s2;
	s6 =	simm.s32 $0x108;
	_ =	swait.ge @!p0 [sflag:s8], $0x0  }
0x24: {  	s3 =	sadd.s32 $0x88, s3;
	s6 =	simm.s32 @!p1 $0x1082;
	[sflag:s4] =	ssyncset.s32 $0xFFFFF086  }
0x25: {  	[simem:s6], [sflag:s4] =	dma.local [hbm:s3], $0xF7A  }
0x26: {  	[smem:$0x3F9A] =	sst s1;
	(tag) =	ssettag s2;
	_ =	strace s9  }
0x27: {  	s1 =	sld [smem:$0x3FAA]  }
0x28: {  	s2 =	sld [smem:$0x3FAB]  }
0x29: {  	s4 =	sld [smem:$0x3FAD]  }
0x2a: {  	p0 =	seq.s32 s5, $0x0;
	s5 =	sld [smem:$0x3FAE]  }
0x2b: {  	s6 =	sld [smem:$0x3FAF]  }
0x2c: {  	s7 =	sld [smem:$0x3FB0]  }
0x2d: {  	s3 =	simm.s32 $0x108;
	s8 =	sld [smem:$0x3FB1]  }
0x2e: {  	s3 =	simm.s32 @!p0 $0x1082;
	s9 =	sld [smem:$0x3FB2]  }
0x2f: {  	lr =	sadd.s32 s0, s3;
	s0 =	sld [smem:$0x3FA9]  }
0x30: {  	s3 =	sld [smem:$0x3FAC]  }
0x31: {  	[smem:$0x3FB5] =	sst s10  }
0x32: {  	s10 =	sld [smem:$0x3FB3];
	_ =	sdelay $0x3  }
0x33: {  	p0 =	seq.s32 s10, $0x1;
	s10 =	sld [smem:$0x3FB5];
	_ =	sdelay $0x3  }
0x34: {  	[smem:$0x3FB5] =	sst s10  }
0x35: {  	s10 =	sld [smem:$0x3FB4];
	_ =	sdelay $0x3  }
0x36: {  	p1 =	seq.s32 s10, $0x1;
	s10 =	sld [smem:$0x3FB5];
	_ =	sdelay $0x3  }
0x37: {  	[smem:$0x3FB5] =	sst s10  }
0x38: {  	s10 =	sld [smem:$0x3FB6]  }
0x39: {  	_ = 	snop;
	(pc) =	sbr.ind lr, $3  }
0x3a: {  	_ = 	snop  }
0x3b: {  	_ = 	snop  }
0x3c: {  	p2 =	seq.s32 s10, $0x1;
	s10 =	sld [smem:$0x3FB5]  }
0x3d: {  	_ =	shalt  }
0x3e: {  	_ =	shalt  }
0x3f: {  	_ =	shalt  }
0x40: {  	_ =	shalt  }
0x41: {  	_ =	shalt  }
0x42: {  	_ =	shalt  }
0x43: {  	_ =	shalt  }
0x44: {  	_ =	shalt  }
0x45: {  	_ =	shalt  }
0x46: {  	_ =	shalt  }
0x47: {  	_ =	shalt  }
0x48: {  	_ =	shalt  }
0x49: {  	_ =	shalt  }
0x4a: {  	_ =	shalt  }
0x4b: {  	_ =	shalt  }
0x4c: {  	_ =	shalt  }
0x4d: {  	_ =	shalt  }
0x4e: {  	_ =	shalt  }
0x4f: {  	_ =	shalt  }
0x50: {  	_ =	shalt  }
0x51: {  	_ =	shalt  }
0x52: {  	_ =	shalt  }
0x53: {  	_ =	shalt  }
0x54: {  	_ =	shalt  }
0x55: {  	_ =	shalt  }
0x56: {  	_ =	shalt  }
0x57: {  	_ =	shalt  }
0x58: {  	_ =	shalt  }
0x59: {  	_ =	shalt  }
0x5a: {  	_ =	shalt  }
0x5b: {  	_ =	shalt  }
0x5c: {  	_ =	shalt  }
0x5d: {  	_ =	shalt  }
0x5e: {  	_ =	shalt  }
0x5f: {  	_ =	shalt  }
0x60: {  	_ =	shalt  }
0x61: {  	_ =	shalt  }
0x62: {  	_ =	shalt  }
0x63: {  	_ =	shalt  }
0x64: {  	_ =	shalt  }
0x65: {  	_ =	shalt  }
0x66: {  	_ =	shalt  }
0x67: {  	_ =	shalt  }
0x68: {  	_ =	shalt  }
0x69: {  	_ =	shalt  }
0x6a: {  	_ =	shalt  }
0x6b: {  	_ =	shalt  }
0x6c: {  	_ =	shalt  }
0x6d: {  	_ =	shalt  }
0x6e: {  	_ =	shalt  }
0x6f: {  	_ =	shalt  }
0x70: {  	_ =	shalt  }
0x71: {  	_ =	shalt  }
0x72: {  	_ =	shalt  }
0x73: {  	_ =	shalt  }
0x74: {  	_ =	shalt  }
0x75: {  	_ =	shalt  }
0x76: {  	_ =	shalt  }
0x77: {  	_ =	shalt  }
0x78: {  	_ =	shalt  }
0x79: {  	_ =	shalt  }
0x7a: {  	_ =	shalt  }
0x7b: {  	_ =	shalt  }
0x7c: {  	_ =	shalt  }
0x7d: {  	_ =	shalt  }
0x7e: {  	_ =	shalt  }
0x7f: {  	_ =	shalt  }
0x80: {  	_ =	shalt  }
0x81: {  	_ =	shalt  }
0x82: {  	_ =	shalt  }
0x83: {  	_ =	shalt  }
0x84: {  	_ =	shalt  }
0x85: {  	_ =	shalt  }
0x86: {  	_ =	shalt  }
0x87: {  	_ =	shalt  }
.Lfunc_end0:
.L_simem_size_0:
called_computation.2_lowered:
.L_overlay_start_0:
0x88: {  	s2 =	sld [smem:$0x3FD9]  }
0x89: {  	s3 =	sld [smem:$0x3FFE];
	_ =	sdelay $0x1  }
0x8a: {  	s1 =	srdreg.scid  }
0x8b: {  	s0 =	sand.u32 $0x1, s1  }
0x8c: {  	s17 =	sshll.u32 s0, $0xA;
	s2 =	sadd.s32 s3, s2  }
0x8d: {  	s2 =	sadd.s32 s2, s17  }
0x8e: {  	[smem:$0x3FC1] =	sst s2  }
0x8f: {  	_ = 	snop  }
0x90: {  	s2 =	sld [smem:$0x3FD0];
	(tm) =	ssettm $0x1  }
0x91: {  	s18 =	sld [smem:$0x3FFB];
	_ =	sdelay $0x3  }
0x92: {  	_ =	strace s18  }
0x93: {  	s3 =	sld [smem:$0x3FFC];
	_ =	sdelay $0x3  }
0x94: {  	_ =	strace s3  }
0x95: {  	s3 =	sld [smem:$0x3FFD];
	_ =	sdelay $0x3  }
0x96: {  	_ =	strace s3  }
0x97: {  	_ =	strace $0x8FFFFFFF  }
0x98: {  	s19 =	sld [smem:$0x3FDB];
	_ =	sdelay $0x1  }
0x99: {  	s4 =	simm.s32 $_scs_section_size  }
0x9a: {  	s5 =	simm.s32 $_size__tile_overlayer_lowered;
	s6 =	simm.s32 $_tile_overlayer_lowered  }
0x9b: {  	s22 =	simm.s32 $0x1BFF;
	s21 =	sshll.u32 s6, $0x1;
	s3 =	sadd.s32 s4, s19  }
0x9c: {  	s7 =	simm.s32 $0x0;
	s20 =	sshll.u32 s5, $0x1;
	s5 =	sadd.s32 s21, s3  }
0x9d: {  	[timem:s7], [sflag:s22] =	dma.local [hbm:s5], s20  }
0x9e: {  	_ =	swait.ge [sflag:s22], s20  }
0x9f: {  	s4 =	ssub.s32 $0x0, s20;
	[sflag:s22] =	ssyncset.done $0x0  }
0xa0: {  	[sflag:s22] =	ssyncadd.s32 s4;
	_ =	sdelay $0x1  }
0xa1: {  	s23 =	simm.s32 $0x1B8B  }
0xa2: {  	_ =	swait.ge [sflag:s23], $0x1  }
0xa3: {  	[sflag:s23] =	ssyncset.done $0x0  }
0xa4: {  	s25 =	simm.s32 $0x1B8E;
	s24 =	sld [smem:$0x3FFE];
	[sflag:s23] =	ssyncadd.s32 $0xFFFFFFFF  }
0xa5: {  	s26 =	simm.s32 $execute0_lowered;
	[smem:$0x3FD2] =	sst s25  }
0xa6: {  	s5 =	sshll.u32 s26, $0x1;
	_ =	strace $0x8000004C;
	[dreg:$0x1] =	wrdreg $0xFFFFFFFF  }
0xa7: {  	s28 =	simm.s32 $_size_execute0_lowered;
	s3 =	sadd.s32 s3, s5;
	[dreg:$0x0] =	wrdreg $0x0  }
0xa8: {  	s5 =	sshll.u32 s28, $0x1;
	[dreg:$0x2] =	wrdreg s3  }
0xa9: {  	[dreg:$0x3] =	wrdreg s5  }
0xaa: {  	[dreg:$0x4] =	wrdreg $0xC0  }
0xab: {  	_ =	task [dreg:s7], $0x5FFFF  }
0xac: {  	[dreg:$0x1] =	wrdreg $0xFFFFFFFF  }
0xad: {  	[dreg:$0x0] =	wrdreg $0x60  }
0xae: {  	[dreg:$0x2] =	wrdreg s2  }
0xaf: {  	[dreg:$0x3] =	wrdreg s24  }
0xb0: {  	[dreg:$0x4] =	wrdreg $0x82000  }
0xb1: {  	[dreg:$0x5] =	wrdreg $0x9  }
0xb2: {  	_ =	task.clear_ibuf [dreg:s7], $0x6FFFF;
	_ =	strace $0x9000004C  }
0xb3: {  	s29 =	simm.s32 $0x9;
	_ =	strace $0x8000004E  }
0xb4: {  	_ =	swait.ge [sflag:s29], $0x1  }
0xb5: {  	[sflag:s29] =	ssyncadd.s32 $0xFFFFFFFF  }
0xb6: {  	_ =	strace $0x9000004E  }
0xb7: {  	_ =	sfence  }
0xb8: {  	s30 =	sld [smem:$0x0];
	_ =	sdelay $0x2  }
0xb9: {  	s31 =	sshll.u32 s1, $0xD;
	s1 =	sshrl.u32 s1, $0x2  }
0xba: {  	s3 =	sand.u32 $0x4000, s31;
	s1 =	sadd.s32 s1, s30  }
0xbb: {  	s0 =	sor.u32 s3, s0;
	s1 =	sshll.u32 s1, $0x11  }
0xbc: {  	s0 =	sor.u32 s1, s0  }
0xbd: {  	s0 =	sadd.s32 $0x8F2B, s0  }
0xbe: {  	[sflag:s0] =	ssyncadd.remote.s32 $0x1  }
0xbf: {  	_ =	sfence.sel $0xFFFF  }
0xc0: {  	[dreg:$0x0] =	wrdreg $0xFFFFFFFF;
	(pc) =	sbr.abs _section_cstart, $3  }
0xc1: {  	[dreg:$0x1] =	wrdreg $0xFFFFFFFF  }
0xc2: {  	_ =	task.clear_ibuf [dreg:s7], $0x2FFFF;
	_ =	strace $0x9FFFFFFF  }
0xc3: {  	(tm) =	ssettm $0x7FFFFFFF  }
tec
execute0_lowered:
.L_overlay_start_1:
0x0: {  	(tag) =	ssettag $0x1  }
0x1: {  	s1 =	rddreg [dreg:$0x0]  }
0x2: {  	s5 =	rddreg [dreg:$0x1]  }
0x3: {  	s3 =	rddreg [dreg:$0x2]  }
0x4: {  	s0 =	srdreg.scid;
	s2 =	rddreg [dreg:$0x3];
	s4 =	simm.s32 $0x0  }
0x5: {  	s17 =	simm.s32 $0x3;
	s18 =	simm.s32 $0x80;
	s8 =	sand.u32 $0x1, s0  }
0x6: {  	s19 =	simm.s32 $0x4100;
	s0 =	stileid.u32;
	s6 =	smul.u32 $0x28000, s8  }
0x7: {  	s20 =	simm.s32 $0x4180;
	s21 =	simm.s32 $0x4200;
	s7 =	smul.u32 $0x2800, s0  }
0x8: {  	s22 =	simm.s32 $0x1;
	s23 =	simm.s32 $0x2;
	s28 =	smul.u32 $0x4E000, s0  }
0x9: {  	[smem:$0x7FF] =	sst s4;
	s11 =	sadd.s32 $0x17400, s5;
	s12 =	smul.u32 $0x2700, s0  }
0xa: {  	s24 =	simm.s32 $0x0;
	_ =	strace $0x8000004D;
	s10 =	smul.u32 $0x138800, s8  }
0xb: {  	s29 =	ssub.s32 $0x2, s8;
	s14 =	smul.u32 $0x27100, s8;
	p0 =	sne.s32 s0, $0xF  }
0xc: {  	s30 =	sshrl.u32 s29, $0x1;
	s6 =	sadd.s32 s7, s6;
	s7 =	sshrl.u32 s28, $0x2  }
0xd: {  	s13 =	ssub.s32 s29, s30;
	s16 =	sshrl.u32 s10, $0x3;
	s10 =	sadd.s32 $0x138000, s3  }
0xe: {  	s12 =	sadd.s32 s12, s14;
	s6 =	sshrl.u32 s6, $0x3;
	s31 =	sadd.s32 s11, s16  }
0xf: {  	s11 =	sadd.s32 s11, s12;
	s13 =	smax.u32 s13, $0x1;
	s16 =	simm.s32 $0x100  }
0x10: {  	s15 =	sadd.s32 s6, s5;
	s5 =	sadd.s32 s7, s3;
	s12 =	sadd.s32 $0x27000, s31  }
0x11: {  	s6 =	sadd.s32 $0x4000, s5;
	s7 =	sadd.s32 $0x8000, s5;
	s8 =	sadd.s32 $0xC000, s5  }
0x12: {  	v0 =	vimm.f32 $0.0e+00;
	s9 =	sadd.s32 $0x10000, s5;
	s14 =	sadd.s32 $0xD400, s15;
	s15 =	sadd.s32 $0x3400, s15  }
.LBB2_1:
0x13: {  	s25 =	simm.s32 $0x0;
	s26 =	simm.s32 $0x200  }
.LBB2_2:
0x14: {  	p1 =	sne.s32 s26, $0xFE00;
	[tilespmem:s25+$0x170] =	vst v0  }
0x15: {  	[tilespmem:s25+$0x100] =	vst v0  }
0x16: {  	[tilespmem:s25+$0x110] =	vst v0  }
.Ltmp0:
0x17: {  	[tilespmem:s25+$0x120] =	vst v0;
	(pc) =	sbr.rel @p1 .LBB2_2-.Ltmp0, $4  }
0x18: {  	[tilespmem:s25+$0x130] =	vst v0  }
0x19: {  	[tilespmem:s25+$0x140] =	vst v0  }
0x1a: {  	[tilespmem:s25+$0x150] =	vst v0  }
0x1b: {  	[tilespmem:s25+$0x160] =	vst v0;
	s25 =	sshra.s32 s26, $0x2;
	s26 =	sadd.s32 $0x200, s26  }
0x1c: {  	[tilespmem:s25+$0x170] =	vst v0  }
0x1d: {  	[tilespmem:s25+$0x100] =	vst v0  }
0x1e: {  	[tilespmem:s25+$0x110] =	vst v0  }
0x1f: {  	[tilespmem:s25+$0x120] =	vst v0  }
0x20: {  	[tilespmem:s25+$0x130] =	vst v0  }
0x21: {  	[tilespmem:s25+$0x140] =	vst v0  }
0x22: {  	[tilespmem:s25+$0x150] =	vst v0  }
0x23: {  	[tilespmem:s25+$0x160] =	vst v0  }
0x24: {  	[spmem:s5] =	stream.linear.scatter [tilespmem:s16], [sflag:$0x3], $0x4000, $0x38;
	[tilespmem:$0x1BAC0] =	vst v63  }
0x25: {  	_ =	swait.ge [sflag:s17], $0x4000  }
0x26: {  	[sflag:s17] =	ssyncset.done $0x0  }
0x27: {  	[sflag:s17] =	ssyncadd.s32 $0xFFFFC000  }
0x28: {  	[spmem:s6] =	stream.linear.scatter [tilespmem:s16], [sflag:$0x3], $0x4000, $0x38;
	[tilespmem:$0x1BAC0] =	vst v63  }
0x29: {  	_ =	swait.ge [sflag:s17], $0x4000  }
0x2a: {  	[sflag:s17] =	ssyncset.done $0x0  }
0x2b: {  	[sflag:s17] =	ssyncadd.s32 $0xFFFFC000  }
0x2c: {  	[spmem:s7] =	stream.linear.scatter [tilespmem:s16], [sflag:$0x3], $0x4000, $0x38;
	[tilespmem:$0x1BAC0] =	vst v63  }
0x2d: {  	_ =	swait.ge [sflag:s17], $0x4000  }
0x2e: {  	[sflag:s17] =	ssyncset.done $0x0  }
0x2f: {  	[sflag:s17] =	ssyncadd.s32 $0xFFFFC000  }
0x30: {  	[spmem:s8] =	stream.linear.scatter [tilespmem:s16], [sflag:$0x3], $0x4000, $0x38;
	[tilespmem:$0x1BAC0] =	vst v63  }
0x31: {  	_ =	swait.ge [sflag:s17], $0x4000  }
0x32: {  	[sflag:s17] =	ssyncset.done $0x0  }
0x33: {  	[sflag:s17] =	ssyncadd.s32 $0xFFFFC000  }
0x34: {  	[spmem:s9] =	stream.linear.scatter [tilespmem:s16], [sflag:$0x3], $0x3800, $0x38;
	[tilespmem:$0x1BAC0] =	vst v63  }
0x35: {  	_ =	swait.ge [sflag:s17], $0x3800  }
0x36: {  	[sflag:s17] =	ssyncset.done $0x0  }
0x37: {  	s25 =	simm.s32 @!p0 $0x100;
	[sflag:s17] =	ssyncadd.s32 $0xFFFFC800  }
0x38: {  	[spmem:s10] =	stream.linear.scatter @!p0 [tilespmem:s25], [sflag:$0x3], $0xC00, $0x38;
	[tilespmem:$0x1BAC0] =	vst v63  }
0x39: {  	s25 =	simm.s32 @!p0 $0x3  }
0x3a: {  	_ =	swait.ge @!p0 [sflag:s25], $0xC00  }
0x3b: {  	[sflag:s25] =	ssyncset.done @!p0 $0x0  }
0x3c: {  	[sflag:s25] =	ssyncadd.s32 @!p0 $0xFFFFF400  }
0x3d: {  	s30 =	sadd.s32 $0x0, s14;
	[bflag:$0x0] =	sbarrier.arrive $0xFFFF  }
0x3e: {  	[tilespmem:s4], [sflag:$0x3] =	stream.linear.gather [hbm4b:s30+s4], $0x80, $0x38;
	[tilespmem:$0x1BAC0] =	vst v63  }
0x3f: {  	_ =	swait.ge [sflag:s17], $0x80  }
0x40: {  	[sflag:s17] =	ssyncset.done $0x0  }
0x41: {  	s26 =	sadd.s32 $0x0, s15;
	[sflag:s17] =	ssyncadd.s32 $0xFFFFFF80  }
0x42: {  	[tilespmem:s18], [sflag:$0x3] =	stream.linear.gather [hbm4b:s26+s4], $0x80, $0x38;
	[tilespmem:$0x1BAC0] =	vst v63  }
0x43: {  	_ =	swait.ge [sflag:s17], $0x80  }
0x44: {  	[sflag:s17] =	ssyncset.done $0x0  }
0x45: {  	[sflag:s17] =	ssyncadd.s32 $0xFFFFFF80  }
0x46: {  	[tilespmem:s16], [sflag:$0x1] =	stream.indirect.gather [hbm4b:s1+s18], $0x80, s4, s18, $0xb8;
	[tilespmem:$0x1BAC0] =	vst v63  }
0x47: {  	s25 =	sadd.s32 $0x10, s30  }
0x48: {  	[tilespmem:s19], [sflag:$0x3] =	stream.linear.gather [hbm4b:s25+s4], $0x80, $0x38;
	[tilespmem:$0x1BAC0] =	vst v63  }
0x49: {  	_ =	swait.ge [sflag:s17], $0x80  }
0x4a: {  	[sflag:s17] =	ssyncset.done $0x0  }
0x4b: {  	s31 =	sadd.s32 $0x10, s26;
	[sflag:s17] =	ssyncadd.s32 $0xFFFFFF80  }
0x4c: {  	[tilespmem:s20], [sflag:$0x3] =	stream.linear.gather [hbm4b:s31+s4], $0x80, $0x38;
	[tilespmem:$0x1BAC0] =	vst v63  }
0x4d: {  	_ =	swait.ge [sflag:s17], $0x80  }
0x4e: {  	[sflag:s17] =	ssyncset.done $0x0  }
0x4f: {  	[sflag:s17] =	ssyncadd.s32 $0xFFFFFF80  }
0x50: {  	[tilespmem:s21], [sflag:$0x2] =	stream.indirect.gather [hbm4b:s1+s18], $0x80, s19, s18, $0xb8;
	[tilespmem:$0x1BAC0] =	vst v63  }
0x51: {  	_ =	swait.ge [sflag:s22], $0x4000  }
0x52: {  	[sflag:s22] =	ssyncset.done $0x0  }
0x53: {  	[sflag:s22] =	ssyncadd.s32 $0xFFFFC000  }
0x54: {  	[spmem:s3] =	stream.indirect.scatter.add.f32 [tilespmem:s16], [sflag:$0x3], $0x80, s18, s18, $0xb8;
	[tilespmem:$0x1BAC0] =	vst v63  }
0x55: {  	_ =	swait.ge [sflag:s17], $0x4000  }
0x56: {  	[sflag:s17] =	ssyncset.done $0x0  }
0x57: {  	[sflag:s17] =	ssyncadd.s32 $0xFFFFC000  }
0x58: {  	_ =	swait.ge [sflag:s23], $0x4000  }
0x59: {  	[sflag:s23] =	ssyncset.done $0x0  }
0x5a: {  	[sflag:s23] =	ssyncadd.s32 $0xFFFFC000  }
0x5b: {  	[spmem:s3] =	stream.indirect.scatter.add.f32 [tilespmem:s21], [sflag:$0x3], $0x80, s20, s18, $0xb8;
	[tilespmem:$0x1BAC0] =	vst v63  }
0x5c: {  	_ =	swait.ge [sflag:s17], $0x4000  }
0x5d: {  	s28 =	simm.s32 $0x40;
	s25 =	simm.s32 $0x20;
	[sflag:s17] =	ssyncset.done $0x0  }
.LBB2_4:
0x5e: {  	s29 =	sadd.s32 s25, s14  }
0x5f: {  	[sflag:s17] =	ssyncadd.s32 $0xFFFFC000;
	s30 =	smov.u32 s28;
	s26 =	sadd.s32 $0x20, s28  }
0x60: {  	[tilespmem:s4], [sflag:$0x3] =	stream.linear.gather [hbm4b:s29+s4], $0x80, $0x38;
	[tilespmem:$0x1BAC0] =	vst v63  }
0x61: {  	p1 =	sne.s32 s28, $0x4E0;
	_ =	swait.ge [sflag:s17], $0x80  }
0x62: {  	[sflag:s17] =	ssyncset.done $0x0  }
0x63: {  	s28 =	sadd.s32 s25, s15;
	s25 =	smov.u32 s30;
	[sflag:s17] =	ssyncadd.s32 $0xFFFFFF80  }
0x64: {  	[tilespmem:s18], [sflag:$0x3] =	stream.linear.gather [hbm4b:s28+s4], $0x80, $0x38;
	[tilespmem:$0x1BAC0] =	vst v63  }
0x65: {  	_ =	swait.ge [sflag:s17], $0x80  }
0x66: {  	[sflag:s17] =	ssyncset.done $0x0  }
0x67: {  	[sflag:s17] =	ssyncadd.s32 $0xFFFFFF80  }
0x68: {  	[tilespmem:s16], [sflag:$0x1] =	stream.indirect.gather [hbm4b:s1+s18], $0x80, s4, s18, $0xb8;
	[tilespmem:$0x1BAC0] =	vst v63  }
0x69: {  	s29 =	sadd.s32 $0x10, s29  }
0x6a: {  	[tilespmem:s19], [sflag:$0x3] =	stream.linear.gather [hbm4b:s29+s4], $0x80, $0x38;
	[tilespmem:$0x1BAC0] =	vst v63  }
0x6b: {  	_ =	swait.ge [sflag:s17], $0x80  }
0x6c: {  	[sflag:s17] =	ssyncset.done $0x0  }
0x6d: {  	s28 =	sadd.s32 $0x10, s28;
	[sflag:s17] =	ssyncadd.s32 $0xFFFFFF80  }
0x6e: {  	[tilespmem:s20], [sflag:$0x3] =	stream.linear.gather [hbm4b:s28+s4], $0x80, $0x38;
	[tilespmem:$0x1BAC0] =	vst v63  }
0x6f: {  	_ =	swait.ge [sflag:s17], $0x80  }
0x70: {  	[sflag:s17] =	ssyncset.done $0x0  }
0x71: {  	[sflag:s17] =	ssyncadd.s32 $0xFFFFFF80  }
0x72: {  	[tilespmem:s21], [sflag:$0x2] =	stream.indirect.gather [hbm4b:s1+s18], $0x80, s19, s18, $0xb8;
	[tilespmem:$0x1BAC0] =	vst v63  }
0x73: {  	_ =	swait.ge [sflag:s22], $0x4000  }
0x74: {  	[sflag:s22] =	ssyncset.done $0x0  }
0x75: {  	[sflag:s22] =	ssyncadd.s32 $0xFFFFC000  }
0x76: {  	[spmem:s3] =	stream.indirect.scatter.add.f32 [tilespmem:s16], [sflag:$0x3], $0x80, s18, s18, $0xb8;
	[tilespmem:$0x1BAC0] =	vst v63  }
0x77: {  	_ =	swait.ge [sflag:s17], $0x4000  }
0x78: {  	[sflag:s17] =	ssyncset.done $0x0  }
0x79: {  	[sflag:s17] =	ssyncadd.s32 $0xFFFFC000  }
0x7a: {  	_ =	swait.ge [sflag:s23], $0x4000  }
.Ltmp1:
0x7b: {  	[sflag:s23] =	ssyncset.done $0x0;
	(pc) =	sbr.rel @p1 .LBB2_4-.Ltmp1, $4  }
0x7c: {  	[sflag:s23] =	ssyncadd.s32 $0xFFFFC000  }
0x7d: {  	[spmem:s3] =	stream.indirect.scatter.add.f32 [tilespmem:s21], [sflag:$0x3], $0x80, s20, s18, $0xb8;
	[tilespmem:$0x1BAC0] =	vst v63  }
0x7e: {  	_ =	swait.ge [sflag:s17], $0x4000  }
0x7f: {  	s28 =	smov.u32 s26;
	[sflag:s17] =	ssyncset.done $0x0  }
0x80: {  	s26 =	sadd.s32 s25, s14;
	[sflag:s17] =	ssyncadd.s32 $0xFFFFC000  }
0x81: {  	[tilespmem:s4], [sflag:$0x3] =	stream.linear.gather [hbm4b:s26+s4], $0x80, $0x38;
	[tilespmem:$0x1BAC0] =	vst v63  }
0x82: {  	_ =	swait.ge [sflag:s17], $0x80  }
0x83: {  	[sflag:s17] =	ssyncset.done $0x0  }
0x84: {  	s29 =	sadd.s32 s25, s15;
	[sflag:s17] =	ssyncadd.s32 $0xFFFFFF80  }
0x85: {  	[tilespmem:s18], [sflag:$0x3] =	stream.linear.gather [hbm4b:s29+s4], $0x80, $0x38;
	[tilespmem:$0x1BAC0] =	vst v63  }
0x86: {  	_ =	swait.ge [sflag:s17], $0x80  }
0x87: {  	[sflag:s17] =	ssyncset.done $0x0  }
0x88: {  	[sflag:s17] =	ssyncadd.s32 $0xFFFFFF80  }
0x89: {  	[tilespmem:s16], [sflag:$0x1] =	stream.indirect.gather [hbm4b:s1+s18], $0x80, s4, s18, $0xb8;
	[tilespmem:$0x1BAC0] =	vst v63  }
0x8a: {  	s26 =	sadd.s32 $0x10, s26  }
0x8b: {  	[tilespmem:s19], [sflag:$0x3] =	stream.linear.gather [hbm4b:s26+s4], $0x80, $0x38;
	[tilespmem:$0x1BAC0] =	vst v63  }
0x8c: {  	_ =	swait.ge [sflag:s17], $0x80  }
0x8d: {  	[sflag:s17] =	ssyncset.done $0x0  }
0x8e: {  	s25 =	sadd.s32 $0x10, s29;
	[sflag:s17] =	ssyncadd.s32 $0xFFFFFF80  }
0x8f: {  	[tilespmem:s20], [sflag:$0x3] =	stream.linear.gather [hbm4b:s25+s4], $0x80, $0x38;
	[tilespmem:$0x1BAC0] =	vst v63  }
0x90: {  	_ =	swait.ge [sflag:s17], $0x80  }
0x91: {  	[sflag:s17] =	ssyncset.done $0x0  }
0x92: {  	[sflag:s17] =	ssyncadd.s32 $0xFFFFFF80  }
0x93: {  	[tilespmem:s21], [sflag:$0x2] =	stream.indirect.gather [hbm4b:s1+s18], $0x80, s19, s18, $0xb8;
	[tilespmem:$0x1BAC0] =	vst v63  }
0x94: {  	_ =	swait.ge [sflag:s22], $0x4000  }
0x95: {  	[sflag:s22] =	ssyncset.done $0x0  }
0x96: {  	[sflag:s22] =	ssyncadd.s32 $0xFFFFC000  }
0x97: {  	[spmem:s3] =	stream.indirect.scatter.add.f32 [tilespmem:s16], [sflag:$0x3], $0x80, s18, s18, $0xb8;
	[tilespmem:$0x1BAC0] =	vst v63  }
0x98: {  	_ =	swait.ge [sflag:s17], $0x4000  }
0x99: {  	[sflag:s17] =	ssyncset.done $0x0  }
0x9a: {  	[sflag:s17] =	ssyncadd.s32 $0xFFFFC000  }
0x9b: {  	_ =	swait.ge [sflag:s23], $0x4000  }
0x9c: {  	[sflag:s23] =	ssyncset.done $0x0  }
0x9d: {  	[sflag:s23] =	ssyncadd.s32 $0xFFFFC000  }
0x9e: {  	[spmem:s3] =	stream.indirect.scatter.add.f32 [tilespmem:s21], [sflag:$0x3], $0x80, s20, s18, $0xb8;
	[tilespmem:$0x1BAC0] =	vst v63  }
0x9f: {  	_ =	swait.ge [sflag:s17], $0x4000  }
0xa0: {  	[sflag:s17] =	ssyncset.done $0x0  }
0xa1: {  	s30 =	sshll.u32 s0, $0x6;
	[sflag:s17] =	ssyncadd.s32 $0xFFFFC000  }
0xa2: {  	s31 =	sshrl.u32 s5, $0x3;
	s25 =	sor.u32 $0x1C03, s30;
	[bflag:$0x0] =	sbarrier.arrive $0xFFFF  }
0xa3: {  	[hbm:s11], [sflag:s25] =	dma.local [spmem:s31], $0x2700  }
0xa4: {  	_ =	swait.ge [sflag:s17], $0x2700  }
0xa5: {  	s24 =	sadd.s32 $0x1, s24;
	[sflag:s17] =	ssyncset.done $0x0  }
0xa6: {  	p1 =	sne.s32 s24, s13;
	s26 =	sshrl.u32 @!p0 s10, $0x3;
	[sflag:s17] =	ssyncadd.s32 $0xFFFFD900  }
0xa7: {  	[hbm:s12], [sflag:s25] =	dma.local @!p0 [spmem:s26], $0x100  }
.Ltmp2:
0xa8: {  	_ = 	snop;
	(pc) =	sbr.rel @p1 .LBB2_1-.Ltmp2, $4  }
0xa9: {  	s25 =	simm.s32 @!p0 $0x3  }
0xaa: {  	_ =	swait.ge @!p0 [sflag:s25], $0x100  }
0xab: {  	[sflag:s25] =	ssyncset.done @!p0 $0x0  }
0xac: {  	[sflag:s25] =	ssyncadd.s32 @!p0 $0xFFFFFF00  }
0xad: {  	_ =	sfence.sel $0x180000  }
0xae: {  	[bflag:$0x0] =	sbarrier.arrive $0xFFFF  }
0xaf: {  	p0 =	sne.s32 s0, $0x0;
	_ =	strace $0x9000004D  }
0xb0: {  	s0 =	sadd.s32 @!p0 $0x100000, s2;
	[bflag:$0x2] =	sbarrier.arrive $0xFFFF  }
0xb1: {  	[sflag:s0] =	ssyncadd.tile.s32 @!p0 $0x1;
	_ =	shalt  }
.Lfunc_end2:
_tile_overlayer_lowered:
.L_overlay_start_2:
0xb2: {  	(tag) =	ssettag $0x2  }
0xb3: {  	s0 =	rddreg [dreg:$0x0];
	s2 =	stileid.u32  }
0xb4: {  	s1 =	rddreg [dreg:$0x1];
	p0 =	sne.s32 s2, $0x0  }
0xb5: {  	s3 =	rddreg [dreg:$0x2];
	[bflag:$0x3] =	sbarrier.arrive $0xFFFF;
	s2 =	simm.s32 @!p0 $0x1C03  }
0xb6: {  	[timem:s3], [sflag:s2] =	dma.local @!p0 [hbm:s0], s1  }
0xb7: {  	s0 =	simm.s32 @!p0 $0x3  }
0xb8: {  	_ =	swait.ge @!p0 [sflag:s0], s1  }
0xb9: {  	s1 =	ssub.s32 @!p0 $0x0, s1;
	[sflag:s0] =	ssyncset.done @!p0 $0x0  }
0xba: {  	[sflag:s0] =	ssyncadd.s32 @!p0 s1  }
0xbb: {  	[bflag:$0x3] =	sbarrier.arrive $0xFFFF  }
0xbc: {  	_ =	shalt  }

// kernel: kernel.22.cloned.1.call-start
scs
__scs_entry_jumppad:
0x0: {  	(pc) =	sbr.rel $0x88, $3  }
0x1: {  	(tag) =	ssettag $0x0;
	lr =	simm.s32 $0x1  }
0x2: {  	[smem:$0x3F9A] =	sst lr;
	_ =	strace $0xD0000000  }
0x3: {  	_ = 	snop  }
0x4: {  	_ = 	snop  }
0x5: {  	_ = 	snop  }
0x6: {  	_ = 	snop  }
0x7: {  	_ = 	snop  }
__scs_overlays_trampoline_lowered:
0x8: {  	[smem:$0x3FA9] =	sst s0  }
0x9: {  	[smem:$0x3FAA] =	sst s1  }
0xa: {  	[smem:$0x3FAB] =	sst s2  }
0xb: {  	[smem:$0x3FAC] =	sst s3  }
0xc: {  	[smem:$0x3FAD] =	sst s4  }
0xd: {  	[smem:$0x3FAE] =	sst s5  }
0xe: {  	[smem:$0x3FAF] =	sst s6  }
0xf: {  	[smem:$0x3FB0] =	sst s7  }
0x10: {  	[smem:$0x3FB1] =	sst s8  }
0x11: {  	[smem:$0x3FB2] =	sst s9;
	s0 =	simm.s32 @!p0 $0x0  }
0x12: {  	s1 =	sld [smem:$0x3F98];
	s0 =	simm.s32 @p0 $0x1  }
0x13: {  	[smem:$0x3FB3] =	sst s0;
	s0 =	simm.s32 @!p1 $0x0  }
0x14: {  	s2 =	sld [smem:$0x3F97];
	s0 =	simm.s32 @p1 $0x1  }
0x15: {  	[smem:$0x3FB4] =	sst s0;
	s0 =	simm.s32 @!p2 $0x0  }
0x16: {  	s3 =	sld [smem:$0x3FDB];
	s0 =	simm.s32 @p2 $0x1  }
0x17: {  	s4 =	simm.s32 $0x1BF5;
	[smem:$0x3FB6] =	sst s0  }
0x18: {  	s0 =	sld [smem:$0x3F99];
	_ =	swait.ge [sflag:s4], $0x0  }
0x19: {  	s7 =	sld [smem:$0x3F9A]  }
0x1a: {  	s8 =	sadd.s32 $0xFFFFE003, lr  }
0x1b: {  	s9 =	sadd.s32 $0xFFFFFEF7, lr;
	s5 =	simm.s32 $0xFFFFFFFF;
	p2 =	slt.u32 s8, $0xFFFFF086  }
0x1c: {  	p1 =	slt.u32 s9, $0xF7A;
	s5 =	simm.s32 @!p2 $0x0  }
0x1d: {  	s5 =	simm.s32 @p1 $0x1;
	p0 =	seq.s32 s7, s2  }
0x1e: {  	s7 =	smul.u32 @!p0 $0xF7A, s2;
	p2 =	seq.s32 @!p0 s5, $0x0  }
0x1f: {  	s9 =	smul.u32 $0xF7A, s1;
	s8 =	simm.s32 @!p0 $0x1BF5;
	p2 =	por !p2, p0  }
0x20: {  	[sflag:s8] =	ssyncset.s32 @!p0 $0xFFFFF086;
	s6 =	sadd.s32 @!p0 s3, s7;
	s7 =	simm.s32 @!p0 $0x108  }
0x21: {  	s3 =	sadd.s32 s3, s9;
	s6 =	sadd.s32 @!p0 $0x88, s6;
	s7 =	simm.s32 @p2 $0x1082  }
0x22: {  	[simem:s7], [sflag:s8] =	dma.local @!p0 [hbm:s6], $0xF7A  }
0x23: {  	s9 =	sor.u32 $0xD0000000, s2;
	s6 =	simm.s32 $0x108;
	_ =	swait.ge @!p0 [sflag:s8], $0x0  }
0x24: {  	s3 =	sadd.s32 $0x88, s3;
	s6 =	simm.s32 @!p1 $0x1082;
	[sflag:s4] =	ssyncset.s32 $0xFFFFF086  }
0x25: {  	[simem:s6], [sflag:s4] =	dma.local [hbm:s3], $0xF7A  }
0x26: {  	[smem:$0x3F9A] =	sst s1;
	(tag) =	ssettag s2;
	_ =	strace s9  }
0x27: {  	s1 =	sld [smem:$0x3FAA]  }
0x28: {  	s2 =	sld [smem:$0x3FAB]  }
0x29: {  	s4 =	sld [smem:$0x3FAD]  }
0x2a: {  	p0 =	seq.s32 s5, $0x0;
	s5 =	sld [smem:$0x3FAE]  }
0x2b: {  	s6 =	sld [smem:$0x3FAF]  }
0x2c: {  	s7 =	sld [smem:$0x3FB0]  }
0x2d: {  	s3 =	simm.s32 $0x108;
	s8 =	sld [smem:$0x3FB1]  }
0x2e: {  	s3 =	simm.s32 @!p0 $0x1082;
	s9 =	sld [smem:$0x3FB2]  }
0x2f: {  	lr =	sadd.s32 s0, s3;
	s0 =	sld [smem:$0x3FA9]  }
0x30: {  	s3 =	sld [smem:$0x3FAC]  }
0x31: {  	[smem:$0x3FB5] =	sst s10  }
0x32: {  	s10 =	sld [smem:$0x3FB3];
	_ =	sdelay $0x3  }
0x33: {  	p0 =	seq.s32 s10, $0x1;
	s10 =	sld [smem:$0x3FB5];
	_ =	sdelay $0x3  }
0x34: {  	[smem:$0x3FB5] =	sst s10  }
0x35: {  	s10 =	sld [smem:$0x3FB4];
	_ =	sdelay $0x3  }
0x36: {  	p1 =	seq.s32 s10, $0x1;
	s10 =	sld [smem:$0x3FB5];
	_ =	sdelay $0x3  }
0x37: {  	[smem:$0x3FB5] =	sst s10  }
0x38: {  	s10 =	sld [smem:$0x3FB6]  }
0x39: {  	_ = 	snop;
	(pc) =	sbr.ind lr, $3  }
0x3a: {  	_ = 	snop  }
0x3b: {  	_ = 	snop  }
0x3c: {  	p2 =	seq.s32 s10, $0x1;
	s10 =	sld [smem:$0x3FB5]  }
0x3d: {  	_ =	shalt  }
0x3e: {  	_ =	shalt  }
0x3f: {  	_ =	shalt  }
0x40: {  	_ =	shalt  }
0x41: {  	_ =	shalt  }
0x42: {  	_ =	shalt  }
0x43: {  	_ =	shalt  }
0x44: {  	_ =	shalt  }
0x45: {  	_ =	shalt  }
0x46: {  	_ =	shalt  }
0x47: {  	_ =	shalt  }
0x48: {  	_ =	shalt  }
0x49: {  	_ =	shalt  }
0x4a: {  	_ =	shalt  }
0x4b: {  	_ =	shalt  }
0x4c: {  	_ =	shalt  }
0x4d: {  	_ =	shalt  }
0x4e: {  	_ =	shalt  }
0x4f: {  	_ =	shalt  }
0x50: {  	_ =	shalt  }
0x51: {  	_ =	shalt  }
0x52: {  	_ =	shalt  }
0x53: {  	_ =	shalt  }
0x54: {  	_ =	shalt  }
0x55: {  	_ =	shalt  }
0x56: {  	_ =	shalt  }
0x57: {  	_ =	shalt  }
0x58: {  	_ =	shalt  }
0x59: {  	_ =	shalt  }
0x5a: {  	_ =	shalt  }
0x5b: {  	_ =	shalt  }
0x5c: {  	_ =	shalt  }
0x5d: {  	_ =	shalt  }
0x5e: {  	_ =	shalt  }
0x5f: {  	_ =	shalt  }
0x60: {  	_ =	shalt  }
0x61: {  	_ =	shalt  }
0x62: {  	_ =	shalt  }
0x63: {  	_ =	shalt  }
0x64: {  	_ =	shalt  }
0x65: {  	_ =	shalt  }
0x66: {  	_ =	shalt  }
0x67: {  	_ =	shalt  }
0x68: {  	_ =	shalt  }
0x69: {  	_ =	shalt  }
0x6a: {  	_ =	shalt  }
0x6b: {  	_ =	shalt  }
0x6c: {  	_ =	shalt  }
0x6d: {  	_ =	shalt  }
0x6e: {  	_ =	shalt  }
0x6f: {  	_ =	shalt  }
0x70: {  	_ =	shalt  }
0x71: {  	_ =	shalt  }
0x72: {  	_ =	shalt  }
0x73: {  	_ =	shalt  }
0x74: {  	_ =	shalt  }
0x75: {  	_ =	shalt  }
0x76: {  	_ =	shalt  }
0x77: {  	_ =	shalt  }
0x78: {  	_ =	shalt  }
0x79: {  	_ =	shalt  }
0x7a: {  	_ =	shalt  }
0x7b: {  	_ =	shalt  }
0x7c: {  	_ =	shalt  }
0x7d: {  	_ =	shalt  }
0x7e: {  	_ =	shalt  }
0x7f: {  	_ =	shalt  }
0x80: {  	_ =	shalt  }
0x81: {  	_ =	shalt  }
0x82: {  	_ =	shalt  }
0x83: {  	_ =	shalt  }
0x84: {  	_ =	shalt  }
0x85: {  	_ =	shalt  }
0x86: {  	_ =	shalt  }
0x87: {  	_ =	shalt  }
.Lfunc_end0:
.L_simem_size_0:
called_computation.3_lowered:
.L_overlay_start_0:
0x88: {  	s2 =	sld [smem:$0x3FD9]  }
0x89: {  	s3 =	sld [smem:$0x3FFE];
	_ =	sdelay $0x1  }
0x8a: {  	s1 =	srdreg.scid  }
0x8b: {  	s0 =	sand.u32 $0x1, s1  }
0x8c: {  	s17 =	sshll.u32 s0, $0xA;
	s2 =	sadd.s32 s3, s2  }
0x8d: {  	s2 =	sadd.s32 s2, s17  }
0x8e: {  	[smem:$0x3FC1] =	sst s2  }
0x8f: {  	_ = 	snop  }
0x90: {  	s2 =	sld [smem:$0x3FD0];
	(tm) =	ssettm $0x1  }
0x91: {  	s18 =	sld [smem:$0x3FFB];
	_ =	sdelay $0x3  }
0x92: {  	_ =	strace s18  }
0x93: {  	s3 =	sld [smem:$0x3FFC];
	_ =	sdelay $0x3  }
0x94: {  	_ =	strace s3  }
0x95: {  	s3 =	sld [smem:$0x3FFD];
	_ =	sdelay $0x3  }
0x96: {  	_ =	strace s3  }
0x97: {  	_ =	strace $0x8FFFFFFF  }
0x98: {  	s19 =	sld [smem:$0x3FDB];
	_ =	sdelay $0x1  }
0x99: {  	s4 =	simm.s32 $_scs_section_size  }
0x9a: {  	s5 =	simm.s32 $_size__tile_overlayer_lowered;
	s6 =	simm.s32 $_tile_overlayer_lowered  }
0x9b: {  	s22 =	simm.s32 $0x1BFF;
	s21 =	sshll.u32 s6, $0x1;
	s3 =	sadd.s32 s4, s19  }
0x9c: {  	s7 =	simm.s32 $0x0;
	s20 =	sshll.u32 s5, $0x1;
	s5 =	sadd.s32 s21, s3  }
0x9d: {  	[timem:s7], [sflag:s22] =	dma.local [hbm:s5], s20  }
0x9e: {  	_ =	swait.ge [sflag:s22], s20  }
0x9f: {  	s4 =	ssub.s32 $0x0, s20;
	[sflag:s22] =	ssyncset.done $0x0  }
0xa0: {  	[sflag:s22] =	ssyncadd.s32 s4;
	_ =	sdelay $0x1  }
0xa1: {  	s23 =	simm.s32 $0x1B8B  }
0xa2: {  	_ =	swait.ge [sflag:s23], $0x1  }
0xa3: {  	[sflag:s23] =	ssyncset.done $0x0  }
0xa4: {  	s25 =	simm.s32 $0x1B8E;
	s24 =	sld [smem:$0x3FFE];
	[sflag:s23] =	ssyncadd.s32 $0xFFFFFFFF  }
0xa5: {  	s26 =	simm.s32 $execute0_lowered;
	[smem:$0x3FD2] =	sst s25  }
0xa6: {  	s5 =	sshll.u32 s26, $0x1;
	_ =	strace $0x8000004F;
	[dreg:$0x1] =	wrdreg $0xFFFFFFFF  }
0xa7: {  	s28 =	simm.s32 $_size_execute0_lowered;
	s3 =	sadd.s32 s3, s5;
	[dreg:$0x0] =	wrdreg $0x0  }
0xa8: {  	s5 =	sshll.u32 s28, $0x1;
	[dreg:$0x2] =	wrdreg s3  }
0xa9: {  	[dreg:$0x3] =	wrdreg s5  }
0xaa: {  	[dreg:$0x4] =	wrdreg $0xC0  }
0xab: {  	_ =	task [dreg:s7], $0x5FFFF  }
0xac: {  	[dreg:$0x1] =	wrdreg $0xFFFFFFFF  }
0xad: {  	[dreg:$0x0] =	wrdreg $0x60  }
0xae: {  	[dreg:$0x2] =	wrdreg s2  }
0xaf: {  	[dreg:$0x3] =	wrdreg s24  }
0xb0: {  	[dreg:$0x4] =	wrdreg $0x82000  }
0xb1: {  	[dreg:$0x5] =	wrdreg $0x9  }
0xb2: {  	_ =	task.clear_ibuf [dreg:s7], $0x6FFFF;
	_ =	strace $0x9000004F  }
0xb3: {  	s29 =	simm.s32 $0x9;
	_ =	strace $0x80000051  }
0xb4: {  	_ =	swait.ge [sflag:s29], $0x1  }
0xb5: {  	[sflag:s29] =	ssyncadd.s32 $0xFFFFFFFF  }
0xb6: {  	_ =	strace $0x90000051  }
0xb7: {  	_ =	sfence  }
0xb8: {  	s30 =	sld [smem:$0x0];
	_ =	sdelay $0x2  }
0xb9: {  	s31 =	sshll.u32 s1, $0xD;
	s1 =	sshrl.u32 s1, $0x2  }
0xba: {  	s3 =	sand.u32 $0x4000, s31;
	s1 =	sadd.s32 s1, s30  }
0xbb: {  	s0 =	sor.u32 s3, s0;
	s1 =	sshll.u32 s1, $0x11  }
0xbc: {  	s0 =	sor.u32 s1, s0  }
0xbd: {  	s0 =	sadd.s32 $0x8F2B, s0  }
0xbe: {  	[sflag:s0] =	ssyncadd.remote.s32 $0x1  }
0xbf: {  	_ =	sfence.sel $0xFFFF  }
0xc0: {  	[dreg:$0x0] =	wrdreg $0xFFFFFFFF;
	(pc) =	sbr.abs _section_cstart, $3  }
0xc1: {  	[dreg:$0x1] =	wrdreg $0xFFFFFFFF  }
0xc2: {  	_ =	task.clear_ibuf [dreg:s7], $0x2FFFF;
	_ =	strace $0x9FFFFFFF  }
0xc3: {  	(tm) =	ssettm $0x7FFFFFFF  }
tec
execute0_lowered:
.L_overlay_start_1:
0x0: {  	(tag) =	ssettag $0x1  }
0x1: {  	s1 =	rddreg [dreg:$0x0]  }
0x2: {  	s5 =	rddreg [dreg:$0x1]  }
0x3: {  	s3 =	rddreg [dreg:$0x2]  }
0x4: {  	s0 =	srdreg.scid;
	s2 =	rddreg [dreg:$0x3];
	s4 =	simm.s32 $0x0  }
0x5: {  	s17 =	simm.s32 $0x3;
	s18 =	simm.s32 $0x80;
	s8 =	sand.u32 $0x1, s0  }
0x6: {  	s19 =	simm.s32 $0x4100;
	s0 =	stileid.u32;
	s6 =	smul.u32 $0x28000, s8  }
0x7: {  	s20 =	simm.s32 $0x4180;
	s21 =	simm.s32 $0x4200;
	s7 =	smul.u32 $0x2800, s0  }
0x8: {  	s22 =	simm.s32 $0x1;
	s23 =	simm.s32 $0x2;
	s28 =	smul.u32 $0x4E000, s0  }
0x9: {  	[smem:$0x7FF] =	sst s4;
	s11 =	sadd.s32 $0x17400, s5;
	s12 =	smul.u32 $0x2700, s0  }
0xa: {  	s24 =	simm.s32 $0x0;
	_ =	strace $0x80000050;
	s10 =	smul.u32 $0x138800, s8  }
0xb: {  	s29 =	ssub.s32 $0x2, s8;
	s14 =	smul.u32 $0x27100, s8;
	p0 =	sne.s32 s0, $0xF  }
0xc: {  	s30 =	sshrl.u32 s29, $0x1;
	s6 =	sadd.s32 s7, s6;
	s7 =	sshrl.u32 s28, $0x2  }
0xd: {  	s13 =	ssub.s32 s29, s30;
	s16 =	sshrl.u32 s10, $0x3;
	s10 =	sadd.s32 $0x138000, s3  }
0xe: {  	s12 =	sadd.s32 s12, s14;
	s6 =	sshrl.u32 s6, $0x3;
	s31 =	sadd.s32 s11, s16  }
0xf: {  	s11 =	sadd.s32 s11, s12;
	s13 =	smax.u32 s13, $0x1;
	s16 =	simm.s32 $0x100  }
0x10: {  	s15 =	sadd.s32 s6, s5;
	s5 =	sadd.s32 s7, s3;
	s12 =	sadd.s32 $0x27000, s31  }
0x11: {  	s6 =	sadd.s32 $0x4000, s5;
	s7 =	sadd.s32 $0x8000, s5;
	s8 =	sadd.s32 $0xC000, s5  }
0x12: {  	v0 =	vimm.f32 $0.0e+00;
	s9 =	sadd.s32 $0x10000, s5;
	s14 =	sadd.s32 $0xD400, s15;
	s15 =	sadd.s32 $0x3400, s15  }
.LBB2_1:
0x13: {  	s25 =	simm.s32 $0x0;
	s26 =	simm.s32 $0x200  }
.LBB2_2:
0x14: {  	p1 =	sne.s32 s26, $0xFE00;
	[tilespmem:s25+$0x170] =	vst v0  }
0x15: {  	[tilespmem:s25+$0x100] =	vst v0  }
0x16: {  	[tilespmem:s25+$0x110] =	vst v0  }
.Ltmp0:
0x17: {  	[tilespmem:s25+$0x120] =	vst v0;
	(pc) =	sbr.rel @p1 .LBB2_2-.Ltmp0, $4  }
0x18: {  	[tilespmem:s25+$0x130] =	vst v0  }
0x19: {  	[tilespmem:s25+$0x140] =	vst v0  }
0x1a: {  	[tilespmem:s25+$0x150] =	vst v0  }
0x1b: {  	[tilespmem:s25+$0x160] =	vst v0;
	s25 =	sshra.s32 s26, $0x2;
	s26 =	sadd.s32 $0x200, s26  }
0x1c: {  	[tilespmem:s25+$0x170] =	vst v0  }
0x1d: {  	[tilespmem:s25+$0x100] =	vst v0  }
0x1e: {  	[tilespmem:s25+$0x110] =	vst v0  }
0x1f: {  	[tilespmem:s25+$0x120] =	vst v0  }
0x20: {  	[tilespmem:s25+$0x130] =	vst v0  }
0x21: {  	[tilespmem:s25+$0x140] =	vst v0  }
0x22: {  	[tilespmem:s25+$0x150] =	vst v0  }
0x23: {  	[tilespmem:s25+$0x160] =	vst v0  }
0x24: {  	[spmem:s5] =	stream.linear.scatter [tilespmem:s16], [sflag:$0x3], $0x4000, $0x38;
	[tilespmem:$0x1BAC0] =	vst v63  }
0x25: {  	_ =	swait.ge [sflag:s17], $0x4000  }
0x26: {  	[sflag:s17] =	ssyncset.done $0x0  }
0x27: {  	[sflag:s17] =	ssyncadd.s32 $0xFFFFC000  }
0x28: {  	[spmem:s6] =	stream.linear.scatter [tilespmem:s16], [sflag:$0x3], $0x4000, $0x38;
	[tilespmem:$0x1BAC0] =	vst v63  }
0x29: {  	_ =	swait.ge [sflag:s17], $0x4000  }
0x2a: {  	[sflag:s17] =	ssyncset.done $0x0  }
0x2b: {  	[sflag:s17] =	ssyncadd.s32 $0xFFFFC000  }
0x2c: {  	[spmem:s7] =	stream.linear.scatter [tilespmem:s16], [sflag:$0x3], $0x4000, $0x38;
	[tilespmem:$0x1BAC0] =	vst v63  }
0x2d: {  	_ =	swait.ge [sflag:s17], $0x4000  }
0x2e: {  	[sflag:s17] =	ssyncset.done $0x0  }
0x2f: {  	[sflag:s17] =	ssyncadd.s32 $0xFFFFC000  }
0x30: {  	[spmem:s8] =	stream.linear.scatter [tilespmem:s16], [sflag:$0x3], $0x4000, $0x38;
	[tilespmem:$0x1BAC0] =	vst v63  }
0x31: {  	_ =	swait.ge [sflag:s17], $0x4000  }
0x32: {  	[sflag:s17] =	ssyncset.done $0x0  }
0x33: {  	[sflag:s17] =	ssyncadd.s32 $0xFFFFC000  }
0x34: {  	[spmem:s9] =	stream.linear.scatter [tilespmem:s16], [sflag:$0x3], $0x3800, $0x38;
	[tilespmem:$0x1BAC0] =	vst v63  }
0x35: {  	_ =	swait.ge [sflag:s17], $0x3800  }
0x36: {  	[sflag:s17] =	ssyncset.done $0x0  }
0x37: {  	s25 =	simm.s32 @!p0 $0x100;
	[sflag:s17] =	ssyncadd.s32 $0xFFFFC800  }
0x38: {  	[spmem:s10] =	stream.linear.scatter @!p0 [tilespmem:s25], [sflag:$0x3], $0xC00, $0x38;
	[tilespmem:$0x1BAC0] =	vst v63  }
0x39: {  	s25 =	simm.s32 @!p0 $0x3  }
0x3a: {  	_ =	swait.ge @!p0 [sflag:s25], $0xC00  }
0x3b: {  	[sflag:s25] =	ssyncset.done @!p0 $0x0  }
0x3c: {  	[sflag:s25] =	ssyncadd.s32 @!p0 $0xFFFFF400  }
0x3d: {  	s30 =	sadd.s32 $0x0, s14;
	[bflag:$0x0] =	sbarrier.arrive $0xFFFF  }
0x3e: {  	[tilespmem:s4], [sflag:$0x3] =	stream.linear.gather [hbm4b:s30+s4], $0x80, $0x38;
	[tilespmem:$0x1BAC0] =	vst v63  }
0x3f: {  	_ =	swait.ge [sflag:s17], $0x80  }
0x40: {  	[sflag:s17] =	ssyncset.done $0x0  }
0x41: {  	s26 =	sadd.s32 $0x0, s15;
	[sflag:s17] =	ssyncadd.s32 $0xFFFFFF80  }
0x42: {  	[tilespmem:s18], [sflag:$0x3] =	stream.linear.gather [hbm4b:s26+s4], $0x80, $0x38;
	[tilespmem:$0x1BAC0] =	vst v63  }
0x43: {  	_ =	swait.ge [sflag:s17], $0x80  }
0x44: {  	[sflag:s17] =	ssyncset.done $0x0  }
0x45: {  	[sflag:s17] =	ssyncadd.s32 $0xFFFFFF80  }
0x46: {  	[tilespmem:s16], [sflag:$0x1] =	stream.indirect.gather [hbm4b:s1+s18], $0x80, s4, s18, $0xb8;
	[tilespmem:$0x1BAC0] =	vst v63  }
0x47: {  	s25 =	sadd.s32 $0x10, s30  }
0x48: {  	[tilespmem:s19], [sflag:$0x3] =	stream.linear.gather [hbm4b:s25+s4], $0x80, $0x38;
	[tilespmem:$0x1BAC0] =	vst v63  }
0x49: {  	_ =	swait.ge [sflag:s17], $0x80  }
0x4a: {  	[sflag:s17] =	ssyncset.done $0x0  }
0x4b: {  	s31 =	sadd.s32 $0x10, s26;
	[sflag:s17] =	ssyncadd.s32 $0xFFFFFF80  }
0x4c: {  	[tilespmem:s20], [sflag:$0x3] =	stream.linear.gather [hbm4b:s31+s4], $0x80, $0x38;
	[tilespmem:$0x1BAC0] =	vst v63  }
0x4d: {  	_ =	swait.ge [sflag:s17], $0x80  }
0x4e: {  	[sflag:s17] =	ssyncset.done $0x0  }
0x4f: {  	[sflag:s17] =	ssyncadd.s32 $0xFFFFFF80  }
0x50: {  	[tilespmem:s21], [sflag:$0x2] =	stream.indirect.gather [hbm4b:s1+s18], $0x80, s19, s18, $0xb8;
	[tilespmem:$0x1BAC0] =	vst v63  }
0x51: {  	_ =	swait.ge [sflag:s22], $0x4000  }
0x52: {  	[sflag:s22] =	ssyncset.done $0x0  }
0x53: {  	[sflag:s22] =	ssyncadd.s32 $0xFFFFC000  }
0x54: {  	[spmem:s3] =	stream.indirect.scatter.add.f32 [tilespmem:s16], [sflag:$0x3], $0x80, s18, s18, $0xb8;
	[tilespmem:$0x1BAC0] =	vst v63  }
0x55: {  	_ =	swait.ge [sflag:s17], $0x4000  }
0x56: {  	[sflag:s17] =	ssyncset.done $0x0  }
0x57: {  	[sflag:s17] =	ssyncadd.s32 $0xFFFFC000  }
0x58: {  	_ =	swait.ge [sflag:s23], $0x4000  }
0x59: {  	[sflag:s23] =	ssyncset.done $0x0  }
0x5a: {  	[sflag:s23] =	ssyncadd.s32 $0xFFFFC000  }
0x5b: {  	[spmem:s3] =	stream.indirect.scatter.add.f32 [tilespmem:s21], [sflag:$0x3], $0x80, s20, s18, $0xb8;
	[tilespmem:$0x1BAC0] =	vst v63  }
0x5c: {  	_ =	swait.ge [sflag:s17], $0x4000  }
0x5d: {  	s28 =	simm.s32 $0x40;
	s25 =	simm.s32 $0x20;
	[sflag:s17] =	ssyncset.done $0x0  }
.LBB2_4:
0x5e: {  	s29 =	sadd.s32 s25, s14  }
0x5f: {  	[sflag:s17] =	ssyncadd.s32 $0xFFFFC000;
	s30 =	smov.u32 s28;
	s26 =	sadd.s32 $0x20, s28  }
0x60: {  	[tilespmem:s4], [sflag:$0x3] =	stream.linear.gather [hbm4b:s29+s4], $0x80, $0x38;
	[tilespmem:$0x1BAC0] =	vst v63  }
0x61: {  	p1 =	sne.s32 s28, $0x4E0;
	_ =	swait.ge [sflag:s17], $0x80  }
0x62: {  	[sflag:s17] =	ssyncset.done $0x0  }
0x63: {  	s28 =	sadd.s32 s25, s15;
	s25 =	smov.u32 s30;
	[sflag:s17] =	ssyncadd.s32 $0xFFFFFF80  }
0x64: {  	[tilespmem:s18], [sflag:$0x3] =	stream.linear.gather [hbm4b:s28+s4], $0x80, $0x38;
	[tilespmem:$0x1BAC0] =	vst v63  }
0x65: {  	_ =	swait.ge [sflag:s17], $0x80  }
0x66: {  	[sflag:s17] =	ssyncset.done $0x0  }
0x67: {  	[sflag:s17] =	ssyncadd.s32 $0xFFFFFF80  }
0x68: {  	[tilespmem:s16], [sflag:$0x1] =	stream.indirect.gather [hbm4b:s1+s18], $0x80, s4, s18, $0xb8;
	[tilespmem:$0x1BAC0] =	vst v63  }
0x69: {  	s29 =	sadd.s32 $0x10, s29  }
0x6a: {  	[tilespmem:s19], [sflag:$0x3] =	stream.linear.gather [hbm4b:s29+s4], $0x80, $0x38;
	[tilespmem:$0x1BAC0] =	vst v63  }
0x6b: {  	_ =	swait.ge [sflag:s17], $0x80  }
0x6c: {  	[sflag:s17] =	ssyncset.done $0x0  }
0x6d: {  	s28 =	sadd.s32 $0x10, s28;
	[sflag:s17] =	ssyncadd.s32 $0xFFFFFF80  }
0x6e: {  	[tilespmem:s20], [sflag:$0x3] =	stream.linear.gather [hbm4b:s28+s4], $0x80, $0x38;
	[tilespmem:$0x1BAC0] =	vst v63  }
0x6f: {  	_ =	swait.ge [sflag:s17], $0x80  }
0x70: {  	[sflag:s17] =	ssyncset.done $0x0  }
0x71: {  	[sflag:s17] =	ssyncadd.s32 $0xFFFFFF80  }
0x72: {  	[tilespmem:s21], [sflag:$0x2] =	stream.indirect.gather [hbm4b:s1+s18], $0x80, s19, s18, $0xb8;
	[tilespmem:$0x1BAC0] =	vst v63  }
0x73: {  	_ =	swait.ge [sflag:s22], $0x4000  }
0x74: {  	[sflag:s22] =	ssyncset.done $0x0  }
0x75: {  	[sflag:s22] =	ssyncadd.s32 $0xFFFFC000  }
0x76: {  	[spmem:s3] =	stream.indirect.scatter.add.f32 [tilespmem:s16], [sflag:$0x3], $0x80, s18, s18, $0xb8;
	[tilespmem:$0x1BAC0] =	vst v63  }
0x77: {  	_ =	swait.ge [sflag:s17], $0x4000  }
0x78: {  	[sflag:s17] =	ssyncset.done $0x0  }
0x79: {  	[sflag:s17] =	ssyncadd.s32 $0xFFFFC000  }
0x7a: {  	_ =	swait.ge [sflag:s23], $0x4000  }
.Ltmp1:
0x7b: {  	[sflag:s23] =	ssyncset.done $0x0;
	(pc) =	sbr.rel @p1 .LBB2_4-.Ltmp1, $4  }
0x7c: {  	[sflag:s23] =	ssyncadd.s32 $0xFFFFC000  }
0x7d: {  	[spmem:s3] =	stream.indirect.scatter.add.f32 [tilespmem:s21], [sflag:$0x3], $0x80, s20, s18, $0xb8;
	[tilespmem:$0x1BAC0] =	vst v63  }
0x7e: {  	_ =	swait.ge [sflag:s17], $0x4000  }
0x7f: {  	s28 =	smov.u32 s26;
	[sflag:s17] =	ssyncset.done $0x0  }
0x80: {  	s26 =	sadd.s32 s25, s14;
	[sflag:s17] =	ssyncadd.s32 $0xFFFFC000  }
0x81: {  	[tilespmem:s4], [sflag:$0x3] =	stream.linear.gather [hbm4b:s26+s4], $0x80, $0x38;
	[tilespmem:$0x1BAC0] =	vst v63  }
0x82: {  	_ =	swait.ge [sflag:s17], $0x80  }
0x83: {  	[sflag:s17] =	ssyncset.done $0x0  }
0x84: {  	s29 =	sadd.s32 s25, s15;
	[sflag:s17] =	ssyncadd.s32 $0xFFFFFF80  }
0x85: {  	[tilespmem:s18], [sflag:$0x3] =	stream.linear.gather [hbm4b:s29+s4], $0x80, $0x38;
	[tilespmem:$0x1BAC0] =	vst v63  }
0x86: {  	_ =	swait.ge [sflag:s17], $0x80  }
0x87: {  	[sflag:s17] =	ssyncset.done $0x0  }
0x88: {  	[sflag:s17] =	ssyncadd.s32 $0xFFFFFF80  }
0x89: {  	[tilespmem:s16], [sflag:$0x1] =	stream.indirect.gather [hbm4b:s1+s18], $0x80, s4, s18, $0xb8;
	[tilespmem:$0x1BAC0] =	vst v63  }
0x8a: {  	s26 =	sadd.s32 $0x10, s26  }
0x8b: {  	[tilespmem:s19], [sflag:$0x3] =	stream.linear.gather [hbm4b:s26+s4], $0x80, $0x38;
	[tilespmem:$0x1BAC0] =	vst v63  }
0x8c: {  	_ =	swait.ge [sflag:s17], $0x80  }
0x8d: {  	[sflag:s17] =	ssyncset.done $0x0  }
0x8e: {  	s25 =	sadd.s32 $0x10, s29;
	[sflag:s17] =	ssyncadd.s32 $0xFFFFFF80  }
0x8f: {  	[tilespmem:s20], [sflag:$0x3] =	stream.linear.gather [hbm4b:s25+s4], $0x80, $0x38;
	[tilespmem:$0x1BAC0] =	vst v63  }
0x90: {  	_ =	swait.ge [sflag:s17], $0x80  }
0x91: {  	[sflag:s17] =	ssyncset.done $0x0  }
0x92: {  	[sflag:s17] =	ssyncadd.s32 $0xFFFFFF80  }
0x93: {  	[tilespmem:s21], [sflag:$0x2] =	stream.indirect.gather [hbm4b:s1+s18], $0x80, s19, s18, $0xb8;
	[tilespmem:$0x1BAC0] =	vst v63  }
0x94: {  	_ =	swait.ge [sflag:s22], $0x4000  }
0x95: {  	[sflag:s22] =	ssyncset.done $0x0  }
0x96: {  	[sflag:s22] =	ssyncadd.s32 $0xFFFFC000  }
0x97: {  	[spmem:s3] =	stream.indirect.scatter.add.f32 [tilespmem:s16], [sflag:$0x3], $0x80, s18, s18, $0xb8;
	[tilespmem:$0x1BAC0] =	vst v63  }
0x98: {  	_ =	swait.ge [sflag:s17], $0x4000  }
0x99: {  	[sflag:s17] =	ssyncset.done $0x0  }
0x9a: {  	[sflag:s17] =	ssyncadd.s32 $0xFFFFC000  }
0x9b: {  	_ =	swait.ge [sflag:s23], $0x4000  }
0x9c: {  	[sflag:s23] =	ssyncset.done $0x0  }
0x9d: {  	[sflag:s23] =	ssyncadd.s32 $0xFFFFC000  }
0x9e: {  	[spmem:s3] =	stream.indirect.scatter.add.f32 [tilespmem:s21], [sflag:$0x3], $0x80, s20, s18, $0xb8;
	[tilespmem:$0x1BAC0] =	vst v63  }
0x9f: {  	_ =	swait.ge [sflag:s17], $0x4000  }
0xa0: {  	[sflag:s17] =	ssyncset.done $0x0  }
0xa1: {  	s30 =	sshll.u32 s0, $0x6;
	[sflag:s17] =	ssyncadd.s32 $0xFFFFC000  }
0xa2: {  	s31 =	sshrl.u32 s5, $0x3;
	s25 =	sor.u32 $0x1C03, s30;
	[bflag:$0x0] =	sbarrier.arrive $0xFFFF  }
0xa3: {  	[hbm:s11], [sflag:s25] =	dma.local [spmem:s31], $0x2700  }
0xa4: {  	_ =	swait.ge [sflag:s17], $0x2700  }
0xa5: {  	s24 =	sadd.s32 $0x1, s24;
	[sflag:s17] =	ssyncset.done $0x0  }
0xa6: {  	p1 =	sne.s32 s24, s13;
	s26 =	sshrl.u32 @!p0 s10, $0x3;
	[sflag:s17] =	ssyncadd.s32 $0xFFFFD900  }
0xa7: {  	[hbm:s12], [sflag:s25] =	dma.local @!p0 [spmem:s26], $0x100  }
.Ltmp2:
0xa8: {  	_ = 	snop;
	(pc) =	sbr.rel @p1 .LBB2_1-.Ltmp2, $4  }
0xa9: {  	s25 =	simm.s32 @!p0 $0x3  }
0xaa: {  	_ =	swait.ge @!p0 [sflag:s25], $0x100  }
0xab: {  	[sflag:s25] =	ssyncset.done @!p0 $0x0  }
0xac: {  	[sflag:s25] =	ssyncadd.s32 @!p0 $0xFFFFFF00  }
0xad: {  	_ =	sfence.sel $0x180000  }
0xae: {  	[bflag:$0x0] =	sbarrier.arrive $0xFFFF  }
0xaf: {  	p0 =	sne.s32 s0, $0x0;
	_ =	strace $0x90000050  }
0xb0: {  	s0 =	sadd.s32 @!p0 $0x100000, s2;
	[bflag:$0x2] =	sbarrier.arrive $0xFFFF  }
0xb1: {  	[sflag:s0] =	ssyncadd.tile.s32 @!p0 $0x1;
	_ =	shalt  }
.Lfunc_end2:
_tile_overlayer_lowered:
.L_overlay_start_2:
0xb2: {  	(tag) =	ssettag $0x2  }
0xb3: {  	s0 =	rddreg [dreg:$0x0];
	s2 =	stileid.u32  }
0xb4: {  	s1 =	rddreg [dreg:$0x1];
	p0 =	sne.s32 s2, $0x0  }
0xb5: {  	s3 =	rddreg [dreg:$0x2];
	[bflag:$0x3] =	sbarrier.arrive $0xFFFF;
	s2 =	simm.s32 @!p0 $0x1C03  }
0xb6: {  	[timem:s3], [sflag:s2] =	dma.local @!p0 [hbm:s0], s1  }
0xb7: {  	s0 =	simm.s32 @!p0 $0x3  }
0xb8: {  	_ =	swait.ge @!p0 [sflag:s0], s1  }
0xb9: {  	s1 =	ssub.s32 @!p0 $0x0, s1;
	[sflag:s0] =	ssyncset.done @!p0 $0x0  }
0xba: {  	[sflag:s0] =	ssyncadd.s32 @!p0 s1  }
0xbb: {  	[bflag:$0x3] =	sbarrier.arrive $0xFFFF  }
0xbc: {  	_ =	shalt  }

// kernel: kernel.25.cloned.1.call-start
scs
__scs_entry_jumppad:
0x0: {  	(pc) =	sbr.rel $0x88, $3  }
0x1: {  	(tag) =	ssettag $0x0;
	lr =	simm.s32 $0x1  }
0x2: {  	[smem:$0x3F9A] =	sst lr;
	_ =	strace $0xD0000000  }
0x3: {  	_ = 	snop  }
0x4: {  	_ = 	snop  }
0x5: {  	_ = 	snop  }
0x6: {  	_ = 	snop  }
0x7: {  	_ = 	snop  }
__scs_overlays_trampoline_lowered:
0x8: {  	[smem:$0x3FA9] =	sst s0  }
0x9: {  	[smem:$0x3FAA] =	sst s1  }
0xa: {  	[smem:$0x3FAB] =	sst s2  }
0xb: {  	[smem:$0x3FAC] =	sst s3  }
0xc: {  	[smem:$0x3FAD] =	sst s4  }
0xd: {  	[smem:$0x3FAE] =	sst s5  }
0xe: {  	[smem:$0x3FAF] =	sst s6  }
0xf: {  	[smem:$0x3FB0] =	sst s7  }
0x10: {  	[smem:$0x3FB1] =	sst s8  }
0x11: {  	[smem:$0x3FB2] =	sst s9;
	s0 =	simm.s32 @!p0 $0x0  }
0x12: {  	s1 =	sld [smem:$0x3F98];
	s0 =	simm.s32 @p0 $0x1  }
0x13: {  	[smem:$0x3FB3] =	sst s0;
	s0 =	simm.s32 @!p1 $0x0  }
0x14: {  	s2 =	sld [smem:$0x3F97];
	s0 =	simm.s32 @p1 $0x1  }
0x15: {  	[smem:$0x3FB4] =	sst s0;
	s0 =	simm.s32 @!p2 $0x0  }
0x16: {  	s3 =	sld [smem:$0x3FDB];
	s0 =	simm.s32 @p2 $0x1  }
0x17: {  	s4 =	simm.s32 $0x1BF5;
	[smem:$0x3FB6] =	sst s0  }
0x18: {  	s0 =	sld [smem:$0x3F99];
	_ =	swait.ge [sflag:s4], $0x0  }
0x19: {  	s7 =	sld [smem:$0x3F9A]  }
0x1a: {  	s8 =	sadd.s32 $0xFFFFE003, lr  }
0x1b: {  	s9 =	sadd.s32 $0xFFFFFEF7, lr;
	s5 =	simm.s32 $0xFFFFFFFF;
	p2 =	slt.u32 s8, $0xFFFFF086  }
0x1c: {  	p1 =	slt.u32 s9, $0xF7A;
	s5 =	simm.s32 @!p2 $0x0  }
0x1d: {  	s5 =	simm.s32 @p1 $0x1;
	p0 =	seq.s32 s7, s2  }
0x1e: {  	s7 =	smul.u32 @!p0 $0xF7A, s2;
	p2 =	seq.s32 @!p0 s5, $0x0  }
0x1f: {  	s9 =	smul.u32 $0xF7A, s1;
	s8 =	simm.s32 @!p0 $0x1BF5;
	p2 =	por !p2, p0  }
0x20: {  	[sflag:s8] =	ssyncset.s32 @!p0 $0xFFFFF086;
	s6 =	sadd.s32 @!p0 s3, s7;
	s7 =	simm.s32 @!p0 $0x108  }
0x21: {  	s3 =	sadd.s32 s3, s9;
	s6 =	sadd.s32 @!p0 $0x88, s6;
	s7 =	simm.s32 @p2 $0x1082  }
0x22: {  	[simem:s7], [sflag:s8] =	dma.local @!p0 [hbm:s6], $0xF7A  }
0x23: {  	s9 =	sor.u32 $0xD0000000, s2;
	s6 =	simm.s32 $0x108;
	_ =	swait.ge @!p0 [sflag:s8], $0x0  }
0x24: {  	s3 =	sadd.s32 $0x88, s3;
	s6 =	simm.s32 @!p1 $0x1082;
	[sflag:s4] =	ssyncset.s32 $0xFFFFF086  }
0x25: {  	[simem:s6], [sflag:s4] =	dma.local [hbm:s3], $0xF7A  }
0x26: {  	[smem:$0x3F9A] =	sst s1;
	(tag) =	ssettag s2;
	_ =	strace s9  }
0x27: {  	s1 =	sld [smem:$0x3FAA]  }
0x28: {  	s2 =	sld [smem:$0x3FAB]  }
0x29: {  	s4 =	sld [smem:$0x3FAD]  }
0x2a: {  	p0 =	seq.s32 s5, $0x0;
	s5 =	sld [smem:$0x3FAE]  }
0x2b: {  	s6 =	sld [smem:$0x3FAF]  }
0x2c: {  	s7 =	sld [smem:$0x3FB0]  }
0x2d: {  	s3 =	simm.s32 $0x108;
	s8 =	sld [smem:$0x3FB1]  }
0x2e: {  	s3 =	simm.s32 @!p0 $0x1082;
	s9 =	sld [smem:$0x3FB2]  }
0x2f: {  	lr =	sadd.s32 s0, s3;
	s0 =	sld [smem:$0x3FA9]  }
0x30: {  	s3 =	sld [smem:$0x3FAC]  }
0x31: {  	[smem:$0x3FB5] =	sst s10  }
0x32: {  	s10 =	sld [smem:$0x3FB3];
	_ =	sdelay $0x3  }
0x33: {  	p0 =	seq.s32 s10, $0x1;
	s10 =	sld [smem:$0x3FB5];
	_ =	sdelay $0x3  }
0x34: {  	[smem:$0x3FB5] =	sst s10  }
0x35: {  	s10 =	sld [smem:$0x3FB4];
	_ =	sdelay $0x3  }
0x36: {  	p1 =	seq.s32 s10, $0x1;
	s10 =	sld [smem:$0x3FB5];
	_ =	sdelay $0x3  }
0x37: {  	[smem:$0x3FB5] =	sst s10  }
0x38: {  	s10 =	sld [smem:$0x3FB6]  }
0x39: {  	_ = 	snop;
	(pc) =	sbr.ind lr, $3  }
0x3a: {  	_ = 	snop  }
0x3b: {  	_ = 	snop  }
0x3c: {  	p2 =	seq.s32 s10, $0x1;
	s10 =	sld [smem:$0x3FB5]  }
0x3d: {  	_ =	shalt  }
0x3e: {  	_ =	shalt  }
0x3f: {  	_ =	shalt  }
0x40: {  	_ =	shalt  }
0x41: {  	_ =	shalt  }
0x42: {  	_ =	shalt  }
0x43: {  	_ =	shalt  }
0x44: {  	_ =	shalt  }
0x45: {  	_ =	shalt  }
0x46: {  	_ =	shalt  }
0x47: {  	_ =	shalt  }
0x48: {  	_ =	shalt  }
0x49: {  	_ =	shalt  }
0x4a: {  	_ =	shalt  }
0x4b: {  	_ =	shalt  }
0x4c: {  	_ =	shalt  }
0x4d: {  	_ =	shalt  }
0x4e: {  	_ =	shalt  }
0x4f: {  	_ =	shalt  }
0x50: {  	_ =	shalt  }
0x51: {  	_ =	shalt  }
0x52: {  	_ =	shalt  }
0x53: {  	_ =	shalt  }
0x54: {  	_ =	shalt  }
0x55: {  	_ =	shalt  }
0x56: {  	_ =	shalt  }
0x57: {  	_ =	shalt  }
0x58: {  	_ =	shalt  }
0x59: {  	_ =	shalt  }
0x5a: {  	_ =	shalt  }
0x5b: {  	_ =	shalt  }
0x5c: {  	_ =	shalt  }
0x5d: {  	_ =	shalt  }
0x5e: {  	_ =	shalt  }
0x5f: {  	_ =	shalt  }
0x60: {  	_ =	shalt  }
0x61: {  	_ =	shalt  }
0x62: {  	_ =	shalt  }
0x63: {  	_ =	shalt  }
0x64: {  	_ =	shalt  }
0x65: {  	_ =	shalt  }
0x66: {  	_ =	shalt  }
0x67: {  	_ =	shalt  }
0x68: {  	_ =	shalt  }
0x69: {  	_ =	shalt  }
0x6a: {  	_ =	shalt  }
0x6b: {  	_ =	shalt  }
0x6c: {  	_ =	shalt  }
0x6d: {  	_ =	shalt  }
0x6e: {  	_ =	shalt  }
0x6f: {  	_ =	shalt  }
0x70: {  	_ =	shalt  }
0x71: {  	_ =	shalt  }
0x72: {  	_ =	shalt  }
0x73: {  	_ =	shalt  }
0x74: {  	_ =	shalt  }
0x75: {  	_ =	shalt  }
0x76: {  	_ =	shalt  }
0x77: {  	_ =	shalt  }
0x78: {  	_ =	shalt  }
0x79: {  	_ =	shalt  }
0x7a: {  	_ =	shalt  }
0x7b: {  	_ =	shalt  }
0x7c: {  	_ =	shalt  }
0x7d: {  	_ =	shalt  }
0x7e: {  	_ =	shalt  }
0x7f: {  	_ =	shalt  }
0x80: {  	_ =	shalt  }
0x81: {  	_ =	shalt  }
0x82: {  	_ =	shalt  }
0x83: {  	_ =	shalt  }
0x84: {  	_ =	shalt  }
0x85: {  	_ =	shalt  }
0x86: {  	_ =	shalt  }
0x87: {  	_ =	shalt  }
.Lfunc_end0:
.L_simem_size_0:
called_computation.4_lowered:
.L_overlay_start_0:
0x88: {  	s2 =	sld [smem:$0x3FD9]  }
0x89: {  	s3 =	sld [smem:$0x3FFE];
	_ =	sdelay $0x1  }
0x8a: {  	s1 =	srdreg.scid  }
0x8b: {  	s0 =	sand.u32 $0x1, s1  }
0x8c: {  	s17 =	sshll.u32 s0, $0xA;
	s2 =	sadd.s32 s3, s2  }
0x8d: {  	s2 =	sadd.s32 s2, s17  }
0x8e: {  	[smem:$0x3FC1] =	sst s2  }
0x8f: {  	_ = 	snop  }
0x90: {  	s2 =	sld [smem:$0x3FD0];
	(tm) =	ssettm $0x1  }
0x91: {  	s18 =	sld [smem:$0x3FFB];
	_ =	sdelay $0x3  }
0x92: {  	_ =	strace s18  }
0x93: {  	s3 =	sld [smem:$0x3FFC];
	_ =	sdelay $0x3  }
0x94: {  	_ =	strace s3  }
0x95: {  	s3 =	sld [smem:$0x3FFD];
	_ =	sdelay $0x3  }
0x96: {  	_ =	strace s3  }
0x97: {  	_ =	strace $0x8FFFFFFF  }
0x98: {  	s19 =	sld [smem:$0x3FDB];
	_ =	sdelay $0x1  }
0x99: {  	s4 =	simm.s32 $_scs_section_size  }
0x9a: {  	s5 =	simm.s32 $_size__tile_overlayer_lowered;
	s6 =	simm.s32 $_tile_overlayer_lowered  }
0x9b: {  	s22 =	simm.s32 $0x1BFF;
	s21 =	sshll.u32 s6, $0x1;
	s3 =	sadd.s32 s4, s19  }
0x9c: {  	s7 =	simm.s32 $0x0;
	s20 =	sshll.u32 s5, $0x1;
	s5 =	sadd.s32 s21, s3  }
0x9d: {  	[timem:s7], [sflag:s22] =	dma.local [hbm:s5], s20  }
0x9e: {  	_ =	swait.ge [sflag:s22], s20  }
0x9f: {  	s4 =	ssub.s32 $0x0, s20;
	[sflag:s22] =	ssyncset.done $0x0  }
0xa0: {  	[sflag:s22] =	ssyncadd.s32 s4;
	_ =	sdelay $0x1  }
0xa1: {  	s23 =	simm.s32 $0x1B8B  }
0xa2: {  	_ =	swait.ge [sflag:s23], $0x1  }
0xa3: {  	[sflag:s23] =	ssyncset.done $0x0  }
0xa4: {  	s25 =	simm.s32 $0x1B8E;
	s24 =	sld [smem:$0x3FFE];
	[sflag:s23] =	ssyncadd.s32 $0xFFFFFFFF  }
0xa5: {  	s26 =	simm.s32 $execute0_lowered;
	[smem:$0x3FD2] =	sst s25  }
0xa6: {  	s5 =	sshll.u32 s26, $0x1;
	_ =	strace $0x80000052;
	[dreg:$0x1] =	wrdreg $0xFFFFFFFF  }
0xa7: {  	s28 =	simm.s32 $_size_execute0_lowered;
	s3 =	sadd.s32 s3, s5;
	[dreg:$0x0] =	wrdreg $0x0  }
0xa8: {  	s5 =	sshll.u32 s28, $0x1;
	[dreg:$0x2] =	wrdreg s3  }
0xa9: {  	[dreg:$0x3] =	wrdreg s5  }
0xaa: {  	[dreg:$0x4] =	wrdreg $0xC0  }
0xab: {  	_ =	task [dreg:s7], $0x5FFFF  }
0xac: {  	[dreg:$0x1] =	wrdreg $0xFFFFFFFF  }
0xad: {  	[dreg:$0x0] =	wrdreg $0x60  }
0xae: {  	[dreg:$0x2] =	wrdreg s2  }
0xaf: {  	[dreg:$0x3] =	wrdreg s24  }
0xb0: {  	[dreg:$0x4] =	wrdreg $0x82000  }
0xb1: {  	[dreg:$0x5] =	wrdreg $0x9  }
0xb2: {  	_ =	task.clear_ibuf [dreg:s7], $0x6FFFF;
	_ =	strace $0x90000052  }
0xb3: {  	s29 =	simm.s32 $0x9;
	_ =	strace $0x80000054  }
0xb4: {  	_ =	swait.ge [sflag:s29], $0x1  }
0xb5: {  	[sflag:s29] =	ssyncadd.s32 $0xFFFFFFFF  }
0xb6: {  	_ =	strace $0x90000054  }
0xb7: {  	_ =	sfence  }
0xb8: {  	s30 =	sld [smem:$0x0];
	_ =	sdelay $0x2  }
0xb9: {  	s31 =	sshll.u32 s1, $0xD;
	s1 =	sshrl.u32 s1, $0x2  }
0xba: {  	s3 =	sand.u32 $0x4000, s31;
	s1 =	sadd.s32 s1, s30  }
0xbb: {  	s0 =	sor.u32 s3, s0;
	s1 =	sshll.u32 s1, $0x11  }
0xbc: {  	s0 =	sor.u32 s1, s0  }
0xbd: {  	s0 =	sadd.s32 $0x8F2B, s0  }
0xbe: {  	[sflag:s0] =	ssyncadd.remote.s32 $0x1  }
0xbf: {  	_ =	sfence.sel $0xFFFF  }
0xc0: {  	[dreg:$0x0] =	wrdreg $0xFFFFFFFF;
	(pc) =	sbr.abs _section_cstart, $3  }
0xc1: {  	[dreg:$0x1] =	wrdreg $0xFFFFFFFF  }
0xc2: {  	_ =	task.clear_ibuf [dreg:s7], $0x2FFFF;
	_ =	strace $0x9FFFFFFF  }
0xc3: {  	(tm) =	ssettm $0x7FFFFFFF  }
tec
execute0_lowered:
.L_overlay_start_1:
0x0: {  	(tag) =	ssettag $0x1  }
0x1: {  	s1 =	rddreg [dreg:$0x0]  }
0x2: {  	s5 =	rddreg [dreg:$0x1]  }
0x3: {  	s3 =	rddreg [dreg:$0x2]  }
0x4: {  	s0 =	srdreg.scid;
	s2 =	rddreg [dreg:$0x3];
	s4 =	simm.s32 $0x0  }
0x5: {  	s17 =	simm.s32 $0x3;
	s18 =	simm.s32 $0x80;
	s8 =	sand.u32 $0x1, s0  }
0x6: {  	s19 =	simm.s32 $0x4100;
	s0 =	stileid.u32;
	s6 =	smul.u32 $0x28000, s8  }
0x7: {  	s20 =	simm.s32 $0x4180;
	s21 =	simm.s32 $0x4200;
	s7 =	smul.u32 $0x2800, s0  }
0x8: {  	s22 =	simm.s32 $0x1;
	s23 =	simm.s32 $0x2;
	s28 =	smul.u32 $0x4E000, s0  }
0x9: {  	[smem:$0x7FF] =	sst s4;
	s11 =	sadd.s32 $0x17400, s5;
	s12 =	smul.u32 $0x2700, s0  }
0xa: {  	s24 =	simm.s32 $0x0;
	_ =	strace $0x80000053;
	s10 =	smul.u32 $0x138800, s8  }
0xb: {  	s29 =	ssub.s32 $0x2, s8;
	s14 =	smul.u32 $0x27100, s8;
	p0 =	sne.s32 s0, $0xF  }
0xc: {  	s30 =	sshrl.u32 s29, $0x1;
	s6 =	sadd.s32 s7, s6;
	s7 =	sshrl.u32 s28, $0x2  }
0xd: {  	s13 =	ssub.s32 s29, s30;
	s16 =	sshrl.u32 s10, $0x3;
	s10 =	sadd.s32 $0x138000, s3  }
0xe: {  	s12 =	sadd.s32 s12, s14;
	s6 =	sshrl.u32 s6, $0x3;
	s31 =	sadd.s32 s11, s16  }
0xf: {  	s11 =	sadd.s32 s11, s12;
	s13 =	smax.u32 s13, $0x1;
	s16 =	simm.s32 $0x100  }
0x10: {  	s15 =	sadd.s32 s6, s5;
	s5 =	sadd.s32 s7, s3;
	s12 =	sadd.s32 $0x27000, s31  }
0x11: {  	s6 =	sadd.s32 $0x4000, s5;
	s7 =	sadd.s32 $0x8000, s5;
	s8 =	sadd.s32 $0xC000, s5  }
0x12: {  	v0 =	vimm.f32 $0.0e+00;
	s9 =	sadd.s32 $0x10000, s5;
	s14 =	sadd.s32 $0xD400, s15;
	s15 =	sadd.s32 $0x3400, s15  }
.LBB2_1:
0x13: {  	s25 =	simm.s32 $0x0;
	s26 =	simm.s32 $0x200  }
.LBB2_2:
0x14: {  	p1 =	sne.s32 s26, $0xFE00;
	[tilespmem:s25+$0x170] =	vst v0  }
0x15: {  	[tilespmem:s25+$0x100] =	vst v0  }
0x16: {  	[tilespmem:s25+$0x110] =	vst v0  }
.Ltmp0:
0x17: {  	[tilespmem:s25+$0x120] =	vst v0;
	(pc) =	sbr.rel @p1 .LBB2_2-.Ltmp0, $4  }
0x18: {  	[tilespmem:s25+$0x130] =	vst v0  }
0x19: {  	[tilespmem:s25+$0x140] =	vst v0  }
0x1a: {  	[tilespmem:s25+$0x150] =	vst v0  }
0x1b: {  	[tilespmem:s25+$0x160] =	vst v0;
	s25 =	sshra.s32 s26, $0x2;
	s26 =	sadd.s32 $0x200, s26  }
0x1c: {  	[tilespmem:s25+$0x170] =	vst v0  }
0x1d: {  	[tilespmem:s25+$0x100] =	vst v0  }
0x1e: {  	[tilespmem:s25+$0x110] =	vst v0  }
0x1f: {  	[tilespmem:s25+$0x120] =	vst v0  }
0x20: {  	[tilespmem:s25+$0x130] =	vst v0  }
0x21: {  	[tilespmem:s25+$0x140] =	vst v0  }
0x22: {  	[tilespmem:s25+$0x150] =	vst v0  }
0x23: {  	[tilespmem:s25+$0x160] =	vst v0  }
0x24: {  	[spmem:s5] =	stream.linear.scatter [tilespmem:s16], [sflag:$0x3], $0x4000, $0x38;
	[tilespmem:$0x1BAC0] =	vst v63  }
0x25: {  	_ =	swait.ge [sflag:s17], $0x4000  }
0x26: {  	[sflag:s17] =	ssyncset.done $0x0  }
0x27: {  	[sflag:s17] =	ssyncadd.s32 $0xFFFFC000  }
0x28: {  	[spmem:s6] =	stream.linear.scatter [tilespmem:s16], [sflag:$0x3], $0x4000, $0x38;
	[tilespmem:$0x1BAC0] =	vst v63  }
0x29: {  	_ =	swait.ge [sflag:s17], $0x4000  }
0x2a: {  	[sflag:s17] =	ssyncset.done $0x0  }
0x2b: {  	[sflag:s17] =	ssyncadd.s32 $0xFFFFC000  }
0x2c: {  	[spmem:s7] =	stream.linear.scatter [tilespmem:s16], [sflag:$0x3], $0x4000, $0x38;
	[tilespmem:$0x1BAC0] =	vst v63  }
0x2d: {  	_ =	swait.ge [sflag:s17], $0x4000  }
0x2e: {  	[sflag:s17] =	ssyncset.done $0x0  }
0x2f: {  	[sflag:s17] =	ssyncadd.s32 $0xFFFFC000  }
0x30: {  	[spmem:s8] =	stream.linear.scatter [tilespmem:s16], [sflag:$0x3], $0x4000, $0x38;
	[tilespmem:$0x1BAC0] =	vst v63  }
0x31: {  	_ =	swait.ge [sflag:s17], $0x4000  }
0x32: {  	[sflag:s17] =	ssyncset.done $0x0  }
0x33: {  	[sflag:s17] =	ssyncadd.s32 $0xFFFFC000  }
0x34: {  	[spmem:s9] =	stream.linear.scatter [tilespmem:s16], [sflag:$0x3], $0x3800, $0x38;
	[tilespmem:$0x1BAC0] =	vst v63  }
0x35: {  	_ =	swait.ge [sflag:s17], $0x3800  }
0x36: {  	[sflag:s17] =	ssyncset.done $0x0  }
0x37: {  	s25 =	simm.s32 @!p0 $0x100;
	[sflag:s17] =	ssyncadd.s32 $0xFFFFC800  }
0x38: {  	[spmem:s10] =	stream.linear.scatter @!p0 [tilespmem:s25], [sflag:$0x3], $0xC00, $0x38;
	[tilespmem:$0x1BAC0] =	vst v63  }
0x39: {  	s25 =	simm.s32 @!p0 $0x3  }
0x3a: {  	_ =	swait.ge @!p0 [sflag:s25], $0xC00  }
0x3b: {  	[sflag:s25] =	ssyncset.done @!p0 $0x0  }
0x3c: {  	[sflag:s25] =	ssyncadd.s32 @!p0 $0xFFFFF400  }
0x3d: {  	s30 =	sadd.s32 $0x0, s14;
	[bflag:$0x0] =	sbarrier.arrive $0xFFFF  }
0x3e: {  	[tilespmem:s4], [sflag:$0x3] =	stream.linear.gather [hbm4b:s30+s4], $0x80, $0x38;
	[tilespmem:$0x1BAC0] =	vst v63  }
0x3f: {  	_ =	swait.ge [sflag:s17], $0x80  }
0x40: {  	[sflag:s17] =	ssyncset.done $0x0  }
0x41: {  	s26 =	sadd.s32 $0x0, s15;
	[sflag:s17] =	ssyncadd.s32 $0xFFFFFF80  }
0x42: {  	[tilespmem:s18], [sflag:$0x3] =	stream.linear.gather [hbm4b:s26+s4], $0x80, $0x38;
	[tilespmem:$0x1BAC0] =	vst v63  }
0x43: {  	_ =	swait.ge [sflag:s17], $0x80  }
0x44: {  	[sflag:s17] =	ssyncset.done $0x0  }
0x45: {  	[sflag:s17] =	ssyncadd.s32 $0xFFFFFF80  }
0x46: {  	[tilespmem:s16], [sflag:$0x1] =	stream.indirect.gather [hbm4b:s1+s18], $0x80, s4, s18, $0xb8;
	[tilespmem:$0x1BAC0] =	vst v63  }
0x47: {  	s25 =	sadd.s32 $0x10, s30  }
0x48: {  	[tilespmem:s19], [sflag:$0x3] =	stream.linear.gather [hbm4b:s25+s4], $0x80, $0x38;
	[tilespmem:$0x1BAC0] =	vst v63  }
0x49: {  	_ =	swait.ge [sflag:s17], $0x80  }
0x4a: {  	[sflag:s17] =	ssyncset.done $0x0  }
0x4b: {  	s31 =	sadd.s32 $0x10, s26;
	[sflag:s17] =	ssyncadd.s32 $0xFFFFFF80  }
0x4c: {  	[tilespmem:s20], [sflag:$0x3] =	stream.linear.gather [hbm4b:s31+s4], $0x80, $0x38;
	[tilespmem:$0x1BAC0] =	vst v63  }
0x4d: {  	_ =	swait.ge [sflag:s17], $0x80  }
0x4e: {  	[sflag:s17] =	ssyncset.done $0x0  }
0x4f: {  	[sflag:s17] =	ssyncadd.s32 $0xFFFFFF80  }
0x50: {  	[tilespmem:s21], [sflag:$0x2] =	stream.indirect.gather [hbm4b:s1+s18], $0x80, s19, s18, $0xb8;
	[tilespmem:$0x1BAC0] =	vst v63  }
0x51: {  	_ =	swait.ge [sflag:s22], $0x4000  }
0x52: {  	[sflag:s22] =	ssyncset.done $0x0  }
0x53: {  	[sflag:s22] =	ssyncadd.s32 $0xFFFFC000  }
0x54: {  	[spmem:s3] =	stream.indirect.scatter.add.f32 [tilespmem:s16], [sflag:$0x3], $0x80, s18, s18, $0xb8;
	[tilespmem:$0x1BAC0] =	vst v63  }
0x55: {  	_ =	swait.ge [sflag:s17], $0x4000  }
0x56: {  	[sflag:s17] =	ssyncset.done $0x0  }
0x57: {  	[sflag:s17] =	ssyncadd.s32 $0xFFFFC000  }
0x58: {  	_ =	swait.ge [sflag:s23], $0x4000  }
0x59: {  	[sflag:s23] =	ssyncset.done $0x0  }
0x5a: {  	[sflag:s23] =	ssyncadd.s32 $0xFFFFC000  }
0x5b: {  	[spmem:s3] =	stream.indirect.scatter.add.f32 [tilespmem:s21], [sflag:$0x3], $0x80, s20, s18, $0xb8;
	[tilespmem:$0x1BAC0] =	vst v63  }
0x5c: {  	_ =	swait.ge [sflag:s17], $0x4000  }
0x5d: {  	s28 =	simm.s32 $0x40;
	s25 =	simm.s32 $0x20;
	[sflag:s17] =	ssyncset.done $0x0  }
.LBB2_4:
0x5e: {  	s29 =	sadd.s32 s25, s14  }
0x5f: {  	[sflag:s17] =	ssyncadd.s32 $0xFFFFC000;
	s30 =	smov.u32 s28;
	s26 =	sadd.s32 $0x20, s28  }
0x60: {  	[tilespmem:s4], [sflag:$0x3] =	stream.linear.gather [hbm4b:s29+s4], $0x80, $0x38;
	[tilespmem:$0x1BAC0] =	vst v63  }
0x61: {  	p1 =	sne.s32 s28, $0x4E0;
	_ =	swait.ge [sflag:s17], $0x80  }
0x62: {  	[sflag:s17] =	ssyncset.done $0x0  }
0x63: {  	s28 =	sadd.s32 s25, s15;
	s25 =	smov.u32 s30;
	[sflag:s17] =	ssyncadd.s32 $0xFFFFFF80  }
0x64: {  	[tilespmem:s18], [sflag:$0x3] =	stream.linear.gather [hbm4b:s28+s4], $0x80, $0x38;
	[tilespmem:$0x1BAC0] =	vst v63  }
0x65: {  	_ =	swait.ge [sflag:s17], $0x80  }
0x66: {  	[sflag:s17] =	ssyncset.done $0x0  }
0x67: {  	[sflag:s17] =	ssyncadd.s32 $0xFFFFFF80  }
0x68: {  	[tilespmem:s16], [sflag:$0x1] =	stream.indirect.gather [hbm4b:s1+s18], $0x80, s4, s18, $0xb8;
	[tilespmem:$0x1BAC0] =	vst v63  }
0x69: {  	s29 =	sadd.s32 $0x10, s29  }
0x6a: {  	[tilespmem:s19], [sflag:$0x3] =	stream.linear.gather [hbm4b:s29+s4], $0x80, $0x38;
	[tilespmem:$0x1BAC0] =	vst v63  }
0x6b: {  	_ =	swait.ge [sflag:s17], $0x80  }
0x6c: {  	[sflag:s17] =	ssyncset.done $0x0  }
0x6d: {  	s28 =	sadd.s32 $0x10, s28;
	[sflag:s17] =	ssyncadd.s32 $0xFFFFFF80  }
0x6e: {  	[tilespmem:s20], [sflag:$0x3] =	stream.linear.gather [hbm4b:s28+s4], $0x80, $0x38;
	[tilespmem:$0x1BAC0] =	vst v63  }
0x6f: {  	_ =	swait.ge [sflag:s17], $0x80  }
0x70: {  	[sflag:s17] =	ssyncset.done $0x0  }
0x71: {  	[sflag:s17] =	ssyncadd.s32 $0xFFFFFF80  }
0x72: {  	[tilespmem:s21], [sflag:$0x2] =	stream.indirect.gather [hbm4b:s1+s18], $0x80, s19, s18, $0xb8;
	[tilespmem:$0x1BAC0] =	vst v63  }
0x73: {  	_ =	swait.ge [sflag:s22], $0x4000  }
0x74: {  	[sflag:s22] =	ssyncset.done $0x0  }
0x75: {  	[sflag:s22] =	ssyncadd.s32 $0xFFFFC000  }
0x76: {  	[spmem:s3] =	stream.indirect.scatter.add.f32 [tilespmem:s16], [sflag:$0x3], $0x80, s18, s18, $0xb8;
	[tilespmem:$0x1BAC0] =	vst v63  }
0x77: {  	_ =	swait.ge [sflag:s17], $0x4000  }
0x78: {  	[sflag:s17] =	ssyncset.done $0x0  }
0x79: {  	[sflag:s17] =	ssyncadd.s32 $0xFFFFC000  }
0x7a: {  	_ =	swait.ge [sflag:s23], $0x4000  }
.Ltmp1:
0x7b: {  	[sflag:s23] =	ssyncset.done $0x0;
	(pc) =	sbr.rel @p1 .LBB2_4-.Ltmp1, $4  }
0x7c: {  	[sflag:s23] =	ssyncadd.s32 $0xFFFFC000  }
0x7d: {  	[spmem:s3] =	stream.indirect.scatter.add.f32 [tilespmem:s21], [sflag:$0x3], $0x80, s20, s18, $0xb8;
	[tilespmem:$0x1BAC0] =	vst v63  }
0x7e: {  	_ =	swait.ge [sflag:s17], $0x4000  }
0x7f: {  	s28 =	smov.u32 s26;
	[sflag:s17] =	ssyncset.done $0x0  }
0x80: {  	s26 =	sadd.s32 s25, s14;
	[sflag:s17] =	ssyncadd.s32 $0xFFFFC000  }
0x81: {  	[tilespmem:s4], [sflag:$0x3] =	stream.linear.gather [hbm4b:s26+s4], $0x80, $0x38;
	[tilespmem:$0x1BAC0] =	vst v63  }
0x82: {  	_ =	swait.ge [sflag:s17], $0x80  }
0x83: {  	[sflag:s17] =	ssyncset.done $0x0  }
0x84: {  	s29 =	sadd.s32 s25, s15;
	[sflag:s17] =	ssyncadd.s32 $0xFFFFFF80  }
0x85: {  	[tilespmem:s18], [sflag:$0x3] =	stream.linear.gather [hbm4b:s29+s4], $0x80, $0x38;
	[tilespmem:$0x1BAC0] =	vst v63  }
0x86: {  	_ =	swait.ge [sflag:s17], $0x80  }
0x87: {  	[sflag:s17] =	ssyncset.done $0x0  }
0x88: {  	[sflag:s17] =	ssyncadd.s32 $0xFFFFFF80  }
0x89: {  	[tilespmem:s16], [sflag:$0x1] =	stream.indirect.gather [hbm4b:s1+s18], $0x80, s4, s18, $0xb8;
	[tilespmem:$0x1BAC0] =	vst v63  }
0x8a: {  	s26 =	sadd.s32 $0x10, s26  }
0x8b: {  	[tilespmem:s19], [sflag:$0x3] =	stream.linear.gather [hbm4b:s26+s4], $0x80, $0x38;
	[tilespmem:$0x1BAC0] =	vst v63  }
0x8c: {  	_ =	swait.ge [sflag:s17], $0x80  }
0x8d: {  	[sflag:s17] =	ssyncset.done $0x0  }
0x8e: {  	s25 =	sadd.s32 $0x10, s29;
	[sflag:s17] =	ssyncadd.s32 $0xFFFFFF80  }
0x8f: {  	[tilespmem:s20], [sflag:$0x3] =	stream.linear.gather [hbm4b:s25+s4], $0x80, $0x38;
	[tilespmem:$0x1BAC0] =	vst v63  }
0x90: {  	_ =	swait.ge [sflag:s17], $0x80  }
0x91: {  	[sflag:s17] =	ssyncset.done $0x0  }
0x92: {  	[sflag:s17] =	ssyncadd.s32 $0xFFFFFF80  }
0x93: {  	[tilespmem:s21], [sflag:$0x2] =	stream.indirect.gather [hbm4b:s1+s18], $0x80, s19, s18, $0xb8;
	[tilespmem:$0x1BAC0] =	vst v63  }
0x94: {  	_ =	swait.ge [sflag:s22], $0x4000  }
0x95: {  	[sflag:s22] =	ssyncset.done $0x0  }
0x96: {  	[sflag:s22] =	ssyncadd.s32 $0xFFFFC000  }
0x97: {  	[spmem:s3] =	stream.indirect.scatter.add.f32 [tilespmem:s16], [sflag:$0x3], $0x80, s18, s18, $0xb8;
	[tilespmem:$0x1BAC0] =	vst v63  }
0x98: {  	_ =	swait.ge [sflag:s17], $0x4000  }
0x99: {  	[sflag:s17] =	ssyncset.done $0x0  }
0x9a: {  	[sflag:s17] =	ssyncadd.s32 $0xFFFFC000  }
0x9b: {  	_ =	swait.ge [sflag:s23], $0x4000  }
0x9c: {  	[sflag:s23] =	ssyncset.done $0x0  }
0x9d: {  	[sflag:s23] =	ssyncadd.s32 $0xFFFFC000  }
0x9e: {  	[spmem:s3] =	stream.indirect.scatter.add.f32 [tilespmem:s21], [sflag:$0x3], $0x80, s20, s18, $0xb8;
	[tilespmem:$0x1BAC0] =	vst v63  }
0x9f: {  	_ =	swait.ge [sflag:s17], $0x4000  }
0xa0: {  	[sflag:s17] =	ssyncset.done $0x0  }
0xa1: {  	s30 =	sshll.u32 s0, $0x6;
	[sflag:s17] =	ssyncadd.s32 $0xFFFFC000  }
0xa2: {  	s31 =	sshrl.u32 s5, $0x3;
	s25 =	sor.u32 $0x1C03, s30;
	[bflag:$0x0] =	sbarrier.arrive $0xFFFF  }
0xa3: {  	[hbm:s11], [sflag:s25] =	dma.local [spmem:s31], $0x2700  }
0xa4: {  	_ =	swait.ge [sflag:s17], $0x2700  }
0xa5: {  	s24 =	sadd.s32 $0x1, s24;
	[sflag:s17] =	ssyncset.done $0x0  }
0xa6: {  	p1 =	sne.s32 s24, s13;
	s26 =	sshrl.u32 @!p0 s10, $0x3;
	[sflag:s17] =	ssyncadd.s32 $0xFFFFD900  }
0xa7: {  	[hbm:s12], [sflag:s25] =	dma.local @!p0 [spmem:s26], $0x100  }
.Ltmp2:
0xa8: {  	_ = 	snop;
	(pc) =	sbr.rel @p1 .LBB2_1-.Ltmp2, $4  }
0xa9: {  	s25 =	simm.s32 @!p0 $0x3  }
0xaa: {  	_ =	swait.ge @!p0 [sflag:s25], $0x100  }
0xab: {  	[sflag:s25] =	ssyncset.done @!p0 $0x0  }
0xac: {  	[sflag:s25] =	ssyncadd.s32 @!p0 $0xFFFFFF00  }
0xad: {  	_ =	sfence.sel $0x180000  }
0xae: {  	[bflag:$0x0] =	sbarrier.arrive $0xFFFF  }
0xaf: {  	p0 =	sne.s32 s0, $0x0;
	_ =	strace $0x90000053  }
0xb0: {  	s0 =	sadd.s32 @!p0 $0x100000, s2;
	[bflag:$0x2] =	sbarrier.arrive $0xFFFF  }
0xb1: {  	[sflag:s0] =	ssyncadd.tile.s32 @!p0 $0x1;
	_ =	shalt  }
.Lfunc_end2:
_tile_overlayer_lowered:
.L_overlay_start_2:
0xb2: {  	(tag) =	ssettag $0x2  }
0xb3: {  	s0 =	rddreg [dreg:$0x0];
	s2 =	stileid.u32  }
0xb4: {  	s1 =	rddreg [dreg:$0x1];
	p0 =	sne.s32 s2, $0x0  }
0xb5: {  	s3 =	rddreg [dreg:$0x2];
	[bflag:$0x3] =	sbarrier.arrive $0xFFFF;
	s2 =	simm.s32 @!p0 $0x1C03  }
0xb6: {  	[timem:s3], [sflag:s2] =	dma.local @!p0 [hbm:s0], s1  }
0xb7: {  	s0 =	simm.s32 @!p0 $0x3  }
0xb8: {  	_ =	swait.ge @!p0 [sflag:s0], s1  }
0xb9: {  	s1 =	ssub.s32 @!p0 $0x0, s1;
	[sflag:s0] =	ssyncset.done @!p0 $0x0  }
0xba: {  	[sflag:s0] =	ssyncadd.s32 @!p0 s1  }
0xbb: {  	[bflag:$0x3] =	sbarrier.arrive $0xFFFF  }
0xbc: {  	_ =	shalt  }

</sc_bundles>
